<compile_context>
chip_gen: v7x
topology: tpu7x:2x2x1
jax: 0.10.2.dev20260603
libtpu: 0.0.44.dev20260713+nightly
codegen_flags: <defaults>
</compile_context>

<pallas_src>
import jax
import jax.numpy as jnp
import numpy as np
from jax import lax
from jax.experimental import pallas as pl
from jax.experimental.pallas import tpu as pltpu
from jax.experimental.pallas import tpu_sc as plsc

_B = 128
_IMG = 3 * 224 * 224
_TOT = _B * _IMG
_NB_OP = 36
_PAD_OPS = 48
_NW = 32
_NG = _B // 16
_CHUNK = 25088
_NCHW = _TOT // (_NW * _CHUNK)
_GVECS = _CHUNK // _B
_BIG = np.float32(1e30)


def _op_tables():
    c = np.full(_PAD_OPS, -_BIG, np.float32)
    a2 = np.ones(_PAD_OPS, np.float32)
    b2 = np.zeros(_PAD_OPS, np.float32)
    lo = np.full(_PAD_OPS, -_BIG, np.float32)
    hi = np.full(_PAD_OPS, _BIG, np.float32)
    names = ["Identity", "Brightness", "Contrast", "Solarize"]
    for op in range(_NB_OP):
        name = names[op // 9]
        mag = (op % 9 + 1) / 10.0
        if name == "Brightness":
            b2[op] = np.float32(mag)
            lo[op], hi[op] = 0.0, 1.0
        elif name == "Contrast":
            a2[op] = np.float32(1.0 + mag)
            lo[op], hi[op] = 0.0, 1.0
        elif name == "Solarize":
            c[op] = np.float32(mag)
            a2[op] = -1.0
            b2[op] = 1.0
    return np.concatenate([c, a2, b2, lo, hi])


def _sc_body(g_hbm, u_hbm, tab_hbm, x_hbm, out_hbm,
             gbuf, ubuf, tbuf, pbuf, in0, in1, ou0, ou1,
             si0, si1, so0, so1):
    cid = lax.axis_index("c")
    sid = lax.axis_index("s")
    wid = sid * 2 + cid
    base = wid * _NCHW * _CHUNK

    def prime_in(t, p, ins, sis):
        pltpu.async_copy(x_hbm.at[pl.ds(base + t * _CHUNK, _CHUNK)], ins[p], sis[p])

    prime_in(0, 0, (in0, in1), (si0, si1))
    prime_in(1, 1, (in0, in1), (si0, si1))

    pltpu.sync_copy(g_hbm, gbuf)
    pltpu.sync_copy(u_hbm, ubuf)
    pltpu.sync_copy(tab_hbm, tbuf)

    neg = jnp.full((16,), -_BIG, jnp.float32)
    zero_i = jnp.zeros((16,), jnp.int32)
    init = [neg] * _NG + [zero_i] * _NG

    def samp(j, st):
        mval, midx = st[:_NG], st[_NG:]
        nmval, nmidx = [], []
        for g in range(_NG):
            v = gbuf[pl.ds(j * _B + g * 16, 16)]
            better = v > mval[g]
            nmval.append(jnp.where(better, v, mval[g]))
            nmidx.append(jnp.where(better, j, midx[g]))
        return nmval + nmidx

    st = lax.fori_loop(0, _NB_OP, samp, init)
    midx = st[_NG:]

    one = jnp.float32(1.0)
    for g in range(_NG):
        uo = plsc.load_gather(ubuf, [midx[g]])
        coin = uo < jnp.float32(0.5)
        c_v = jnp.where(coin, plsc.load_gather(tbuf, [midx[g]]), -_BIG)
        a2_v = jnp.where(coin, plsc.load_gather(tbuf, [midx[g] + 48]), one)
        b2_v = jnp.where(coin, plsc.load_gather(tbuf, [midx[g] + 96]),
                         jnp.float32(0.0))
        lo_v = jnp.where(coin, plsc.load_gather(tbuf, [midx[g] + 144]), -_BIG)
        hi_v = jnp.where(coin, plsc.load_gather(tbuf, [midx[g] + 192]), _BIG)
        pbuf[pl.ds(g * 80, 16)] = c_v
        pbuf[pl.ds(g * 80 + 16, 16)] = a2_v
        pbuf[pl.ds(g * 80 + 32, 16)] = b2_v
        pbuf[pl.ds(g * 80 + 48, 16)] = lo_v
        pbuf[pl.ds(g * 80 + 64, 16)] = hi_v

    ins = (in0, in1)
    ous = (ou0, ou1)
    sis = (si0, si1)
    sos = (so0, so1)

    def issue_in(t, p):
        pltpu.async_copy(x_hbm.at[pl.ds(base + t * _CHUNK, _CHUNK)], ins[p], sis[p])

    def issue_out(t, p):
        pltpu.async_copy(ous[p], out_hbm.at[pl.ds(base + t * _CHUNK, _CHUNK)], sos[p])

    def wait_in(p):
        pltpu.make_async_copy(x_hbm.at[pl.ds(0, _CHUNK)], ins[p], sis[p]).wait()

    def wait_out(p):
        pltpu.make_async_copy(ous[p], out_hbm.at[pl.ds(0, _CHUNK)], sos[p]).wait()

    def body(h, _):
        for p in (0, 1):
            t = 2 * h + p
            wait_in(p)

            @pl.when(t >= 2)
            def _():
                wait_out(p)

            inb, oub = ins[p], ous[p]
            for g in range(_NG):
                c_v = pbuf[pl.ds(g * 80, 16)]
                a2_v = pbuf[pl.ds(g * 80 + 16, 16)]
                b2_v = pbuf[pl.ds(g * 80 + 32, 16)]
                lo_v = pbuf[pl.ds(g * 80 + 48, 16)]
                hi_v = pbuf[pl.ds(g * 80 + 64, 16)]

                @plsc.parallel_loop(g * 16, g * 16 + _CHUNK, step=_B, unroll=7)
                def _(off):
                    xv = inb[pl.ds(off, 16)]
                    y = jnp.where(xv < c_v, xv, a2_v * xv + b2_v)
                    oub[pl.ds(off, 16)] = jnp.minimum(jnp.maximum(y, lo_v), hi_v)

            @pl.when(t < _NCHW - 2)
            def _():
                issue_in(t + 2, p)

            issue_out(t, p)
        return 0

    lax.fori_loop(0, _NCHW // 2, body, 0)
    wait_out(0)
    wait_out(1)


@jax.jit
def _run(x_flat, g, u, tab):
    mesh = plsc.VectorSubcoreMesh(core_axis_name="c", subcore_axis_name="s")
    f = pl.kernel(
        _sc_body,
        out_type=jax.ShapeDtypeStruct((_TOT,), jnp.float32),
        mesh=mesh,
        compiler_params=pltpu.CompilerParams(needs_layout_passes=False),
        scratch_types=[
            pltpu.VMEM((_NB_OP * _B,), jnp.float32),
            pltpu.VMEM((_PAD_OPS,), jnp.float32),
            pltpu.VMEM((5 * _PAD_OPS,), jnp.float32),
            pltpu.VMEM((_NG * 80,), jnp.float32),
            pltpu.VMEM((_CHUNK,), jnp.float32),
            pltpu.VMEM((_CHUNK,), jnp.float32),
            pltpu.VMEM((_CHUNK,), jnp.float32),
            pltpu.VMEM((_CHUNK,), jnp.float32),
            pltpu.SemaphoreType.DMA,
            pltpu.SemaphoreType.DMA,
            pltpu.SemaphoreType.DMA,
            pltpu.SemaphoreType.DMA,
        ],
    )
    return f(g, u, tab, x_flat)


def kernel(x):
    key = jax.random.key(1)
    k = jax.random.fold_in(key, 0)
    g = jax.random.gumbel(jax.random.fold_in(k, 0), (_B, _NB_OP), jnp.float32)
    u = jax.random.uniform(jax.random.fold_in(k, 1), (_NB_OP,), jnp.float32)
    g_opmajor = g.T.reshape(-1)
    u48 = jnp.concatenate(
        [u, jnp.ones((_PAD_OPS - _NB_OP,), jnp.float32)])
    tab = jnp.asarray(_op_tables())
    x_t = jnp.transpose(x, (1, 2, 3, 0))
    out = _run(x_t.reshape(-1), g_opmajor, u48, tab)
    return jnp.transpose(out.reshape(3, 224, 224, _B), (3, 0, 1, 2))

# --- scband reference (transcript-rebuilt; emitter-appended) ---
"""Pipeline reference for scband-rand-aug-uda-2173253452143 (READ-ONLY COPY).

The authoritative reference and input builder live on the scoring server;
editing this copy changes nothing except your own understanding.
"""

import jax, jax.numpy as jnp
import numpy as np

# ---- config mirroring RandAugUDA(__init__) ----
N_TF = 1                 # number of sequential TFs
PROB = 0.5               # fixed application probability (self._params['prob'])
PARAMETER_MAX = 1.0      # TF.PARAMETER_MAX -> mag param
TF_NAMES = ["Identity", "Brightness", "Contrast", "Solarize"]

# op_list: for tf in TFs: for mag in range(1, int(mag*10)): (tf, prob, mag/10)
OP_LIST = [(tf, PROB, m / 10.0) for tf in TF_NAMES for m in range(1, int(PARAMETER_MAX * 10))]
NB_OP = len(OP_LIST)  # 4 * 9 = 36


def _apply_tf(name, x, mag):
    if name == "Identity":
        return x
    if name == "Brightness":
        return jnp.clip(x + mag, 0.0, 1.0)
    if name == "Contrast":
        return jnp.clip(x * (1.0 + mag), 0.0, 1.0)
    if name == "Solarize":
        return jnp.where(x < mag, x, 1.0 - x)
    raise ValueError(name)


def setup_inputs(seed: int = 0) -> dict:
    key = jax.random.key(seed)
    x = jax.random.uniform(key, (128, 3, 224, 224), dtype=jnp.float32)
    return {"x": x}


def reference(x):
    # data_augmentation mode == True path of forward()
    batch_size = x.shape[0]
    key = jax.random.key(1)
    for step in range(N_TF):
        k = jax.random.fold_in(key, step)
        # uniform categorical over ops per batch element
        logits = jnp.zeros((batch_size, NB_OP), dtype=jnp.float32)
        sample = jax.random.categorical(jax.random.fold_in(k, 0), logits, axis=1)  # int[B]
        # per-op Bernoulli coin (TF.random.random() < prob), one global coin per op
        coins = jax.random.uniform(jax.random.fold_in(k, 1), (NB_OP,)) < PROB
        for op_idx in range(NB_OP):
            name, _prob, mag = OP_LIST[op_idx]
            mask = (sample == op_idx) & coins[op_idx]
            # x[mask] = tf(x[mask], mag) -> masked overwrite
            x = jnp.where(mask[:, None, None, None], _apply_tf(name, x, mag), x)
    return x

if __name__ == "__main__":
    import jax
    _d = setup_inputs()
    print(jax.jit(kernel)(*tuple(_d.values())))

</pallas_src>

<mosaic_0001>
#map = affine_map<(d0, d1) -> (0)>
module attributes {stable_mosaic.version = 14 : i64} {
  func.func @_sc_body(%arg0: i32, %arg1: i32, %arg2: memref<4608xf32, #tpu.memory_space<hbm>>, %arg3: memref<48xf32, #tpu.memory_space<hbm>>, %arg4: memref<240xf32, #tpu.memory_space<hbm>>, %arg5: memref<19267584xf32, #tpu.memory_space<hbm>>, %arg6: memref<19267584xf32, #tpu.memory_space<hbm>>, %arg7: memref<4608xf32, #tpu.memory_space<vmem>>, %arg8: memref<48xf32, #tpu.memory_space<vmem>>, %arg9: memref<240xf32, #tpu.memory_space<vmem>>, %arg10: memref<640xf32, #tpu.memory_space<vmem>>, %arg11: memref<25088xf32, #tpu.memory_space<vmem>>, %arg12: memref<25088xf32, #tpu.memory_space<vmem>>, %arg13: memref<25088xf32, #tpu.memory_space<vmem>>, %arg14: memref<25088xf32, #tpu.memory_space<vmem>>, %arg15: memref<!tpu.dma_semaphore, #tpu.memory_space<semaphore_mem>>, %arg16: memref<!tpu.dma_semaphore, #tpu.memory_space<semaphore_mem>>, %arg17: memref<!tpu.dma_semaphore, #tpu.memory_space<semaphore_mem>>, %arg18: memref<!tpu.dma_semaphore, #tpu.memory_space<semaphore_mem>>) attributes {dimension_semantics = [#tpu.dimension_semantics<core_parallel>, #tpu.dimension_semantics<subcore_parallel>], iteration_bounds = array<i64: 2, 16>, scalar_prefetch = 0 : i64, scratch_operands = 12 : i64, tpu.core_type = #tpu.core_type<sc_vector_subcore>, window_params = [{transform_indices = #map}, {transform_indices = #map}, {transform_indices = #map}, {transform_indices = #map}, {transform_indices = #map}]} {
    %mul3A = arith.constant 2 : i32
    %mul3A_0 = arith.muli %arg1, %mul3A : i32
    %add3A = arith.addi %mul3A_0, %arg0 : i32
    %mul3A_1 = arith.constant 24 : i32
    %mul3A_2 = arith.muli %add3A, %mul3A_1 : i32
    %mul3A_3 = arith.constant 25088 : i32
    %mul3A_4 = arith.muli %mul3A_2, %mul3A_3 : i32
    %add3A_5 = arith.constant 0 : i32
    %add3A_6 = arith.addi %mul3A_4, %add3A_5 : i32
    %dma_start3A = tpu.memref_slice %arg5[%add3A_6] : memref<19267584xf32, #tpu.memory_space<hbm>> -> memref<25088xf32, #tpu.memory_space<hbm>>
    %dma_start3A_7 = tpu.memref_slice %arg5[%add3A_6] : memref<19267584xf32, #tpu.memory_space<hbm>> -> memref<25088xf32, #tpu.memory_space<hbm>>
    tpu.enqueue_dma source(%dma_start3A_7 : memref<25088xf32, #tpu.memory_space<hbm>>) target(%arg11 : memref<25088xf32, #tpu.memory_space<vmem>>) target_semaphore(%arg15 : memref<!tpu.dma_semaphore, #tpu.memory_space<semaphore_mem>>)
    %add3A_8 = arith.constant 25088 : i32
    %add3A_9 = arith.addi %mul3A_4, %add3A_8 : i32
    %dma_start3A_10 = tpu.memref_slice %arg5[%add3A_9] : memref<19267584xf32, #tpu.memory_space<hbm>> -> memref<25088xf32, #tpu.memory_space<hbm>>
    %dma_start3A_11 = tpu.memref_slice %arg5[%add3A_9] : memref<19267584xf32, #tpu.memory_space<hbm>> -> memref<25088xf32, #tpu.memory_space<hbm>>
    tpu.enqueue_dma source(%dma_start3A_11 : memref<25088xf32, #tpu.memory_space<hbm>>) target(%arg12 : memref<25088xf32, #tpu.memory_space<vmem>>) target_semaphore(%arg16 : memref<!tpu.dma_semaphore, #tpu.memory_space<semaphore_mem>>)
    "tpu.region"() ({
      %run_scoped3A = tpu.sem_alloc : memref<!tpu.dma_semaphore, #tpu.memory_space<semaphore_mem>>
      tpu.enqueue_dma source(%arg2 : memref<4608xf32, #tpu.memory_space<hbm>>) target(%arg7 : memref<4608xf32, #tpu.memory_space<vmem>>) target_semaphore(%run_scoped3A : memref<!tpu.dma_semaphore, #tpu.memory_space<semaphore_mem>>)
      tpu.wait_dma2 semaphore(%run_scoped3A : memref<!tpu.dma_semaphore, #tpu.memory_space<semaphore_mem>>) src(%arg2 : memref<4608xf32, #tpu.memory_space<hbm>>) dst(%arg7 : memref<4608xf32, #tpu.memory_space<vmem>>)
      tpu.yield
    }) : () -> ()
    "tpu.region"() ({
      %run_scoped3A = tpu.sem_alloc : memref<!tpu.dma_semaphore, #tpu.memory_space<semaphore_mem>>
      tpu.enqueue_dma source(%arg3 : memref<48xf32, #tpu.memory_space<hbm>>) target(%arg8 : memref<48xf32, #tpu.memory_space<vmem>>) target_semaphore(%run_scoped3A : memref<!tpu.dma_semaphore, #tpu.memory_space<semaphore_mem>>)
      tpu.wait_dma2 semaphore(%run_scoped3A : memref<!tpu.dma_semaphore, #tpu.memory_space<semaphore_mem>>) src(%arg3 : memref<48xf32, #tpu.memory_space<hbm>>) dst(%arg8 : memref<48xf32, #tpu.memory_space<vmem>>)
      tpu.yield
    }) : () -> ()
    "tpu.region"() ({
      %run_scoped3A = tpu.sem_alloc : memref<!tpu.dma_semaphore, #tpu.memory_space<semaphore_mem>>
      tpu.enqueue_dma source(%arg4 : memref<240xf32, #tpu.memory_space<hbm>>) target(%arg9 : memref<240xf32, #tpu.memory_space<vmem>>) target_semaphore(%run_scoped3A : memref<!tpu.dma_semaphore, #tpu.memory_space<semaphore_mem>>)
      tpu.wait_dma2 semaphore(%run_scoped3A : memref<!tpu.dma_semaphore, #tpu.memory_space<semaphore_mem>>) src(%arg4 : memref<240xf32, #tpu.memory_space<hbm>>) dst(%arg9 : memref<240xf32, #tpu.memory_space<vmem>>)
      tpu.yield
    }) : () -> ()
    %broadcast_in_dim3A = arith.constant -1.000000e+30 : f32
    %broadcast_in_dim3A_12 = vector.broadcast %broadcast_in_dim3A : f32 to vector<16xf32>
    %broadcast_in_dim3A_13 = arith.constant 0 : i32
    %broadcast_in_dim3A_14 = vector.broadcast %broadcast_in_dim3A_13 : i32 to vector<16xi32>
    %scan3A = arith.constant 0 : i32
    %scan3A_15 = arith.constant 36 : i32
    %scan3A_16 = arith.addi %scan3A, %scan3A_15 : i32
    %scan3A_17 = arith.constant 1 : i32
    %scan3A_18:16 = scf.for %scan3A_397 = %scan3A to %scan3A_16 step %scan3A_17 iter_args(%scan3A_398 = %broadcast_in_dim3A_12, %scan3A_399 = %broadcast_in_dim3A_12, %scan3A_400 = %broadcast_in_dim3A_12, %scan3A_401 = %broadcast_in_dim3A_12, %scan3A_402 = %broadcast_in_dim3A_12, %scan3A_403 = %broadcast_in_dim3A_12, %scan3A_404 = %broadcast_in_dim3A_12, %scan3A_405 = %broadcast_in_dim3A_12, %scan3A_406 = %broadcast_in_dim3A_14, %scan3A_407 = %broadcast_in_dim3A_14, %scan3A_408 = %broadcast_in_dim3A_14, %scan3A_409 = %broadcast_in_dim3A_14, %scan3A_410 = %broadcast_in_dim3A_14, %scan3A_411 = %broadcast_in_dim3A_14, %scan3A_412 = %broadcast_in_dim3A_14, %scan3A_413 = %broadcast_in_dim3A_14) -> (vector<16xf32>, vector<16xf32>, vector<16xf32>, vector<16xf32>, vector<16xf32>, vector<16xf32>, vector<16xf32>, vector<16xf32>, vector<16xi32>, vector<16xi32>, vector<16xi32>, vector<16xi32>, vector<16xi32>, vector<16xi32>, vector<16xi32>, vector<16xi32>)  : i32 {
      %mul3A_414 = arith.constant 128 : i32
      %mul3A_415 = arith.muli %scan3A_397, %mul3A_414 : i32
      %add3A_416 = arith.constant 0 : i32
      %add3A_417 = arith.addi %mul3A_415, %add3A_416 : i32
      %get3A = arith.index_cast %add3A_417 : i32 to index
      %get3A_418 = tpu.vector_load %arg7[%get3A] {strides = array<i32>} : memref<4608xf32, #tpu.memory_space<vmem>>, vector<16xf32>,
      %gt3A = arith.cmpf ogt, %get3A_418, %scan3A_398 : vector<16xf32>
      %select_n3A_419 = arith.select %gt3A, %get3A_418, %scan3A_398 : vector<16xi1>, vector<16xf32>
      %broadcast_in_dim3A_420 = vector.broadcast %scan3A_397 : i32 to vector<16xi32>
      %select_n3A_421 = arith.select %gt3A, %broadcast_in_dim3A_420, %scan3A_406 : vector<16xi1>, vector<16xi32>
      %mul3A_422 = arith.constant 128 : i32
      %mul3A_423 = arith.muli %scan3A_397, %mul3A_422 : i32
      %add3A_424 = arith.constant 16 : i32
      %add3A_425 = arith.addi %mul3A_423, %add3A_424 : i32
      %get3A_426 = arith.index_cast %add3A_425 : i32 to index
      %get3A_427 = tpu.vector_load %arg7[%get3A_426] {strides = array<i32>} : memref<4608xf32, #tpu.memory_space<vmem>>, vector<16xf32>,
      %gt3A_428 = arith.cmpf ogt, %get3A_427, %scan3A_399 : vector<16xf32>
      %select_n3A_429 = arith.select %gt3A_428, %get3A_427, %scan3A_399 : vector<16xi1>, vector<16xf32>
      %broadcast_in_dim3A_430 = vector.broadcast %scan3A_397 : i32 to vector<16xi32>
      %select_n3A_431 = arith.select %gt3A_428, %broadcast_in_dim3A_430, %scan3A_407 : vector<16xi1>, vector<16xi32>
      %mul3A_432 = arith.constant 128 : i32
      %mul3A_433 = arith.muli %scan3A_397, %mul3A_432 : i32
      %add3A_434 = arith.constant 32 : i32
      %add3A_435 = arith.addi %mul3A_433, %add3A_434 : i32
      %get3A_436 = arith.index_cast %add3A_435 : i32 to index
      %get3A_437 = tpu.vector_load %arg7[%get3A_436] {strides = array<i32>} : memref<4608xf32, #tpu.memory_space<vmem>>, vector<16xf32>,
      %gt3A_438 = arith.cmpf ogt, %get3A_437, %scan3A_400 : vector<16xf32>
      %select_n3A_439 = arith.select %gt3A_438, %get3A_437, %scan3A_400 : vector<16xi1>, vector<16xf32>
      %broadcast_in_dim3A_440 = vector.broadcast %scan3A_397 : i32 to vector<16xi32>
      %select_n3A_441 = arith.select %gt3A_438, %broadcast_in_dim3A_440, %scan3A_408 : vector<16xi1>, vector<16xi32>
      %mul3A_442 = arith.constant 128 : i32
      %mul3A_443 = arith.muli %scan3A_397, %mul3A_442 : i32
      %add3A_444 = arith.constant 48 : i32
      %add3A_445 = arith.addi %mul3A_443, %add3A_444 : i32
      %get3A_446 = arith.index_cast %add3A_445 : i32 to index
      %get3A_447 = tpu.vector_load %arg7[%get3A_446] {strides = array<i32>} : memref<4608xf32, #tpu.memory_space<vmem>>, vector<16xf32>,
      %gt3A_448 = arith.cmpf ogt, %get3A_447, %scan3A_401 : vector<16xf32>
      %select_n3A_449 = arith.select %gt3A_448, %get3A_447, %scan3A_401 : vector<16xi1>, vector<16xf32>
      %broadcast_in_dim3A_450 = vector.broadcast %scan3A_397 : i32 to vector<16xi32>
      %select_n3A_451 = arith.select %gt3A_448, %broadcast_in_dim3A_450, %scan3A_409 : vector<16xi1>, vector<16xi32>
      %mul3A_452 = arith.constant 128 : i32
      %mul3A_453 = arith.muli %scan3A_397, %mul3A_452 : i32
      %add3A_454 = arith.constant 64 : i32
      %add3A_455 = arith.addi %mul3A_453, %add3A_454 : i32
      %get3A_456 = arith.index_cast %add3A_455 : i32 to index
      %get3A_457 = tpu.vector_load %arg7[%get3A_456] {strides = array<i32>} : memref<4608xf32, #tpu.memory_space<vmem>>, vector<16xf32>,
      %gt3A_458 = arith.cmpf ogt, %get3A_457, %scan3A_402 : vector<16xf32>
      %select_n3A_459 = arith.select %gt3A_458, %get3A_457, %scan3A_402 : vector<16xi1>, vector<16xf32>
      %broadcast_in_dim3A_460 = vector.broadcast %scan3A_397 : i32 to vector<16xi32>
      %select_n3A_461 = arith.select %gt3A_458, %broadcast_in_dim3A_460, %scan3A_410 : vector<16xi1>, vector<16xi32>
      %mul3A_462 = arith.constant 128 : i32
      %mul3A_463 = arith.muli %scan3A_397, %mul3A_462 : i32
      %add3A_464 = arith.constant 80 : i32
      %add3A_465 = arith.addi %mul3A_463, %add3A_464 : i32
      %get3A_466 = arith.index_cast %add3A_465 : i32 to index
      %get3A_467 = tpu.vector_load %arg7[%get3A_466] {strides = array<i32>} : memref<4608xf32, #tpu.memory_space<vmem>>, vector<16xf32>,
      %gt3A_468 = arith.cmpf ogt, %get3A_467, %scan3A_403 : vector<16xf32>
      %select_n3A_469 = arith.select %gt3A_468, %get3A_467, %scan3A_403 : vector<16xi1>, vector<16xf32>
      %broadcast_in_dim3A_470 = vector.broadcast %scan3A_397 : i32 to vector<16xi32>
      %select_n3A_471 = arith.select %gt3A_468, %broadcast_in_dim3A_470, %scan3A_411 : vector<16xi1>, vector<16xi32>
      %mul3A_472 = arith.constant 128 : i32
      %mul3A_473 = arith.muli %scan3A_397, %mul3A_472 : i32
      %add3A_474 = arith.constant 96 : i32
      %add3A_475 = arith.addi %mul3A_473, %add3A_474 : i32
      %get3A_476 = arith.index_cast %add3A_475 : i32 to index
      %get3A_477 = tpu.vector_load %arg7[%get3A_476] {strides = array<i32>} : memref<4608xf32, #tpu.memory_space<vmem>>, vector<16xf32>,
      %gt3A_478 = arith.cmpf ogt, %get3A_477, %scan3A_404 : vector<16xf32>
      %select_n3A_479 = arith.select %gt3A_478, %get3A_477, %scan3A_404 : vector<16xi1>, vector<16xf32>
      %broadcast_in_dim3A_480 = vector.broadcast %scan3A_397 : i32 to vector<16xi32>
      %select_n3A_481 = arith.select %gt3A_478, %broadcast_in_dim3A_480, %scan3A_412 : vector<16xi1>, vector<16xi32>
      %mul3A_482 = arith.constant 128 : i32
      %mul3A_483 = arith.muli %scan3A_397, %mul3A_482 : i32
      %add3A_484 = arith.constant 112 : i32
      %add3A_485 = arith.addi %mul3A_483, %add3A_484 : i32
      %get3A_486 = arith.index_cast %add3A_485 : i32 to index
      %get3A_487 = tpu.vector_load %arg7[%get3A_486] {strides = array<i32>} : memref<4608xf32, #tpu.memory_space<vmem>>, vector<16xf32>,
      %gt3A_488 = arith.cmpf ogt, %get3A_487, %scan3A_405 : vector<16xf32>
      %select_n3A_489 = arith.select %gt3A_488, %get3A_487, %scan3A_405 : vector<16xi1>, vector<16xf32>
      %broadcast_in_dim3A_490 = vector.broadcast %scan3A_397 : i32 to vector<16xi32>
      %select_n3A_491 = arith.select %gt3A_488, %broadcast_in_dim3A_490, %scan3A_413 : vector<16xi1>, vector<16xi32>
      scf.yield %select_n3A_419, %select_n3A_429, %select_n3A_439, %select_n3A_449, %select_n3A_459, %select_n3A_469, %select_n3A_479, %select_n3A_489, %select_n3A_421, %select_n3A_431, %select_n3A_441, %select_n3A_451, %select_n3A_461, %select_n3A_471, %select_n3A_481, %select_n3A_491 : vector<16xf32>, vector<16xf32>, vector<16xf32>, vector<16xf32>, vector<16xf32>, vector<16xf32>, vector<16xf32>, vector<16xf32>, vector<16xi32>, vector<16xi32>, vector<16xi32>, vector<16xi32>, vector<16xi32>, vector<16xi32>, vector<16xi32>, vector<16xi32>
    }
    %scan3A_19 = arith.constant 36 : i32
    %gather3A = tpu.vector_load_idx %arg8[%scan3A_18#8] : memref<48xf32, #tpu.memory_space<vmem>>[vector<16xi32>], vector<16xf32>,
    %lt3A = arith.constant 5.000000e-01 : f32
    %lt3A_20 = vector.broadcast %lt3A : f32 to vector<16xf32>
    %lt3A_21 = arith.cmpf olt, %gather3A, %lt3A_20 : vector<16xf32>
    %gather3A_22 = tpu.vector_load_idx %arg9[%scan3A_18#8] : memref<240xf32, #tpu.memory_space<vmem>>[vector<16xi32>], vector<16xf32>,
    %jit3A = arith.constant -1.000000e+30 : f32
    %broadcast_in_dim3A_23 = vector.broadcast %jit3A : f32 to vector<16xf32>
    %select_n3A = arith.select %lt3A_21, %gather3A_22, %broadcast_in_dim3A_23 : vector<16xi1>, vector<16xf32>
    %add3A_24 = arith.constant 48 : i32
    %add3A_25 = vector.broadcast %add3A_24 : i32 to vector<16xi32>
    %add3A_26 = arith.addi %scan3A_18#8, %add3A_25 : vector<16xi32>
    %gather3A_27 = tpu.vector_load_idx %arg9[%add3A_26] : memref<240xf32, #tpu.memory_space<vmem>>[vector<16xi32>], vector<16xf32>,
    %jit3A_28 = arith.constant 1.000000e+00 : f32
    %broadcast_in_dim3A_29 = vector.broadcast %jit3A_28 : f32 to vector<16xf32>
    %select_n3A_30 = arith.select %lt3A_21, %gather3A_27, %broadcast_in_dim3A_29 : vector<16xi1>, vector<16xf32>
    %add3A_31 = arith.constant 96 : i32
    %add3A_32 = vector.broadcast %add3A_31 : i32 to vector<16xi32>
    %add3A_33 = arith.addi %scan3A_18#8, %add3A_32 : vector<16xi32>
    %gather3A_34 = tpu.vector_load_idx %arg9[%add3A_33] : memref<240xf32, #tpu.memory_space<vmem>>[vector<16xi32>], vector<16xf32>,
    %jit3A_35 = arith.constant 0.000000e+00 : f32
    %broadcast_in_dim3A_36 = vector.broadcast %jit3A_35 : f32 to vector<16xf32>
    %select_n3A_37 = arith.select %lt3A_21, %gather3A_34, %broadcast_in_dim3A_36 : vector<16xi1>, vector<16xf32>
    %add3A_38 = arith.constant 144 : i32
    %add3A_39 = vector.broadcast %add3A_38 : i32 to vector<16xi32>
    %add3A_40 = arith.addi %scan3A_18#8, %add3A_39 : vector<16xi32>
    %gather3A_41 = tpu.vector_load_idx %arg9[%add3A_40] : memref<240xf32, #tpu.memory_space<vmem>>[vector<16xi32>], vector<16xf32>,
    %jit3A_42 = arith.constant -1.000000e+30 : f32
    %broadcast_in_dim3A_43 = vector.broadcast %jit3A_42 : f32 to vector<16xf32>
    %select_n3A_44 = arith.select %lt3A_21, %gather3A_41, %broadcast_in_dim3A_43 : vector<16xi1>, vector<16xf32>
    %add3A_45 = arith.constant 192 : i32
    %add3A_46 = vector.broadcast %add3A_45 : i32 to vector<16xi32>
    %add3A_47 = arith.addi %scan3A_18#8, %add3A_46 : vector<16xi32>
    %gather3A_48 = tpu.vector_load_idx %arg9[%add3A_47] : memref<240xf32, #tpu.memory_space<vmem>>[vector<16xi32>], vector<16xf32>,
    %jit3A_49 = arith.constant 1.000000e+30 : f32
    %broadcast_in_dim3A_50 = vector.broadcast %jit3A_49 : f32 to vector<16xf32>
    %select_n3A_51 = arith.select %lt3A_21, %gather3A_48, %broadcast_in_dim3A_50 : vector<16xi1>, vector<16xf32>
    %swap3A = arith.constant 0 : index
    %swap3A_52 = tpu.vector_load %arg10[%swap3A] {strides = array<i32>} : memref<640xf32, #tpu.memory_space<vmem>>, vector<16xf32>,
    tpu.vector_store %arg10[%swap3A], %select_n3A {strides = array<i32>} : memref<640xf32, #tpu.memory_space<vmem>>, vector<16xf32>,
    %swap3A_53 = arith.constant 16 : index
    %swap3A_54 = tpu.vector_load %arg10[%swap3A_53] {strides = array<i32>} : memref<640xf32, #tpu.memory_space<vmem>>, vector<16xf32>,
    tpu.vector_store %arg10[%swap3A_53], %select_n3A_30 {strides = array<i32>} : memref<640xf32, #tpu.memory_space<vmem>>, vector<16xf32>,
    %swap3A_55 = arith.constant 32 : index
    %swap3A_56 = tpu.vector_load %arg10[%swap3A_55] {strides = array<i32>} : memref<640xf32, #tpu.memory_space<vmem>>, vector<16xf32>,
    tpu.vector_store %arg10[%swap3A_55], %select_n3A_37 {strides = array<i32>} : memref<640xf32, #tpu.memory_space<vmem>>, vector<16xf32>,
    %swap3A_57 = arith.constant 48 : index
    %swap3A_58 = tpu.vector_load %arg10[%swap3A_57] {strides = array<i32>} : memref<640xf32, #tpu.memory_space<vmem>>, vector<16xf32>,
    tpu.vector_store %arg10[%swap3A_57], %select_n3A_44 {strides = array<i32>} : memref<640xf32, #tpu.memory_space<vmem>>, vector<16xf32>,
    %swap3A_59 = arith.constant 64 : index
    %swap3A_60 = tpu.vector_load %arg10[%swap3A_59] {strides = array<i32>} : memref<640xf32, #tpu.memory_space<vmem>>, vector<16xf32>,
    tpu.vector_store %arg10[%swap3A_59], %select_n3A_51 {strides = array<i32>} : memref<640xf32, #tpu.memory_space<vmem>>, vector<16xf32>,
    %gather3A_61 = tpu.vector_load_idx %arg8[%scan3A_18#9] : memref<48xf32, #tpu.memory_space<vmem>>[vector<16xi32>], vector<16xf32>,
    %lt3A_62 = arith.constant 5.000000e-01 : f32
    %lt3A_63 = vector.broadcast %lt3A_62 : f32 to vector<16xf32>
    %lt3A_64 = arith.cmpf olt, %gather3A_61, %lt3A_63 : vector<16xf32>
    %gather3A_65 = tpu.vector_load_idx %arg9[%scan3A_18#9] : memref<240xf32, #tpu.memory_space<vmem>>[vector<16xi32>], vector<16xf32>,
    %jit3A_66 = arith.constant -1.000000e+30 : f32
    %broadcast_in_dim3A_67 = vector.broadcast %jit3A_66 : f32 to vector<16xf32>
    %select_n3A_68 = arith.select %lt3A_64, %gather3A_65, %broadcast_in_dim3A_67 : vector<16xi1>, vector<16xf32>
    %add3A_69 = arith.constant 48 : i32
    %add3A_70 = vector.broadcast %add3A_69 : i32 to vector<16xi32>
    %add3A_71 = arith.addi %scan3A_18#9, %add3A_70 : vector<16xi32>
    %gather3A_72 = tpu.vector_load_idx %arg9[%add3A_71] : memref<240xf32, #tpu.memory_space<vmem>>[vector<16xi32>], vector<16xf32>,
    %jit3A_73 = arith.constant 1.000000e+00 : f32
    %broadcast_in_dim3A_74 = vector.broadcast %jit3A_73 : f32 to vector<16xf32>
    %select_n3A_75 = arith.select %lt3A_64, %gather3A_72, %broadcast_in_dim3A_74 : vector<16xi1>, vector<16xf32>
    %add3A_76 = arith.constant 96 : i32
    %add3A_77 = vector.broadcast %add3A_76 : i32 to vector<16xi32>
    %add3A_78 = arith.addi %scan3A_18#9, %add3A_77 : vector<16xi32>
    %gather3A_79 = tpu.vector_load_idx %arg9[%add3A_78] : memref<240xf32, #tpu.memory_space<vmem>>[vector<16xi32>], vector<16xf32>,
    %jit3A_80 = arith.constant 0.000000e+00 : f32
    %broadcast_in_dim3A_81 = vector.broadcast %jit3A_80 : f32 to vector<16xf32>
    %select_n3A_82 = arith.select %lt3A_64, %gather3A_79, %broadcast_in_dim3A_81 : vector<16xi1>, vector<16xf32>
    %add3A_83 = arith.constant 144 : i32
    %add3A_84 = vector.broadcast %add3A_83 : i32 to vector<16xi32>
    %add3A_85 = arith.addi %scan3A_18#9, %add3A_84 : vector<16xi32>
    %gather3A_86 = tpu.vector_load_idx %arg9[%add3A_85] : memref<240xf32, #tpu.memory_space<vmem>>[vector<16xi32>], vector<16xf32>,
    %jit3A_87 = arith.constant -1.000000e+30 : f32
    %broadcast_in_dim3A_88 = vector.broadcast %jit3A_87 : f32 to vector<16xf32>
    %select_n3A_89 = arith.select %lt3A_64, %gather3A_86, %broadcast_in_dim3A_88 : vector<16xi1>, vector<16xf32>
    %add3A_90 = arith.constant 192 : i32
    %add3A_91 = vector.broadcast %add3A_90 : i32 to vector<16xi32>
    %add3A_92 = arith.addi %scan3A_18#9, %add3A_91 : vector<16xi32>
    %gather3A_93 = tpu.vector_load_idx %arg9[%add3A_92] : memref<240xf32, #tpu.memory_space<vmem>>[vector<16xi32>], vector<16xf32>,
    %jit3A_94 = arith.constant 1.000000e+30 : f32
    %broadcast_in_dim3A_95 = vector.broadcast %jit3A_94 : f32 to vector<16xf32>
    %select_n3A_96 = arith.select %lt3A_64, %gather3A_93, %broadcast_in_dim3A_95 : vector<16xi1>, vector<16xf32>
    %swap3A_97 = arith.constant 80 : index
    %swap3A_98 = tpu.vector_load %arg10[%swap3A_97] {strides = array<i32>} : memref<640xf32, #tpu.memory_space<vmem>>, vector<16xf32>,
    tpu.vector_store %arg10[%swap3A_97], %select_n3A_68 {strides = array<i32>} : memref<640xf32, #tpu.memory_space<vmem>>, vector<16xf32>,
    %swap3A_99 = arith.constant 96 : index
    %swap3A_100 = tpu.vector_load %arg10[%swap3A_99] {strides = array<i32>} : memref<640xf32, #tpu.memory_space<vmem>>, vector<16xf32>,
    tpu.vector_store %arg10[%swap3A_99], %select_n3A_75 {strides = array<i32>} : memref<640xf32, #tpu.memory_space<vmem>>, vector<16xf32>,
    %swap3A_101 = arith.constant 112 : index
    %swap3A_102 = tpu.vector_load %arg10[%swap3A_101] {strides = array<i32>} : memref<640xf32, #tpu.memory_space<vmem>>, vector<16xf32>,
    tpu.vector_store %arg10[%swap3A_101], %select_n3A_82 {strides = array<i32>} : memref<640xf32, #tpu.memory_space<vmem>>, vector<16xf32>,
    %swap3A_103 = arith.constant 128 : index
    %swap3A_104 = tpu.vector_load %arg10[%swap3A_103] {strides = array<i32>} : memref<640xf32, #tpu.memory_space<vmem>>, vector<16xf32>,
    tpu.vector_store %arg10[%swap3A_103], %select_n3A_89 {strides = array<i32>} : memref<640xf32, #tpu.memory_space<vmem>>, vector<16xf32>,
    %swap3A_105 = arith.constant 144 : index
    %swap3A_106 = tpu.vector_load %arg10[%swap3A_105] {strides = array<i32>} : memref<640xf32, #tpu.memory_space<vmem>>, vector<16xf32>,
    tpu.vector_store %arg10[%swap3A_105], %select_n3A_96 {strides = array<i32>} : memref<640xf32, #tpu.memory_space<vmem>>, vector<16xf32>,
    %gather3A_107 = tpu.vector_load_idx %arg8[%scan3A_18#10] : memref<48xf32, #tpu.memory_space<vmem>>[vector<16xi32>], vector<16xf32>,
    %lt3A_108 = arith.constant 5.000000e-01 : f32
    %lt3A_109 = vector.broadcast %lt3A_108 : f32 to vector<16xf32>
    %lt3A_110 = arith.cmpf olt, %gather3A_107, %lt3A_109 : vector<16xf32>
    %gather3A_111 = tpu.vector_load_idx %arg9[%scan3A_18#10] : memref<240xf32, #tpu.memory_space<vmem>>[vector<16xi32>], vector<16xf32>,
    %jit3A_112 = arith.constant -1.000000e+30 : f32
    %broadcast_in_dim3A_113 = vector.broadcast %jit3A_112 : f32 to vector<16xf32>
    %select_n3A_114 = arith.select %lt3A_110, %gather3A_111, %broadcast_in_dim3A_113 : vector<16xi1>, vector<16xf32>
    %add3A_115 = arith.constant 48 : i32
    %add3A_116 = vector.broadcast %add3A_115 : i32 to vector<16xi32>
    %add3A_117 = arith.addi %scan3A_18#10, %add3A_116 : vector<16xi32>
    %gather3A_118 = tpu.vector_load_idx %arg9[%add3A_117] : memref<240xf32, #tpu.memory_space<vmem>>[vector<16xi32>], vector<16xf32>,
    %jit3A_119 = arith.constant 1.000000e+00 : f32
    %broadcast_in_dim3A_120 = vector.broadcast %jit3A_119 : f32 to vector<16xf32>
    %select_n3A_121 = arith.select %lt3A_110, %gather3A_118, %broadcast_in_dim3A_120 : vector<16xi1>, vector<16xf32>
    %add3A_122 = arith.constant 96 : i32
    %add3A_123 = vector.broadcast %add3A_122 : i32 to vector<16xi32>
    %add3A_124 = arith.addi %scan3A_18#10, %add3A_123 : vector<16xi32>
    %gather3A_125 = tpu.vector_load_idx %arg9[%add3A_124] : memref<240xf32, #tpu.memory_space<vmem>>[vector<16xi32>], vector<16xf32>,
    %jit3A_126 = arith.constant 0.000000e+00 : f32
    %broadcast_in_dim3A_127 = vector.broadcast %jit3A_126 : f32 to vector<16xf32>
    %select_n3A_128 = arith.select %lt3A_110, %gather3A_125, %broadcast_in_dim3A_127 : vector<16xi1>, vector<16xf32>
    %add3A_129 = arith.constant 144 : i32
    %add3A_130 = vector.broadcast %add3A_129 : i32 to vector<16xi32>
    %add3A_131 = arith.addi %scan3A_18#10, %add3A_130 : vector<16xi32>
    %gather3A_132 = tpu.vector_load_idx %arg9[%add3A_131] : memref<240xf32, #tpu.memory_space<vmem>>[vector<16xi32>], vector<16xf32>,
    %jit3A_133 = arith.constant -1.000000e+30 : f32
    %broadcast_in_dim3A_134 = vector.broadcast %jit3A_133 : f32 to vector<16xf32>
    %select_n3A_135 = arith.select %lt3A_110, %gather3A_132, %broadcast_in_dim3A_134 : vector<16xi1>, vector<16xf32>
    %add3A_136 = arith.constant 192 : i32
    %add3A_137 = vector.broadcast %add3A_136 : i32 to vector<16xi32>
    %add3A_138 = arith.addi %scan3A_18#10, %add3A_137 : vector<16xi32>
    %gather3A_139 = tpu.vector_load_idx %arg9[%add3A_138] : memref<240xf32, #tpu.memory_space<vmem>>[vector<16xi32>], vector<16xf32>,
    %jit3A_140 = arith.constant 1.000000e+30 : f32
    %broadcast_in_dim3A_141 = vector.broadcast %jit3A_140 : f32 to vector<16xf32>
    %select_n3A_142 = arith.select %lt3A_110, %gather3A_139, %broadcast_in_dim3A_141 : vector<16xi1>, vector<16xf32>
    %swap3A_143 = arith.constant 160 : index
    %swap3A_144 = tpu.vector_load %arg10[%swap3A_143] {strides = array<i32>} : memref<640xf32, #tpu.memory_space<vmem>>, vector<16xf32>,
    tpu.vector_store %arg10[%swap3A_143], %select_n3A_114 {strides = array<i32>} : memref<640xf32, #tpu.memory_space<vmem>>, vector<16xf32>,
    %swap3A_145 = arith.constant 176 : index
    %swap3A_146 = tpu.vector_load %arg10[%swap3A_145] {strides = array<i32>} : memref<640xf32, #tpu.memory_space<vmem>>, vector<16xf32>,
    tpu.vector_store %arg10[%swap3A_145], %select_n3A_121 {strides = array<i32>} : memref<640xf32, #tpu.memory_space<vmem>>, vector<16xf32>,
    %swap3A_147 = arith.constant 192 : index
    %swap3A_148 = tpu.vector_load %arg10[%swap3A_147] {strides = array<i32>} : memref<640xf32, #tpu.memory_space<vmem>>, vector<16xf32>,
    tpu.vector_store %arg10[%swap3A_147], %select_n3A_128 {strides = array<i32>} : memref<640xf32, #tpu.memory_space<vmem>>, vector<16xf32>,
    %swap3A_149 = arith.constant 208 : index
    %swap3A_150 = tpu.vector_load %arg10[%swap3A_149] {strides = array<i32>} : memref<640xf32, #tpu.memory_space<vmem>>, vector<16xf32>,
    tpu.vector_store %arg10[%swap3A_149], %select_n3A_135 {strides = array<i32>} : memref<640xf32, #tpu.memory_space<vmem>>, vector<16xf32>,
    %swap3A_151 = arith.constant 224 : index
    %swap3A_152 = tpu.vector_load %arg10[%swap3A_151] {strides = array<i32>} : memref<640xf32, #tpu.memory_space<vmem>>, vector<16xf32>,
    tpu.vector_store %arg10[%swap3A_151], %select_n3A_142 {strides = array<i32>} : memref<640xf32, #tpu.memory_space<vmem>>, vector<16xf32>,
    %gather3A_153 = tpu.vector_load_idx %arg8[%scan3A_18#11] : memref<48xf32, #tpu.memory_space<vmem>>[vector<16xi32>], vector<16xf32>,
    %lt3A_154 = arith.constant 5.000000e-01 : f32
    %lt3A_155 = vector.broadcast %lt3A_154 : f32 to vector<16xf32>
    %lt3A_156 = arith.cmpf olt, %gather3A_153, %lt3A_155 : vector<16xf32>
    %gather3A_157 = tpu.vector_load_idx %arg9[%scan3A_18#11] : memref<240xf32, #tpu.memory_space<vmem>>[vector<16xi32>], vector<16xf32>,
    %jit3A_158 = arith.constant -1.000000e+30 : f32
    %broadcast_in_dim3A_159 = vector.broadcast %jit3A_158 : f32 to vector<16xf32>
    %select_n3A_160 = arith.select %lt3A_156, %gather3A_157, %broadcast_in_dim3A_159 : vector<16xi1>, vector<16xf32>
    %add3A_161 = arith.constant 48 : i32
    %add3A_162 = vector.broadcast %add3A_161 : i32 to vector<16xi32>
    %add3A_163 = arith.addi %scan3A_18#11, %add3A_162 : vector<16xi32>
    %gather3A_164 = tpu.vector_load_idx %arg9[%add3A_163] : memref<240xf32, #tpu.memory_space<vmem>>[vector<16xi32>], vector<16xf32>,
    %jit3A_165 = arith.constant 1.000000e+00 : f32
    %broadcast_in_dim3A_166 = vector.broadcast %jit3A_165 : f32 to vector<16xf32>
    %select_n3A_167 = arith.select %lt3A_156, %gather3A_164, %broadcast_in_dim3A_166 : vector<16xi1>, vector<16xf32>
    %add3A_168 = arith.constant 96 : i32
    %add3A_169 = vector.broadcast %add3A_168 : i32 to vector<16xi32>
    %add3A_170 = arith.addi %scan3A_18#11, %add3A_169 : vector<16xi32>
    %gather3A_171 = tpu.vector_load_idx %arg9[%add3A_170] : memref<240xf32, #tpu.memory_space<vmem>>[vector<16xi32>], vector<16xf32>,
    %jit3A_172 = arith.constant 0.000000e+00 : f32
    %broadcast_in_dim3A_173 = vector.broadcast %jit3A_172 : f32 to vector<16xf32>
    %select_n3A_174 = arith.select %lt3A_156, %gather3A_171, %broadcast_in_dim3A_173 : vector<16xi1>, vector<16xf32>
    %add3A_175 = arith.constant 144 : i32
    %add3A_176 = vector.broadcast %add3A_175 : i32 to vector<16xi32>
    %add3A_177 = arith.addi %scan3A_18#11, %add3A_176 : vector<16xi32>
    %gather3A_178 = tpu.vector_load_idx %arg9[%add3A_177] : memref<240xf32, #tpu.memory_space<vmem>>[vector<16xi32>], vector<16xf32>,
    %jit3A_179 = arith.constant -1.000000e+30 : f32
    %broadcast_in_dim3A_180 = vector.broadcast %jit3A_179 : f32 to vector<16xf32>
    %select_n3A_181 = arith.select %lt3A_156, %gather3A_178, %broadcast_in_dim3A_180 : vector<16xi1>, vector<16xf32>
    %add3A_182 = arith.constant 192 : i32
    %add3A_183 = vector.broadcast %add3A_182 : i32 to vector<16xi32>
    %add3A_184 = arith.addi %scan3A_18#11, %add3A_183 : vector<16xi32>
    %gather3A_185 = tpu.vector_load_idx %arg9[%add3A_184] : memref<240xf32, #tpu.memory_space<vmem>>[vector<16xi32>], vector<16xf32>,
    %jit3A_186 = arith.constant 1.000000e+30 : f32
    %broadcast_in_dim3A_187 = vector.broadcast %jit3A_186 : f32 to vector<16xf32>
    %select_n3A_188 = arith.select %lt3A_156, %gather3A_185, %broadcast_in_dim3A_187 : vector<16xi1>, vector<16xf32>
    %swap3A_189 = arith.constant 240 : index
    %swap3A_190 = tpu.vector_load %arg10[%swap3A_189] {strides = array<i32>} : memref<640xf32, #tpu.memory_space<vmem>>, vector<16xf32>,
    tpu.vector_store %arg10[%swap3A_189], %select_n3A_160 {strides = array<i32>} : memref<640xf32, #tpu.memory_space<vmem>>, vector<16xf32>,
    %swap3A_191 = arith.constant 256 : index
    %swap3A_192 = tpu.vector_load %arg10[%swap3A_191] {strides = array<i32>} : memref<640xf32, #tpu.memory_space<vmem>>, vector<16xf32>,
    tpu.vector_store %arg10[%swap3A_191], %select_n3A_167 {strides = array<i32>} : memref<640xf32, #tpu.memory_space<vmem>>, vector<16xf32>,
    %swap3A_193 = arith.constant 272 : index
    %swap3A_194 = tpu.vector_load %arg10[%swap3A_193] {strides = array<i32>} : memref<640xf32, #tpu.memory_space<vmem>>, vector<16xf32>,
    tpu.vector_store %arg10[%swap3A_193], %select_n3A_174 {strides = array<i32>} : memref<640xf32, #tpu.memory_space<vmem>>, vector<16xf32>,
    %swap3A_195 = arith.constant 288 : index
    %swap3A_196 = tpu.vector_load %arg10[%swap3A_195] {strides = array<i32>} : memref<640xf32, #tpu.memory_space<vmem>>, vector<16xf32>,
    tpu.vector_store %arg10[%swap3A_195], %select_n3A_181 {strides = array<i32>} : memref<640xf32, #tpu.memory_space<vmem>>, vector<16xf32>,
    %swap3A_197 = arith.constant 304 : index
    %swap3A_198 = tpu.vector_load %arg10[%swap3A_197] {strides = array<i32>} : memref<640xf32, #tpu.memory_space<vmem>>, vector<16xf32>,
    tpu.vector_store %arg10[%swap3A_197], %select_n3A_188 {strides = array<i32>} : memref<640xf32, #tpu.memory_space<vmem>>, vector<16xf32>,
    %gather3A_199 = tpu.vector_load_idx %arg8[%scan3A_18#12] : memref<48xf32, #tpu.memory_space<vmem>>[vector<16xi32>], vector<16xf32>,
    %lt3A_200 = arith.constant 5.000000e-01 : f32
    %lt3A_201 = vector.broadcast %lt3A_200 : f32 to vector<16xf32>
    %lt3A_202 = arith.cmpf olt, %gather3A_199, %lt3A_201 : vector<16xf32>
    %gather3A_203 = tpu.vector_load_idx %arg9[%scan3A_18#12] : memref<240xf32, #tpu.memory_space<vmem>>[vector<16xi32>], vector<16xf32>,
    %jit3A_204 = arith.constant -1.000000e+30 : f32
    %broadcast_in_dim3A_205 = vector.broadcast %jit3A_204 : f32 to vector<16xf32>
    %select_n3A_206 = arith.select %lt3A_202, %gather3A_203, %broadcast_in_dim3A_205 : vector<16xi1>, vector<16xf32>
    %add3A_207 = arith.constant 48 : i32
    %add3A_208 = vector.broadcast %add3A_207 : i32 to vector<16xi32>
    %add3A_209 = arith.addi %scan3A_18#12, %add3A_208 : vector<16xi32>
    %gather3A_210 = tpu.vector_load_idx %arg9[%add3A_209] : memref<240xf32, #tpu.memory_space<vmem>>[vector<16xi32>], vector<16xf32>,
    %jit3A_211 = arith.constant 1.000000e+00 : f32
    %broadcast_in_dim3A_212 = vector.broadcast %jit3A_211 : f32 to vector<16xf32>
    %select_n3A_213 = arith.select %lt3A_202, %gather3A_210, %broadcast_in_dim3A_212 : vector<16xi1>, vector<16xf32>
    %add3A_214 = arith.constant 96 : i32
    %add3A_215 = vector.broadcast %add3A_214 : i32 to vector<16xi32>
    %add3A_216 = arith.addi %scan3A_18#12, %add3A_215 : vector<16xi32>
    %gather3A_217 = tpu.vector_load_idx %arg9[%add3A_216] : memref<240xf32, #tpu.memory_space<vmem>>[vector<16xi32>], vector<16xf32>,
    %jit3A_218 = arith.constant 0.000000e+00 : f32
    %broadcast_in_dim3A_219 = vector.broadcast %jit3A_218 : f32 to vector<16xf32>
    %select_n3A_220 = arith.select %lt3A_202, %gather3A_217, %broadcast_in_dim3A_219 : vector<16xi1>, vector<16xf32>
    %add3A_221 = arith.constant 144 : i32
    %add3A_222 = vector.broadcast %add3A_221 : i32 to vector<16xi32>
    %add3A_223 = arith.addi %scan3A_18#12, %add3A_222 : vector<16xi32>
    %gather3A_224 = tpu.vector_load_idx %arg9[%add3A_223] : memref<240xf32, #tpu.memory_space<vmem>>[vector<16xi32>], vector<16xf32>,
    %jit3A_225 = arith.constant -1.000000e+30 : f32
    %broadcast_in_dim3A_226 = vector.broadcast %jit3A_225 : f32 to vector<16xf32>
    %select_n3A_227 = arith.select %lt3A_202, %gather3A_224, %broadcast_in_dim3A_226 : vector<16xi1>, vector<16xf32>
    %add3A_228 = arith.constant 192 : i32
    %add3A_229 = vector.broadcast %add3A_228 : i32 to vector<16xi32>
    %add3A_230 = arith.addi %scan3A_18#12, %add3A_229 : vector<16xi32>
    %gather3A_231 = tpu.vector_load_idx %arg9[%add3A_230] : memref<240xf32, #tpu.memory_space<vmem>>[vector<16xi32>], vector<16xf32>,
    %jit3A_232 = arith.constant 1.000000e+30 : f32
    %broadcast_in_dim3A_233 = vector.broadcast %jit3A_232 : f32 to vector<16xf32>
    %select_n3A_234 = arith.select %lt3A_202, %gather3A_231, %broadcast_in_dim3A_233 : vector<16xi1>, vector<16xf32>
    %swap3A_235 = arith.constant 320 : index
    %swap3A_236 = tpu.vector_load %arg10[%swap3A_235] {strides = array<i32>} : memref<640xf32, #tpu.memory_space<vmem>>, vector<16xf32>,
    tpu.vector_store %arg10[%swap3A_235], %select_n3A_206 {strides = array<i32>} : memref<640xf32, #tpu.memory_space<vmem>>, vector<16xf32>,
    %swap3A_237 = arith.constant 336 : index
    %swap3A_238 = tpu.vector_load %arg10[%swap3A_237] {strides = array<i32>} : memref<640xf32, #tpu.memory_space<vmem>>, vector<16xf32>,
    tpu.vector_store %arg10[%swap3A_237], %select_n3A_213 {strides = array<i32>} : memref<640xf32, #tpu.memory_space<vmem>>, vector<16xf32>,
    %swap3A_239 = arith.constant 352 : index
    %swap3A_240 = tpu.vector_load %arg10[%swap3A_239] {strides = array<i32>} : memref<640xf32, #tpu.memory_space<vmem>>, vector<16xf32>,
    tpu.vector_store %arg10[%swap3A_239], %select_n3A_220 {strides = array<i32>} : memref<640xf32, #tpu.memory_space<vmem>>, vector<16xf32>,
    %swap3A_241 = arith.constant 368 : index
    %swap3A_242 = tpu.vector_load %arg10[%swap3A_241] {strides = array<i32>} : memref<640xf32, #tpu.memory_space<vmem>>, vector<16xf32>,
    tpu.vector_store %arg10[%swap3A_241], %select_n3A_227 {strides = array<i32>} : memref<640xf32, #tpu.memory_space<vmem>>, vector<16xf32>,
    %swap3A_243 = arith.constant 384 : index
    %swap3A_244 = tpu.vector_load %arg10[%swap3A_243] {strides = array<i32>} : memref<640xf32, #tpu.memory_space<vmem>>, vector<16xf32>,
    tpu.vector_store %arg10[%swap3A_243], %select_n3A_234 {strides = array<i32>} : memref<640xf32, #tpu.memory_space<vmem>>, vector<16xf32>,
    %gather3A_245 = tpu.vector_load_idx %arg8[%scan3A_18#13] : memref<48xf32, #tpu.memory_space<vmem>>[vector<16xi32>], vector<16xf32>,
    %lt3A_246 = arith.constant 5.000000e-01 : f32
    %lt3A_247 = vector.broadcast %lt3A_246 : f32 to vector<16xf32>
    %lt3A_248 = arith.cmpf olt, %gather3A_245, %lt3A_247 : vector<16xf32>
    %gather3A_249 = tpu.vector_load_idx %arg9[%scan3A_18#13] : memref<240xf32, #tpu.memory_space<vmem>>[vector<16xi32>], vector<16xf32>,
    %jit3A_250 = arith.constant -1.000000e+30 : f32
    %broadcast_in_dim3A_251 = vector.broadcast %jit3A_250 : f32 to vector<16xf32>
    %select_n3A_252 = arith.select %lt3A_248, %gather3A_249, %broadcast_in_dim3A_251 : vector<16xi1>, vector<16xf32>
    %add3A_253 = arith.constant 48 : i32
    %add3A_254 = vector.broadcast %add3A_253 : i32 to vector<16xi32>
    %add3A_255 = arith.addi %scan3A_18#13, %add3A_254 : vector<16xi32>
    %gather3A_256 = tpu.vector_load_idx %arg9[%add3A_255] : memref<240xf32, #tpu.memory_space<vmem>>[vector<16xi32>], vector<16xf32>,
    %jit3A_257 = arith.constant 1.000000e+00 : f32
    %broadcast_in_dim3A_258 = vector.broadcast %jit3A_257 : f32 to vector<16xf32>
    %select_n3A_259 = arith.select %lt3A_248, %gather3A_256, %broadcast_in_dim3A_258 : vector<16xi1>, vector<16xf32>
    %add3A_260 = arith.constant 96 : i32
    %add3A_261 = vector.broadcast %add3A_260 : i32 to vector<16xi32>
    %add3A_262 = arith.addi %scan3A_18#13, %add3A_261 : vector<16xi32>
    %gather3A_263 = tpu.vector_load_idx %arg9[%add3A_262] : memref<240xf32, #tpu.memory_space<vmem>>[vector<16xi32>], vector<16xf32>,
    %jit3A_264 = arith.constant 0.000000e+00 : f32
    %broadcast_in_dim3A_265 = vector.broadcast %jit3A_264 : f32 to vector<16xf32>
    %select_n3A_266 = arith.select %lt3A_248, %gather3A_263, %broadcast_in_dim3A_265 : vector<16xi1>, vector<16xf32>
    %add3A_267 = arith.constant 144 : i32
    %add3A_268 = vector.broadcast %add3A_267 : i32 to vector<16xi32>
    %add3A_269 = arith.addi %scan3A_18#13, %add3A_268 : vector<16xi32>
    %gather3A_270 = tpu.vector_load_idx %arg9[%add3A_269] : memref<240xf32, #tpu.memory_space<vmem>>[vector<16xi32>], vector<16xf32>,
    %jit3A_271 = arith.constant -1.000000e+30 : f32
    %broadcast_in_dim3A_272 = vector.broadcast %jit3A_271 : f32 to vector<16xf32>
    %select_n3A_273 = arith.select %lt3A_248, %gather3A_270, %broadcast_in_dim3A_272 : vector<16xi1>, vector<16xf32>
    %add3A_274 = arith.constant 192 : i32
    %add3A_275 = vector.broadcast %add3A_274 : i32 to vector<16xi32>
    %add3A_276 = arith.addi %scan3A_18#13, %add3A_275 : vector<16xi32>
    %gather3A_277 = tpu.vector_load_idx %arg9[%add3A_276] : memref<240xf32, #tpu.memory_space<vmem>>[vector<16xi32>], vector<16xf32>,
    %jit3A_278 = arith.constant 1.000000e+30 : f32
    %broadcast_in_dim3A_279 = vector.broadcast %jit3A_278 : f32 to vector<16xf32>
    %select_n3A_280 = arith.select %lt3A_248, %gather3A_277, %broadcast_in_dim3A_279 : vector<16xi1>, vector<16xf32>
    %swap3A_281 = arith.constant 400 : index
    %swap3A_282 = tpu.vector_load %arg10[%swap3A_281] {strides = array<i32>} : memref<640xf32, #tpu.memory_space<vmem>>, vector<16xf32>,
    tpu.vector_store %arg10[%swap3A_281], %select_n3A_252 {strides = array<i32>} : memref<640xf32, #tpu.memory_space<vmem>>, vector<16xf32>,
    %swap3A_283 = arith.constant 416 : index
    %swap3A_284 = tpu.vector_load %arg10[%swap3A_283] {strides = array<i32>} : memref<640xf32, #tpu.memory_space<vmem>>, vector<16xf32>,
    tpu.vector_store %arg10[%swap3A_283], %select_n3A_259 {strides = array<i32>} : memref<640xf32, #tpu.memory_space<vmem>>, vector<16xf32>,
    %swap3A_285 = arith.constant 432 : index
    %swap3A_286 = tpu.vector_load %arg10[%swap3A_285] {strides = array<i32>} : memref<640xf32, #tpu.memory_space<vmem>>, vector<16xf32>,
    tpu.vector_store %arg10[%swap3A_285], %select_n3A_266 {strides = array<i32>} : memref<640xf32, #tpu.memory_space<vmem>>, vector<16xf32>,
    %swap3A_287 = arith.constant 448 : index
    %swap3A_288 = tpu.vector_load %arg10[%swap3A_287] {strides = array<i32>} : memref<640xf32, #tpu.memory_space<vmem>>, vector<16xf32>,
    tpu.vector_store %arg10[%swap3A_287], %select_n3A_273 {strides = array<i32>} : memref<640xf32, #tpu.memory_space<vmem>>, vector<16xf32>,
    %swap3A_289 = arith.constant 464 : index
    %swap3A_290 = tpu.vector_load %arg10[%swap3A_289] {strides = array<i32>} : memref<640xf32, #tpu.memory_space<vmem>>, vector<16xf32>,
    tpu.vector_store %arg10[%swap3A_289], %select_n3A_280 {strides = array<i32>} : memref<640xf32, #tpu.memory_space<vmem>>, vector<16xf32>,
    %gather3A_291 = tpu.vector_load_idx %arg8[%scan3A_18#14] : memref<48xf32, #tpu.memory_space<vmem>>[vector<16xi32>], vector<16xf32>,
    %lt3A_292 = arith.constant 5.000000e-01 : f32
    %lt3A_293 = vector.broadcast %lt3A_292 : f32 to vector<16xf32>
    %lt3A_294 = arith.cmpf olt, %gather3A_291, %lt3A_293 : vector<16xf32>
    %gather3A_295 = tpu.vector_load_idx %arg9[%scan3A_18#14] : memref<240xf32, #tpu.memory_space<vmem>>[vector<16xi32>], vector<16xf32>,
    %jit3A_296 = arith.constant -1.000000e+30 : f32
    %broadcast_in_dim3A_297 = vector.broadcast %jit3A_296 : f32 to vector<16xf32>
    %select_n3A_298 = arith.select %lt3A_294, %gather3A_295, %broadcast_in_dim3A_297 : vector<16xi1>, vector<16xf32>
    %add3A_299 = arith.constant 48 : i32
    %add3A_300 = vector.broadcast %add3A_299 : i32 to vector<16xi32>
    %add3A_301 = arith.addi %scan3A_18#14, %add3A_300 : vector<16xi32>
    %gather3A_302 = tpu.vector_load_idx %arg9[%add3A_301] : memref<240xf32, #tpu.memory_space<vmem>>[vector<16xi32>], vector<16xf32>,
    %jit3A_303 = arith.constant 1.000000e+00 : f32
    %broadcast_in_dim3A_304 = vector.broadcast %jit3A_303 : f32 to vector<16xf32>
    %select_n3A_305 = arith.select %lt3A_294, %gather3A_302, %broadcast_in_dim3A_304 : vector<16xi1>, vector<16xf32>
    %add3A_306 = arith.constant 96 : i32
    %add3A_307 = vector.broadcast %add3A_306 : i32 to vector<16xi32>
    %add3A_308 = arith.addi %scan3A_18#14, %add3A_307 : vector<16xi32>
    %gather3A_309 = tpu.vector_load_idx %arg9[%add3A_308] : memref<240xf32, #tpu.memory_space<vmem>>[vector<16xi32>], vector<16xf32>,
    %jit3A_310 = arith.constant 0.000000e+00 : f32
    %broadcast_in_dim3A_311 = vector.broadcast %jit3A_310 : f32 to vector<16xf32>
    %select_n3A_312 = arith.select %lt3A_294, %gather3A_309, %broadcast_in_dim3A_311 : vector<16xi1>, vector<16xf32>
    %add3A_313 = arith.constant 144 : i32
    %add3A_314 = vector.broadcast %add3A_313 : i32 to vector<16xi32>
    %add3A_315 = arith.addi %scan3A_18#14, %add3A_314 : vector<16xi32>
    %gather3A_316 = tpu.vector_load_idx %arg9[%add3A_315] : memref<240xf32, #tpu.memory_space<vmem>>[vector<16xi32>], vector<16xf32>,
    %jit3A_317 = arith.constant -1.000000e+30 : f32
    %broadcast_in_dim3A_318 = vector.broadcast %jit3A_317 : f32 to vector<16xf32>
    %select_n3A_319 = arith.select %lt3A_294, %gather3A_316, %broadcast_in_dim3A_318 : vector<16xi1>, vector<16xf32>
    %add3A_320 = arith.constant 192 : i32
    %add3A_321 = vector.broadcast %add3A_320 : i32 to vector<16xi32>
    %add3A_322 = arith.addi %scan3A_18#14, %add3A_321 : vector<16xi32>
    %gather3A_323 = tpu.vector_load_idx %arg9[%add3A_322] : memref<240xf32, #tpu.memory_space<vmem>>[vector<16xi32>], vector<16xf32>,
    %jit3A_324 = arith.constant 1.000000e+30 : f32
    %broadcast_in_dim3A_325 = vector.broadcast %jit3A_324 : f32 to vector<16xf32>
    %select_n3A_326 = arith.select %lt3A_294, %gather3A_323, %broadcast_in_dim3A_325 : vector<16xi1>, vector<16xf32>
    %swap3A_327 = arith.constant 480 : index
    %swap3A_328 = tpu.vector_load %arg10[%swap3A_327] {strides = array<i32>} : memref<640xf32, #tpu.memory_space<vmem>>, vector<16xf32>,
    tpu.vector_store %arg10[%swap3A_327], %select_n3A_298 {strides = array<i32>} : memref<640xf32, #tpu.memory_space<vmem>>, vector<16xf32>,
    %swap3A_329 = arith.constant 496 : index
    %swap3A_330 = tpu.vector_load %arg10[%swap3A_329] {strides = array<i32>} : memref<640xf32, #tpu.memory_space<vmem>>, vector<16xf32>,
    tpu.vector_store %arg10[%swap3A_329], %select_n3A_305 {strides = array<i32>} : memref<640xf32, #tpu.memory_space<vmem>>, vector<16xf32>,
    %swap3A_331 = arith.constant 512 : index
    %swap3A_332 = tpu.vector_load %arg10[%swap3A_331] {strides = array<i32>} : memref<640xf32, #tpu.memory_space<vmem>>, vector<16xf32>,
    tpu.vector_store %arg10[%swap3A_331], %select_n3A_312 {strides = array<i32>} : memref<640xf32, #tpu.memory_space<vmem>>, vector<16xf32>,
    %swap3A_333 = arith.constant 528 : index
    %swap3A_334 = tpu.vector_load %arg10[%swap3A_333] {strides = array<i32>} : memref<640xf32, #tpu.memory_space<vmem>>, vector<16xf32>,
    tpu.vector_store %arg10[%swap3A_333], %select_n3A_319 {strides = array<i32>} : memref<640xf32, #tpu.memory_space<vmem>>, vector<16xf32>,
    %swap3A_335 = arith.constant 544 : index
    %swap3A_336 = tpu.vector_load %arg10[%swap3A_335] {strides = array<i32>} : memref<640xf32, #tpu.memory_space<vmem>>, vector<16xf32>,
    tpu.vector_store %arg10[%swap3A_335], %select_n3A_326 {strides = array<i32>} : memref<640xf32, #tpu.memory_space<vmem>>, vector<16xf32>,
    %gather3A_337 = tpu.vector_load_idx %arg8[%scan3A_18#15] : memref<48xf32, #tpu.memory_space<vmem>>[vector<16xi32>], vector<16xf32>,
    %lt3A_338 = arith.constant 5.000000e-01 : f32
    %lt3A_339 = vector.broadcast %lt3A_338 : f32 to vector<16xf32>
    %lt3A_340 = arith.cmpf olt, %gather3A_337, %lt3A_339 : vector<16xf32>
    %gather3A_341 = tpu.vector_load_idx %arg9[%scan3A_18#15] : memref<240xf32, #tpu.memory_space<vmem>>[vector<16xi32>], vector<16xf32>,
    %jit3A_342 = arith.constant -1.000000e+30 : f32
    %broadcast_in_dim3A_343 = vector.broadcast %jit3A_342 : f32 to vector<16xf32>
    %select_n3A_344 = arith.select %lt3A_340, %gather3A_341, %broadcast_in_dim3A_343 : vector<16xi1>, vector<16xf32>
    %add3A_345 = arith.constant 48 : i32
    %add3A_346 = vector.broadcast %add3A_345 : i32 to vector<16xi32>
    %add3A_347 = arith.addi %scan3A_18#15, %add3A_346 : vector<16xi32>
    %gather3A_348 = tpu.vector_load_idx %arg9[%add3A_347] : memref<240xf32, #tpu.memory_space<vmem>>[vector<16xi32>], vector<16xf32>,
    %jit3A_349 = arith.constant 1.000000e+00 : f32
    %broadcast_in_dim3A_350 = vector.broadcast %jit3A_349 : f32 to vector<16xf32>
    %select_n3A_351 = arith.select %lt3A_340, %gather3A_348, %broadcast_in_dim3A_350 : vector<16xi1>, vector<16xf32>
    %add3A_352 = arith.constant 96 : i32
    %add3A_353 = vector.broadcast %add3A_352 : i32 to vector<16xi32>
    %add3A_354 = arith.addi %scan3A_18#15, %add3A_353 : vector<16xi32>
    %gather3A_355 = tpu.vector_load_idx %arg9[%add3A_354] : memref<240xf32, #tpu.memory_space<vmem>>[vector<16xi32>], vector<16xf32>,
    %jit3A_356 = arith.constant 0.000000e+00 : f32
    %broadcast_in_dim3A_357 = vector.broadcast %jit3A_356 : f32 to vector<16xf32>
    %select_n3A_358 = arith.select %lt3A_340, %gather3A_355, %broadcast_in_dim3A_357 : vector<16xi1>, vector<16xf32>
    %add3A_359 = arith.constant 144 : i32
    %add3A_360 = vector.broadcast %add3A_359 : i32 to vector<16xi32>
    %add3A_361 = arith.addi %scan3A_18#15, %add3A_360 : vector<16xi32>
    %gather3A_362 = tpu.vector_load_idx %arg9[%add3A_361] : memref<240xf32, #tpu.memory_space<vmem>>[vector<16xi32>], vector<16xf32>,
    %jit3A_363 = arith.constant -1.000000e+30 : f32
    %broadcast_in_dim3A_364 = vector.broadcast %jit3A_363 : f32 to vector<16xf32>
    %select_n3A_365 = arith.select %lt3A_340, %gather3A_362, %broadcast_in_dim3A_364 : vector<16xi1>, vector<16xf32>
    %add3A_366 = arith.constant 192 : i32
    %add3A_367 = vector.broadcast %add3A_366 : i32 to vector<16xi32>
    %add3A_368 = arith.addi %scan3A_18#15, %add3A_367 : vector<16xi32>
    %gather3A_369 = tpu.vector_load_idx %arg9[%add3A_368] : memref<240xf32, #tpu.memory_space<vmem>>[vector<16xi32>], vector<16xf32>,
    %jit3A_370 = arith.constant 1.000000e+30 : f32
    %broadcast_in_dim3A_371 = vector.broadcast %jit3A_370 : f32 to vector<16xf32>
    %select_n3A_372 = arith.select %lt3A_340, %gather3A_369, %broadcast_in_dim3A_371 : vector<16xi1>, vector<16xf32>
    %swap3A_373 = arith.constant 560 : index
    %swap3A_374 = tpu.vector_load %arg10[%swap3A_373] {strides = array<i32>} : memref<640xf32, #tpu.memory_space<vmem>>, vector<16xf32>,
    tpu.vector_store %arg10[%swap3A_373], %select_n3A_344 {strides = array<i32>} : memref<640xf32, #tpu.memory_space<vmem>>, vector<16xf32>,
    %swap3A_375 = arith.constant 576 : index
    %swap3A_376 = tpu.vector_load %arg10[%swap3A_375] {strides = array<i32>} : memref<640xf32, #tpu.memory_space<vmem>>, vector<16xf32>,
    tpu.vector_store %arg10[%swap3A_375], %select_n3A_351 {strides = array<i32>} : memref<640xf32, #tpu.memory_space<vmem>>, vector<16xf32>,
    %swap3A_377 = arith.constant 592 : index
    %swap3A_378 = tpu.vector_load %arg10[%swap3A_377] {strides = array<i32>} : memref<640xf32, #tpu.memory_space<vmem>>, vector<16xf32>,
    tpu.vector_store %arg10[%swap3A_377], %select_n3A_358 {strides = array<i32>} : memref<640xf32, #tpu.memory_space<vmem>>, vector<16xf32>,
    %swap3A_379 = arith.constant 608 : index
    %swap3A_380 = tpu.vector_load %arg10[%swap3A_379] {strides = array<i32>} : memref<640xf32, #tpu.memory_space<vmem>>, vector<16xf32>,
    tpu.vector_store %arg10[%swap3A_379], %select_n3A_365 {strides = array<i32>} : memref<640xf32, #tpu.memory_space<vmem>>, vector<16xf32>,
    %swap3A_381 = arith.constant 624 : index
    %swap3A_382 = tpu.vector_load %arg10[%swap3A_381] {strides = array<i32>} : memref<640xf32, #tpu.memory_space<vmem>>, vector<16xf32>,
    tpu.vector_store %arg10[%swap3A_381], %select_n3A_372 {strides = array<i32>} : memref<640xf32, #tpu.memory_space<vmem>>, vector<16xf32>,
    %scan3A_383 = arith.constant 0 : i32
    %scan3A_384 = arith.constant 0 : i32
    %scan3A_385 = arith.constant 12 : i32
    %scan3A_386 = arith.addi %scan3A_384, %scan3A_385 : i32
    %scan3A_387 = arith.constant 1 : i32
    %scan3A_388 = scf.for %scan3A_397 = %scan3A_384 to %scan3A_386 step %scan3A_387 iter_args(%scan3A_398 = %scan3A_383) -> (i32)  : i32 {
      %mul3A_399 = arith.constant 2 : i32
      %mul3A_400 = arith.muli %mul3A_399, %scan3A_397 : i32
      %add3A_401 = arith.constant 0 : i32
      %add3A_402 = arith.addi %mul3A_400, %add3A_401 : i32
      %dma_wait3A_403 = arith.constant 0 : i32
      %dma_wait3A_404 = tpu.memref_slice %arg5[%dma_wait3A_403] : memref<19267584xf32, #tpu.memory_space<hbm>> -> memref<25088xf32, #tpu.memory_space<hbm>>
      %dma_wait3A_405 = arith.constant 0 : i32
      %dma_wait3A_406 = tpu.memref_slice %arg5[%dma_wait3A_405] : memref<19267584xf32, #tpu.memory_space<hbm>> -> memref<25088xf32, #tpu.memory_space<hbm>>
      tpu.wait_dma2 semaphore(%arg15 : memref<!tpu.dma_semaphore, #tpu.memory_space<semaphore_mem>>) src(%dma_wait3A_406 : memref<25088xf32, #tpu.memory_space<hbm>>) dst(%arg11 : memref<25088xf32, #tpu.memory_space<vmem>>)
      %ge3A = arith.constant 2 : i32
      %ge3A_407 = arith.cmpi sge, %add3A_402, %ge3A : i32
      %convert_element_type3A = arith.extui %ge3A_407 : i1 to i32
      %cond3A = arith.constant 0 : i32
      %cond3A_408 = arith.cmpi ne, %convert_element_type3A, %cond3A : i32
      scf.if %cond3A_408 {
        %dma_wait3A_649 = arith.constant 0 : i32
        %dma_wait3A_650 = tpu.memref_slice %arg6[%dma_wait3A_649] : memref<19267584xf32, #tpu.memory_space<hbm>> -> memref<25088xf32, #tpu.memory_space<hbm>>
        %dma_wait3A_651 = arith.constant 0 : i32
        %dma_wait3A_652 = tpu.memref_slice %arg6[%dma_wait3A_651] : memref<19267584xf32, #tpu.memory_space<hbm>> -> memref<25088xf32, #tpu.memory_space<hbm>>
        tpu.wait_dma2 semaphore(%arg17 : memref<!tpu.dma_semaphore, #tpu.memory_space<semaphore_mem>>) src(%arg13 : memref<25088xf32, #tpu.memory_space<vmem>>) dst(%dma_wait3A_652 : memref<25088xf32, #tpu.memory_space<hbm>>)
      } else {
      }
      %get3A = arith.constant 0 : index
      %get3A_409 = tpu.vector_load %arg10[%get3A] {strides = array<i32>} : memref<640xf32, #tpu.memory_space<vmem>>, vector<16xf32>,
      %get3A_410 = arith.constant 16 : index
      %get3A_411 = tpu.vector_load %arg10[%get3A_410] {strides = array<i32>} : memref<640xf32, #tpu.memory_space<vmem>>, vector<16xf32>,
      %get3A_412 = arith.constant 32 : index
      %get3A_413 = tpu.vector_load %arg10[%get3A_412] {strides = array<i32>} : memref<640xf32, #tpu.memory_space<vmem>>, vector<16xf32>,
      %get3A_414 = arith.constant 48 : index
      %get3A_415 = tpu.vector_load %arg10[%get3A_414] {strides = array<i32>} : memref<640xf32, #tpu.memory_space<vmem>>, vector<16xf32>,
      %get3A_416 = arith.constant 64 : index
      %get3A_417 = tpu.vector_load %arg10[%get3A_416] {strides = array<i32>} : memref<640xf32, #tpu.memory_space<vmem>>, vector<16xf32>,
      %parallel_loop3A = arith.constant 0 : i32
      %parallel_loop3A_418 = arith.constant 25088 : i32
      %parallel_loop3A_419 = arith.constant 128 : i32
      scf.for %parallel_loop3A_649 = %parallel_loop3A to %parallel_loop3A_418 step %parallel_loop3A_419  : i32 {
        %parallel_loop3A_650 = arith.index_cast %parallel_loop3A_649 : i32 to index
        %parallel_loop3A_651 = tpu.vector_load %arg11[%parallel_loop3A_650] {strides = array<i32>} : memref<25088xf32, #tpu.memory_space<vmem>>, vector<16xf32>,
        %parallel_loop3A_652 = arith.cmpf olt, %parallel_loop3A_651, %get3A_409 : vector<16xf32>
        %parallel_loop3A_653 = arith.mulf %get3A_411, %parallel_loop3A_651 : vector<16xf32>
        %parallel_loop3A_654 = arith.addf %parallel_loop3A_653, %get3A_413 : vector<16xf32>
        %parallel_loop3A_655 = arith.select %parallel_loop3A_652, %parallel_loop3A_651, %parallel_loop3A_654 : vector<16xi1>, vector<16xf32>
        %parallel_loop3A_656 = arith.maximumf %parallel_loop3A_655, %get3A_415 : vector<16xf32>
        %parallel_loop3A_657 = arith.minimumf %parallel_loop3A_656, %get3A_417 : vector<16xf32>
        %parallel_loop3A_658 = arith.index_cast %parallel_loop3A_649 : i32 to index
        %parallel_loop3A_659 = tpu.vector_load %arg13[%parallel_loop3A_658] {strides = array<i32>} : memref<25088xf32, #tpu.memory_space<vmem>>, vector<16xf32>,
        tpu.vector_store %arg13[%parallel_loop3A_658], %parallel_loop3A_657 {strides = array<i32>} : memref<25088xf32, #tpu.memory_space<vmem>>, vector<16xf32>,
      } {sc.loop_unroll_factor = 7 : i64, sc.parallel_access}
      %get3A_420 = arith.constant 80 : index
      %get3A_421 = tpu.vector_load %arg10[%get3A_420] {strides = array<i32>} : memref<640xf32, #tpu.memory_space<vmem>>, vector<16xf32>,
      %get3A_422 = arith.constant 96 : index
      %get3A_423 = tpu.vector_load %arg10[%get3A_422] {strides = array<i32>} : memref<640xf32, #tpu.memory_space<vmem>>, vector<16xf32>,
      %get3A_424 = arith.constant 112 : index
      %get3A_425 = tpu.vector_load %arg10[%get3A_424] {strides = array<i32>} : memref<640xf32, #tpu.memory_space<vmem>>, vector<16xf32>,
      %get3A_426 = arith.constant 128 : index
      %get3A_427 = tpu.vector_load %arg10[%get3A_426] {strides = array<i32>} : memref<640xf32, #tpu.memory_space<vmem>>, vector<16xf32>,
      %get3A_428 = arith.constant 144 : index
      %get3A_429 = tpu.vector_load %arg10[%get3A_428] {strides = array<i32>} : memref<640xf32, #tpu.memory_space<vmem>>, vector<16xf32>,
      %parallel_loop3A_430 = arith.constant 16 : i32
      %parallel_loop3A_431 = arith.constant 25104 : i32
      %parallel_loop3A_432 = arith.constant 128 : i32
      scf.for %parallel_loop3A_649 = %parallel_loop3A_430 to %parallel_loop3A_431 step %parallel_loop3A_432  : i32 {
        %parallel_loop3A_650 = arith.index_cast %parallel_loop3A_649 : i32 to index
        %parallel_loop3A_651 = tpu.vector_load %arg11[%parallel_loop3A_650] {strides = array<i32>} : memref<25088xf32, #tpu.memory_space<vmem>>, vector<16xf32>,
        %parallel_loop3A_652 = arith.cmpf olt, %parallel_loop3A_651, %get3A_421 : vector<16xf32>
        %parallel_loop3A_653 = arith.mulf %get3A_423, %parallel_loop3A_651 : vector<16xf32>
        %parallel_loop3A_654 = arith.addf %parallel_loop3A_653, %get3A_425 : vector<16xf32>
        %parallel_loop3A_655 = arith.select %parallel_loop3A_652, %parallel_loop3A_651, %parallel_loop3A_654 : vector<16xi1>, vector<16xf32>
        %parallel_loop3A_656 = arith.maximumf %parallel_loop3A_655, %get3A_427 : vector<16xf32>
        %parallel_loop3A_657 = arith.minimumf %parallel_loop3A_656, %get3A_429 : vector<16xf32>
        %parallel_loop3A_658 = arith.index_cast %parallel_loop3A_649 : i32 to index
        %parallel_loop3A_659 = tpu.vector_load %arg13[%parallel_loop3A_658] {strides = array<i32>} : memref<25088xf32, #tpu.memory_space<vmem>>, vector<16xf32>,
        tpu.vector_store %arg13[%parallel_loop3A_658], %parallel_loop3A_657 {strides = array<i32>} : memref<25088xf32, #tpu.memory_space<vmem>>, vector<16xf32>,
      } {sc.loop_unroll_factor = 7 : i64, sc.parallel_access}
      %get3A_433 = arith.constant 160 : index
      %get3A_434 = tpu.vector_load %arg10[%get3A_433] {strides = array<i32>} : memref<640xf32, #tpu.memory_space<vmem>>, vector<16xf32>,
      %get3A_435 = arith.constant 176 : index
      %get3A_436 = tpu.vector_load %arg10[%get3A_435] {strides = array<i32>} : memref<640xf32, #tpu.memory_space<vmem>>, vector<16xf32>,
      %get3A_437 = arith.constant 192 : index
      %get3A_438 = tpu.vector_load %arg10[%get3A_437] {strides = array<i32>} : memref<640xf32, #tpu.memory_space<vmem>>, vector<16xf32>,
      %get3A_439 = arith.constant 208 : index
      %get3A_440 = tpu.vector_load %arg10[%get3A_439] {strides = array<i32>} : memref<640xf32, #tpu.memory_space<vmem>>, vector<16xf32>,
      %get3A_441 = arith.constant 224 : index
      %get3A_442 = tpu.vector_load %arg10[%get3A_441] {strides = array<i32>} : memref<640xf32, #tpu.memory_space<vmem>>, vector<16xf32>,
      %parallel_loop3A_443 = arith.constant 32 : i32
      %parallel_loop3A_444 = arith.constant 25120 : i32
      %parallel_loop3A_445 = arith.constant 128 : i32
      scf.for %parallel_loop3A_649 = %parallel_loop3A_443 to %parallel_loop3A_444 step %parallel_loop3A_445  : i32 {
        %parallel_loop3A_650 = arith.index_cast %parallel_loop3A_649 : i32 to index
        %parallel_loop3A_651 = tpu.vector_load %arg11[%parallel_loop3A_650] {strides = array<i32>} : memref<25088xf32, #tpu.memory_space<vmem>>, vector<16xf32>,
        %parallel_loop3A_652 = arith.cmpf olt, %parallel_loop3A_651, %get3A_434 : vector<16xf32>
        %parallel_loop3A_653 = arith.mulf %get3A_436, %parallel_loop3A_651 : vector<16xf32>
        %parallel_loop3A_654 = arith.addf %parallel_loop3A_653, %get3A_438 : vector<16xf32>
        %parallel_loop3A_655 = arith.select %parallel_loop3A_652, %parallel_loop3A_651, %parallel_loop3A_654 : vector<16xi1>, vector<16xf32>
        %parallel_loop3A_656 = arith.maximumf %parallel_loop3A_655, %get3A_440 : vector<16xf32>
        %parallel_loop3A_657 = arith.minimumf %parallel_loop3A_656, %get3A_442 : vector<16xf32>
        %parallel_loop3A_658 = arith.index_cast %parallel_loop3A_649 : i32 to index
        %parallel_loop3A_659 = tpu.vector_load %arg13[%parallel_loop3A_658] {strides = array<i32>} : memref<25088xf32, #tpu.memory_space<vmem>>, vector<16xf32>,
        tpu.vector_store %arg13[%parallel_loop3A_658], %parallel_loop3A_657 {strides = array<i32>} : memref<25088xf32, #tpu.memory_space<vmem>>, vector<16xf32>,
      } {sc.loop_unroll_factor = 7 : i64, sc.parallel_access}
      %get3A_446 = arith.constant 240 : index
      %get3A_447 = tpu.vector_load %arg10[%get3A_446] {strides = array<i32>} : memref<640xf32, #tpu.memory_space<vmem>>, vector<16xf32>,
      %get3A_448 = arith.constant 256 : index
      %get3A_449 = tpu.vector_load %arg10[%get3A_448] {strides = array<i32>} : memref<640xf32, #tpu.memory_space<vmem>>, vector<16xf32>,
      %get3A_450 = arith.constant 272 : index
      %get3A_451 = tpu.vector_load %arg10[%get3A_450] {strides = array<i32>} : memref<640xf32, #tpu.memory_space<vmem>>, vector<16xf32>,
      %get3A_452 = arith.constant 288 : index
      %get3A_453 = tpu.vector_load %arg10[%get3A_452] {strides = array<i32>} : memref<640xf32, #tpu.memory_space<vmem>>, vector<16xf32>,
      %get3A_454 = arith.constant 304 : index
      %get3A_455 = tpu.vector_load %arg10[%get3A_454] {strides = array<i32>} : memref<640xf32, #tpu.memory_space<vmem>>, vector<16xf32>,
      %parallel_loop3A_456 = arith.constant 48 : i32
      %parallel_loop3A_457 = arith.constant 25136 : i32
      %parallel_loop3A_458 = arith.constant 128 : i32
      scf.for %parallel_loop3A_649 = %parallel_loop3A_456 to %parallel_loop3A_457 step %parallel_loop3A_458  : i32 {
        %parallel_loop3A_650 = arith.index_cast %parallel_loop3A_649 : i32 to index
        %parallel_loop3A_651 = tpu.vector_load %arg11[%parallel_loop3A_650] {strides = array<i32>} : memref<25088xf32, #tpu.memory_space<vmem>>, vector<16xf32>,
        %parallel_loop3A_652 = arith.cmpf olt, %parallel_loop3A_651, %get3A_447 : vector<16xf32>
        %parallel_loop3A_653 = arith.mulf %get3A_449, %parallel_loop3A_651 : vector<16xf32>
        %parallel_loop3A_654 = arith.addf %parallel_loop3A_653, %get3A_451 : vector<16xf32>
        %parallel_loop3A_655 = arith.select %parallel_loop3A_652, %parallel_loop3A_651, %parallel_loop3A_654 : vector<16xi1>, vector<16xf32>
        %parallel_loop3A_656 = arith.maximumf %parallel_loop3A_655, %get3A_453 : vector<16xf32>
        %parallel_loop3A_657 = arith.minimumf %parallel_loop3A_656, %get3A_455 : vector<16xf32>
        %parallel_loop3A_658 = arith.index_cast %parallel_loop3A_649 : i32 to index
        %parallel_loop3A_659 = tpu.vector_load %arg13[%parallel_loop3A_658] {strides = array<i32>} : memref<25088xf32, #tpu.memory_space<vmem>>, vector<16xf32>,
        tpu.vector_store %arg13[%parallel_loop3A_658], %parallel_loop3A_657 {strides = array<i32>} : memref<25088xf32, #tpu.memory_space<vmem>>, vector<16xf32>,
      } {sc.loop_unroll_factor = 7 : i64, sc.parallel_access}
      %get3A_459 = arith.constant 320 : index
      %get3A_460 = tpu.vector_load %arg10[%get3A_459] {strides = array<i32>} : memref<640xf32, #tpu.memory_space<vmem>>, vector<16xf32>,
      %get3A_461 = arith.constant 336 : index
      %get3A_462 = tpu.vector_load %arg10[%get3A_461] {strides = array<i32>} : memref<640xf32, #tpu.memory_space<vmem>>, vector<16xf32>,
      %get3A_463 = arith.constant 352 : index
      %get3A_464 = tpu.vector_load %arg10[%get3A_463] {strides = array<i32>} : memref<640xf32, #tpu.memory_space<vmem>>, vector<16xf32>,
      %get3A_465 = arith.constant 368 : index
      %get3A_466 = tpu.vector_load %arg10[%get3A_465] {strides = array<i32>} : memref<640xf32, #tpu.memory_space<vmem>>, vector<16xf32>,
      %get3A_467 = arith.constant 384 : index
      %get3A_468 = tpu.vector_load %arg10[%get3A_467] {strides = array<i32>} : memref<640xf32, #tpu.memory_space<vmem>>, vector<16xf32>,
      %parallel_loop3A_469 = arith.constant 64 : i32
      %parallel_loop3A_470 = arith.constant 25152 : i32
      %parallel_loop3A_471 = arith.constant 128 : i32
      scf.for %parallel_loop3A_649 = %parallel_loop3A_469 to %parallel_loop3A_470 step %parallel_loop3A_471  : i32 {
        %parallel_loop3A_650 = arith.index_cast %parallel_loop3A_649 : i32 to index
        %parallel_loop3A_651 = tpu.vector_load %arg11[%parallel_loop3A_650] {strides = array<i32>} : memref<25088xf32, #tpu.memory_space<vmem>>, vector<16xf32>,
        %parallel_loop3A_652 = arith.cmpf olt, %parallel_loop3A_651, %get3A_460 : vector<16xf32>
        %parallel_loop3A_653 = arith.mulf %get3A_462, %parallel_loop3A_651 : vector<16xf32>
        %parallel_loop3A_654 = arith.addf %parallel_loop3A_653, %get3A_464 : vector<16xf32>
        %parallel_loop3A_655 = arith.select %parallel_loop3A_652, %parallel_loop3A_651, %parallel_loop3A_654 : vector<16xi1>, vector<16xf32>
        %parallel_loop3A_656 = arith.maximumf %parallel_loop3A_655, %get3A_466 : vector<16xf32>
        %parallel_loop3A_657 = arith.minimumf %parallel_loop3A_656, %get3A_468 : vector<16xf32>
        %parallel_loop3A_658 = arith.index_cast %parallel_loop3A_649 : i32 to index
        %parallel_loop3A_659 = tpu.vector_load %arg13[%parallel_loop3A_658] {strides = array<i32>} : memref<25088xf32, #tpu.memory_space<vmem>>, vector<16xf32>,
        tpu.vector_store %arg13[%parallel_loop3A_658], %parallel_loop3A_657 {strides = array<i32>} : memref<25088xf32, #tpu.memory_space<vmem>>, vector<16xf32>,
      } {sc.loop_unroll_factor = 7 : i64, sc.parallel_access}
      %get3A_472 = arith.constant 400 : index
      %get3A_473 = tpu.vector_load %arg10[%get3A_472] {strides = array<i32>} : memref<640xf32, #tpu.memory_space<vmem>>, vector<16xf32>,
      %get3A_474 = arith.constant 416 : index
      %get3A_475 = tpu.vector_load %arg10[%get3A_474] {strides = array<i32>} : memref<640xf32, #tpu.memory_space<vmem>>, vector<16xf32>,
      %get3A_476 = arith.constant 432 : index
      %get3A_477 = tpu.vector_load %arg10[%get3A_476] {strides = array<i32>} : memref<640xf32, #tpu.memory_space<vmem>>, vector<16xf32>,
      %get3A_478 = arith.constant 448 : index
      %get3A_479 = tpu.vector_load %arg10[%get3A_478] {strides = array<i32>} : memref<640xf32, #tpu.memory_space<vmem>>, vector<16xf32>,
      %get3A_480 = arith.constant 464 : index
      %get3A_481 = tpu.vector_load %arg10[%get3A_480] {strides = array<i32>} : memref<640xf32, #tpu.memory_space<vmem>>, vector<16xf32>,
      %parallel_loop3A_482 = arith.constant 80 : i32
      %parallel_loop3A_483 = arith.constant 25168 : i32
      %parallel_loop3A_484 = arith.constant 128 : i32
      scf.for %parallel_loop3A_649 = %parallel_loop3A_482 to %parallel_loop3A_483 step %parallel_loop3A_484  : i32 {
        %parallel_loop3A_650 = arith.index_cast %parallel_loop3A_649 : i32 to index
        %parallel_loop3A_651 = tpu.vector_load %arg11[%parallel_loop3A_650] {strides = array<i32>} : memref<25088xf32, #tpu.memory_space<vmem>>, vector<16xf32>,
        %parallel_loop3A_652 = arith.cmpf olt, %parallel_loop3A_651, %get3A_473 : vector<16xf32>
        %parallel_loop3A_653 = arith.mulf %get3A_475, %parallel_loop3A_651 : vector<16xf32>
        %parallel_loop3A_654 = arith.addf %parallel_loop3A_653, %get3A_477 : vector<16xf32>
        %parallel_loop3A_655 = arith.select %parallel_loop3A_652, %parallel_loop3A_651, %parallel_loop3A_654 : vector<16xi1>, vector<16xf32>
        %parallel_loop3A_656 = arith.maximumf %parallel_loop3A_655, %get3A_479 : vector<16xf32>
        %parallel_loop3A_657 = arith.minimumf %parallel_loop3A_656, %get3A_481 : vector<16xf32>
        %parallel_loop3A_658 = arith.index_cast %parallel_loop3A_649 : i32 to index
        %parallel_loop3A_659 = tpu.vector_load %arg13[%parallel_loop3A_658] {strides = array<i32>} : memref<25088xf32, #tpu.memory_space<vmem>>, vector<16xf32>,
        tpu.vector_store %arg13[%parallel_loop3A_658], %parallel_loop3A_657 {strides = array<i32>} : memref<25088xf32, #tpu.memory_space<vmem>>, vector<16xf32>,
      } {sc.loop_unroll_factor = 7 : i64, sc.parallel_access}
      %get3A_485 = arith.constant 480 : index
      %get3A_486 = tpu.vector_load %arg10[%get3A_485] {strides = array<i32>} : memref<640xf32, #tpu.memory_space<vmem>>, vector<16xf32>,
      %get3A_487 = arith.constant 496 : index
      %get3A_488 = tpu.vector_load %arg10[%get3A_487] {strides = array<i32>} : memref<640xf32, #tpu.memory_space<vmem>>, vector<16xf32>,
      %get3A_489 = arith.constant 512 : index
      %get3A_490 = tpu.vector_load %arg10[%get3A_489] {strides = array<i32>} : memref<640xf32, #tpu.memory_space<vmem>>, vector<16xf32>,
      %get3A_491 = arith.constant 528 : index
      %get3A_492 = tpu.vector_load %arg10[%get3A_491] {strides = array<i32>} : memref<640xf32, #tpu.memory_space<vmem>>, vector<16xf32>,
      %get3A_493 = arith.constant 544 : index
      %get3A_494 = tpu.vector_load %arg10[%get3A_493] {strides = array<i32>} : memref<640xf32, #tpu.memory_space<vmem>>, vector<16xf32>,
      %parallel_loop3A_495 = arith.constant 96 : i32
      %parallel_loop3A_496 = arith.constant 25184 : i32
      %parallel_loop3A_497 = arith.constant 128 : i32
      scf.for %parallel_loop3A_649 = %parallel_loop3A_495 to %parallel_loop3A_496 step %parallel_loop3A_497  : i32 {
        %parallel_loop3A_650 = arith.index_cast %parallel_loop3A_649 : i32 to index
        %parallel_loop3A_651 = tpu.vector_load %arg11[%parallel_loop3A_650] {strides = array<i32>} : memref<25088xf32, #tpu.memory_space<vmem>>, vector<16xf32>,
        %parallel_loop3A_652 = arith.cmpf olt, %parallel_loop3A_651, %get3A_486 : vector<16xf32>
        %parallel_loop3A_653 = arith.mulf %get3A_488, %parallel_loop3A_651 : vector<16xf32>
        %parallel_loop3A_654 = arith.addf %parallel_loop3A_653, %get3A_490 : vector<16xf32>
        %parallel_loop3A_655 = arith.select %parallel_loop3A_652, %parallel_loop3A_651, %parallel_loop3A_654 : vector<16xi1>, vector<16xf32>
        %parallel_loop3A_656 = arith.maximumf %parallel_loop3A_655, %get3A_492 : vector<16xf32>
        %parallel_loop3A_657 = arith.minimumf %parallel_loop3A_656, %get3A_494 : vector<16xf32>
        %parallel_loop3A_658 = arith.index_cast %parallel_loop3A_649 : i32 to index
        %parallel_loop3A_659 = tpu.vector_load %arg13[%parallel_loop3A_658] {strides = array<i32>} : memref<25088xf32, #tpu.memory_space<vmem>>, vector<16xf32>,
        tpu.vector_store %arg13[%parallel_loop3A_658], %parallel_loop3A_657 {strides = array<i32>} : memref<25088xf32, #tpu.memory_space<vmem>>, vector<16xf32>,
      } {sc.loop_unroll_factor = 7 : i64, sc.parallel_access}
      %get3A_498 = arith.constant 560 : index
      %get3A_499 = tpu.vector_load %arg10[%get3A_498] {strides = array<i32>} : memref<640xf32, #tpu.memory_space<vmem>>, vector<16xf32>,
      %get3A_500 = arith.constant 576 : index
      %get3A_501 = tpu.vector_load %arg10[%get3A_500] {strides = array<i32>} : memref<640xf32, #tpu.memory_space<vmem>>, vector<16xf32>,
      %get3A_502 = arith.constant 592 : index
      %get3A_503 = tpu.vector_load %arg10[%get3A_502] {strides = array<i32>} : memref<640xf32, #tpu.memory_space<vmem>>, vector<16xf32>,
      %get3A_504 = arith.constant 608 : index
      %get3A_505 = tpu.vector_load %arg10[%get3A_504] {strides = array<i32>} : memref<640xf32, #tpu.memory_space<vmem>>, vector<16xf32>,
      %get3A_506 = arith.constant 624 : index
      %get3A_507 = tpu.vector_load %arg10[%get3A_506] {strides = array<i32>} : memref<640xf32, #tpu.memory_space<vmem>>, vector<16xf32>,
      %parallel_loop3A_508 = arith.constant 112 : i32
      %parallel_loop3A_509 = arith.constant 25200 : i32
      %parallel_loop3A_510 = arith.constant 128 : i32
      scf.for %parallel_loop3A_649 = %parallel_loop3A_508 to %parallel_loop3A_509 step %parallel_loop3A_510  : i32 {
        %parallel_loop3A_650 = arith.index_cast %parallel_loop3A_649 : i32 to index
        %parallel_loop3A_651 = tpu.vector_load %arg11[%parallel_loop3A_650] {strides = array<i32>} : memref<25088xf32, #tpu.memory_space<vmem>>, vector<16xf32>,
        %parallel_loop3A_652 = arith.cmpf olt, %parallel_loop3A_651, %get3A_499 : vector<16xf32>
        %parallel_loop3A_653 = arith.mulf %get3A_501, %parallel_loop3A_651 : vector<16xf32>
        %parallel_loop3A_654 = arith.addf %parallel_loop3A_653, %get3A_503 : vector<16xf32>
        %parallel_loop3A_655 = arith.select %parallel_loop3A_652, %parallel_loop3A_651, %parallel_loop3A_654 : vector<16xi1>, vector<16xf32>
        %parallel_loop3A_656 = arith.maximumf %parallel_loop3A_655, %get3A_505 : vector<16xf32>
        %parallel_loop3A_657 = arith.minimumf %parallel_loop3A_656, %get3A_507 : vector<16xf32>
        %parallel_loop3A_658 = arith.index_cast %parallel_loop3A_649 : i32 to index
        %parallel_loop3A_659 = tpu.vector_load %arg13[%parallel_loop3A_658] {strides = array<i32>} : memref<25088xf32, #tpu.memory_space<vmem>>, vector<16xf32>,
        tpu.vector_store %arg13[%parallel_loop3A_658], %parallel_loop3A_657 {strides = array<i32>} : memref<25088xf32, #tpu.memory_space<vmem>>, vector<16xf32>,
      } {sc.loop_unroll_factor = 7 : i64, sc.parallel_access}
      %lt3A_511 = arith.constant 22 : i32
      %lt3A_512 = arith.cmpi slt, %add3A_402, %lt3A_511 : i32
      %convert_element_type3A_513 = arith.extui %lt3A_512 : i1 to i32
      %cond3A_514 = arith.constant 0 : i32
      %cond3A_515 = arith.cmpi ne, %convert_element_type3A_513, %cond3A_514 : i32
      scf.if %cond3A_515 {
        %add3A_649 = arith.constant 2 : i32
        %add3A_650 = arith.addi %add3A_402, %add3A_649 : i32
        %mul3A_651 = arith.constant 25088 : i32
        %mul3A_652 = arith.muli %add3A_650, %mul3A_651 : i32
        %add3A_653 = arith.addi %mul3A_4, %mul3A_652 : i32
        %dma_start3A_654 = tpu.memref_slice %arg5[%add3A_653] : memref<19267584xf32, #tpu.memory_space<hbm>> -> memref<25088xf32, #tpu.memory_space<hbm>>
        %dma_start3A_655 = tpu.memref_slice %arg5[%add3A_653] : memref<19267584xf32, #tpu.memory_space<hbm>> -> memref<25088xf32, #tpu.memory_space<hbm>>
        tpu.enqueue_dma source(%dma_start3A_655 : memref<25088xf32, #tpu.memory_space<hbm>>) target(%arg11 : memref<25088xf32, #tpu.memory_space<vmem>>) target_semaphore(%arg15 : memref<!tpu.dma_semaphore, #tpu.memory_space<semaphore_mem>>)
      } else {
      }
      %mul3A_516 = arith.constant 25088 : i32
      %mul3A_517 = arith.muli %add3A_402, %mul3A_516 : i32
      %add3A_518 = arith.addi %mul3A_4, %mul3A_517 : i32
      %dma_start3A_519 = tpu.memref_slice %arg6[%add3A_518] : memref<19267584xf32, #tpu.memory_space<hbm>> -> memref<25088xf32, #tpu.memory_space<hbm>>
      %dma_start3A_520 = tpu.memref_slice %arg6[%add3A_518] : memref<19267584xf32, #tpu.memory_space<hbm>> -> memref<25088xf32, #tpu.memory_space<hbm>>
      tpu.enqueue_dma source(%arg13 : memref<25088xf32, #tpu.memory_space<vmem>>) target(%dma_start3A_520 : memref<25088xf32, #tpu.memory_space<hbm>>) target_semaphore(%arg17 : memref<!tpu.dma_semaphore, #tpu.memory_space<semaphore_mem>>)
      %mul3A_521 = arith.constant 2 : i32
      %mul3A_522 = arith.muli %mul3A_521, %scan3A_397 : i32
      %add3A_523 = arith.constant 1 : i32
      %add3A_524 = arith.addi %mul3A_522, %add3A_523 : i32
      %dma_wait3A_525 = arith.constant 0 : i32
      %dma_wait3A_526 = tpu.memref_slice %arg5[%dma_wait3A_525] : memref<19267584xf32, #tpu.memory_space<hbm>> -> memref<25088xf32, #tpu.memory_space<hbm>>
      %dma_wait3A_527 = arith.constant 0 : i32
      %dma_wait3A_528 = tpu.memref_slice %arg5[%dma_wait3A_527] : memref<19267584xf32, #tpu.memory_space<hbm>> -> memref<25088xf32, #tpu.memory_space<hbm>>
      tpu.wait_dma2 semaphore(%arg16 : memref<!tpu.dma_semaphore, #tpu.memory_space<semaphore_mem>>) src(%dma_wait3A_528 : memref<25088xf32, #tpu.memory_space<hbm>>) dst(%arg12 : memref<25088xf32, #tpu.memory_space<vmem>>)
      %ge3A_529 = arith.constant 2 : i32
      %ge3A_530 = arith.cmpi sge, %add3A_524, %ge3A_529 : i32
      %convert_element_type3A_531 = arith.extui %ge3A_530 : i1 to i32
      %cond3A_532 = arith.constant 0 : i32
      %cond3A_533 = arith.cmpi ne, %convert_element_type3A_531, %cond3A_532 : i32
      scf.if %cond3A_533 {
        %dma_wait3A_649 = arith.constant 0 : i32
        %dma_wait3A_650 = tpu.memref_slice %arg6[%dma_wait3A_649] : memref<19267584xf32, #tpu.memory_space<hbm>> -> memref<25088xf32, #tpu.memory_space<hbm>>
        %dma_wait3A_651 = arith.constant 0 : i32
        %dma_wait3A_652 = tpu.memref_slice %arg6[%dma_wait3A_651] : memref<19267584xf32, #tpu.memory_space<hbm>> -> memref<25088xf32, #tpu.memory_space<hbm>>
        tpu.wait_dma2 semaphore(%arg18 : memref<!tpu.dma_semaphore, #tpu.memory_space<semaphore_mem>>) src(%arg14 : memref<25088xf32, #tpu.memory_space<vmem>>) dst(%dma_wait3A_652 : memref<25088xf32, #tpu.memory_space<hbm>>)
      } else {
      }
      %get3A_534 = arith.constant 0 : index
      %get3A_535 = tpu.vector_load %arg10[%get3A_534] {strides = array<i32>} : memref<640xf32, #tpu.memory_space<vmem>>, vector<16xf32>,
      %get3A_536 = arith.constant 16 : index
      %get3A_537 = tpu.vector_load %arg10[%get3A_536] {strides = array<i32>} : memref<640xf32, #tpu.memory_space<vmem>>, vector<16xf32>,
      %get3A_538 = arith.constant 32 : index
      %get3A_539 = tpu.vector_load %arg10[%get3A_538] {strides = array<i32>} : memref<640xf32, #tpu.memory_space<vmem>>, vector<16xf32>,
      %get3A_540 = arith.constant 48 : index
      %get3A_541 = tpu.vector_load %arg10[%get3A_540] {strides = array<i32>} : memref<640xf32, #tpu.memory_space<vmem>>, vector<16xf32>,
      %get3A_542 = arith.constant 64 : index
      %get3A_543 = tpu.vector_load %arg10[%get3A_542] {strides = array<i32>} : memref<640xf32, #tpu.memory_space<vmem>>, vector<16xf32>,
      %parallel_loop3A_544 = arith.constant 0 : i32
      %parallel_loop3A_545 = arith.constant 25088 : i32
      %parallel_loop3A_546 = arith.constant 128 : i32
      scf.for %parallel_loop3A_649 = %parallel_loop3A_544 to %parallel_loop3A_545 step %parallel_loop3A_546  : i32 {
        %parallel_loop3A_650 = arith.index_cast %parallel_loop3A_649 : i32 to index
        %parallel_loop3A_651 = tpu.vector_load %arg12[%parallel_loop3A_650] {strides = array<i32>} : memref<25088xf32, #tpu.memory_space<vmem>>, vector<16xf32>,
        %parallel_loop3A_652 = arith.cmpf olt, %parallel_loop3A_651, %get3A_535 : vector<16xf32>
        %parallel_loop3A_653 = arith.mulf %get3A_537, %parallel_loop3A_651 : vector<16xf32>
        %parallel_loop3A_654 = arith.addf %parallel_loop3A_653, %get3A_539 : vector<16xf32>
        %parallel_loop3A_655 = arith.select %parallel_loop3A_652, %parallel_loop3A_651, %parallel_loop3A_654 : vector<16xi1>, vector<16xf32>
        %parallel_loop3A_656 = arith.maximumf %parallel_loop3A_655, %get3A_541 : vector<16xf32>
        %parallel_loop3A_657 = arith.minimumf %parallel_loop3A_656, %get3A_543 : vector<16xf32>
        %parallel_loop3A_658 = arith.index_cast %parallel_loop3A_649 : i32 to index
        %parallel_loop3A_659 = tpu.vector_load %arg14[%parallel_loop3A_658] {strides = array<i32>} : memref<25088xf32, #tpu.memory_space<vmem>>, vector<16xf32>,
        tpu.vector_store %arg14[%parallel_loop3A_658], %parallel_loop3A_657 {strides = array<i32>} : memref<25088xf32, #tpu.memory_space<vmem>>, vector<16xf32>,
      } {sc.loop_unroll_factor = 7 : i64, sc.parallel_access}
      %get3A_547 = arith.constant 80 : index
      %get3A_548 = tpu.vector_load %arg10[%get3A_547] {strides = array<i32>} : memref<640xf32, #tpu.memory_space<vmem>>, vector<16xf32>,
      %get3A_549 = arith.constant 96 : index
      %get3A_550 = tpu.vector_load %arg10[%get3A_549] {strides = array<i32>} : memref<640xf32, #tpu.memory_space<vmem>>, vector<16xf32>,
      %get3A_551 = arith.constant 112 : index
      %get3A_552 = tpu.vector_load %arg10[%get3A_551] {strides = array<i32>} : memref<640xf32, #tpu.memory_space<vmem>>, vector<16xf32>,
      %get3A_553 = arith.constant 128 : index
      %get3A_554 = tpu.vector_load %arg10[%get3A_553] {strides = array<i32>} : memref<640xf32, #tpu.memory_space<vmem>>, vector<16xf32>,
      %get3A_555 = arith.constant 144 : index
      %get3A_556 = tpu.vector_load %arg10[%get3A_555] {strides = array<i32>} : memref<640xf32, #tpu.memory_space<vmem>>, vector<16xf32>,
      %parallel_loop3A_557 = arith.constant 16 : i32
      %parallel_loop3A_558 = arith.constant 25104 : i32
      %parallel_loop3A_559 = arith.constant 128 : i32
      scf.for %parallel_loop3A_649 = %parallel_loop3A_557 to %parallel_loop3A_558 step %parallel_loop3A_559  : i32 {
        %parallel_loop3A_650 = arith.index_cast %parallel_loop3A_649 : i32 to index
        %parallel_loop3A_651 = tpu.vector_load %arg12[%parallel_loop3A_650] {strides = array<i32>} : memref<25088xf32, #tpu.memory_space<vmem>>, vector<16xf32>,
        %parallel_loop3A_652 = arith.cmpf olt, %parallel_loop3A_651, %get3A_548 : vector<16xf32>
        %parallel_loop3A_653 = arith.mulf %get3A_550, %parallel_loop3A_651 : vector<16xf32>
        %parallel_loop3A_654 = arith.addf %parallel_loop3A_653, %get3A_552 : vector<16xf32>
        %parallel_loop3A_655 = arith.select %parallel_loop3A_652, %parallel_loop3A_651, %parallel_loop3A_654 : vector<16xi1>, vector<16xf32>
        %parallel_loop3A_656 = arith.maximumf %parallel_loop3A_655, %get3A_554 : vector<16xf32>
        %parallel_loop3A_657 = arith.minimumf %parallel_loop3A_656, %get3A_556 : vector<16xf32>
        %parallel_loop3A_658 = arith.index_cast %parallel_loop3A_649 : i32 to index
        %parallel_loop3A_659 = tpu.vector_load %arg14[%parallel_loop3A_658] {strides = array<i32>} : memref<25088xf32, #tpu.memory_space<vmem>>, vector<16xf32>,
        tpu.vector_store %arg14[%parallel_loop3A_658], %parallel_loop3A_657 {strides = array<i32>} : memref<25088xf32, #tpu.memory_space<vmem>>, vector<16xf32>,
      } {sc.loop_unroll_factor = 7 : i64, sc.parallel_access}
      %get3A_560 = arith.constant 160 : index
      %get3A_561 = tpu.vector_load %arg10[%get3A_560] {strides = array<i32>} : memref<640xf32, #tpu.memory_space<vmem>>, vector<16xf32>,
      %get3A_562 = arith.constant 176 : index
      %get3A_563 = tpu.vector_load %arg10[%get3A_562] {strides = array<i32>} : memref<640xf32, #tpu.memory_space<vmem>>, vector<16xf32>,
      %get3A_564 = arith.constant 192 : index
      %get3A_565 = tpu.vector_load %arg10[%get3A_564] {strides = array<i32>} : memref<640xf32, #tpu.memory_space<vmem>>, vector<16xf32>,
      %get3A_566 = arith.constant 208 : index
      %get3A_567 = tpu.vector_load %arg10[%get3A_566] {strides = array<i32>} : memref<640xf32, #tpu.memory_space<vmem>>, vector<16xf32>,
      %get3A_568 = arith.constant 224 : index
      %get3A_569 = tpu.vector_load %arg10[%get3A_568] {strides = array<i32>} : memref<640xf32, #tpu.memory_space<vmem>>, vector<16xf32>,
      %parallel_loop3A_570 = arith.constant 32 : i32
      %parallel_loop3A_571 = arith.constant 25120 : i32
      %parallel_loop3A_572 = arith.constant 128 : i32
      scf.for %parallel_loop3A_649 = %parallel_loop3A_570 to %parallel_loop3A_571 step %parallel_loop3A_572  : i32 {
        %parallel_loop3A_650 = arith.index_cast %parallel_loop3A_649 : i32 to index
        %parallel_loop3A_651 = tpu.vector_load %arg12[%parallel_loop3A_650] {strides = array<i32>} : memref<25088xf32, #tpu.memory_space<vmem>>, vector<16xf32>,
        %parallel_loop3A_652 = arith.cmpf olt, %parallel_loop3A_651, %get3A_561 : vector<16xf32>
        %parallel_loop3A_653 = arith.mulf %get3A_563, %parallel_loop3A_651 : vector<16xf32>
        %parallel_loop3A_654 = arith.addf %parallel_loop3A_653, %get3A_565 : vector<16xf32>
        %parallel_loop3A_655 = arith.select %parallel_loop3A_652, %parallel_loop3A_651, %parallel_loop3A_654 : vector<16xi1>, vector<16xf32>
        %parallel_loop3A_656 = arith.maximumf %parallel_loop3A_655, %get3A_567 : vector<16xf32>
        %parallel_loop3A_657 = arith.minimumf %parallel_loop3A_656, %get3A_569 : vector<16xf32>
        %parallel_loop3A_658 = arith.index_cast %parallel_loop3A_649 : i32 to index
        %parallel_loop3A_659 = tpu.vector_load %arg14[%parallel_loop3A_658] {strides = array<i32>} : memref<25088xf32, #tpu.memory_space<vmem>>, vector<16xf32>,
        tpu.vector_store %arg14[%parallel_loop3A_658], %parallel_loop3A_657 {strides = array<i32>} : memref<25088xf32, #tpu.memory_space<vmem>>, vector<16xf32>,
      } {sc.loop_unroll_factor = 7 : i64, sc.parallel_access}
      %get3A_573 = arith.constant 240 : index
      %get3A_574 = tpu.vector_load %arg10[%get3A_573] {strides = array<i32>} : memref<640xf32, #tpu.memory_space<vmem>>, vector<16xf32>,
      %get3A_575 = arith.constant 256 : index
      %get3A_576 = tpu.vector_load %arg10[%get3A_575] {strides = array<i32>} : memref<640xf32, #tpu.memory_space<vmem>>, vector<16xf32>,
      %get3A_577 = arith.constant 272 : index
      %get3A_578 = tpu.vector_load %arg10[%get3A_577] {strides = array<i32>} : memref<640xf32, #tpu.memory_space<vmem>>, vector<16xf32>,
      %get3A_579 = arith.constant 288 : index
      %get3A_580 = tpu.vector_load %arg10[%get3A_579] {strides = array<i32>} : memref<640xf32, #tpu.memory_space<vmem>>, vector<16xf32>,
      %get3A_581 = arith.constant 304 : index
      %get3A_582 = tpu.vector_load %arg10[%get3A_581] {strides = array<i32>} : memref<640xf32, #tpu.memory_space<vmem>>, vector<16xf32>,
      %parallel_loop3A_583 = arith.constant 48 : i32
      %parallel_loop3A_584 = arith.constant 25136 : i32
      %parallel_loop3A_585 = arith.constant 128 : i32
      scf.for %parallel_loop3A_649 = %parallel_loop3A_583 to %parallel_loop3A_584 step %parallel_loop3A_585  : i32 {
        %parallel_loop3A_650 = arith.index_cast %parallel_loop3A_649 : i32 to index
        %parallel_loop3A_651 = tpu.vector_load %arg12[%parallel_loop3A_650] {strides = array<i32>} : memref<25088xf32, #tpu.memory_space<vmem>>, vector<16xf32>,
        %parallel_loop3A_652 = arith.cmpf olt, %parallel_loop3A_651, %get3A_574 : vector<16xf32>
        %parallel_loop3A_653 = arith.mulf %get3A_576, %parallel_loop3A_651 : vector<16xf32>
        %parallel_loop3A_654 = arith.addf %parallel_loop3A_653, %get3A_578 : vector<16xf32>
        %parallel_loop3A_655 = arith.select %parallel_loop3A_652, %parallel_loop3A_651, %parallel_loop3A_654 : vector<16xi1>, vector<16xf32>
        %parallel_loop3A_656 = arith.maximumf %parallel_loop3A_655, %get3A_580 : vector<16xf32>
        %parallel_loop3A_657 = arith.minimumf %parallel_loop3A_656, %get3A_582 : vector<16xf32>
        %parallel_loop3A_658 = arith.index_cast %parallel_loop3A_649 : i32 to index
        %parallel_loop3A_659 = tpu.vector_load %arg14[%parallel_loop3A_658] {strides = array<i32>} : memref<25088xf32, #tpu.memory_space<vmem>>, vector<16xf32>,
        tpu.vector_store %arg14[%parallel_loop3A_658], %parallel_loop3A_657 {strides = array<i32>} : memref<25088xf32, #tpu.memory_space<vmem>>, vector<16xf32>,
      } {sc.loop_unroll_factor = 7 : i64, sc.parallel_access}
      %get3A_586 = arith.constant 320 : index
      %get3A_587 = tpu.vector_load %arg10[%get3A_586] {strides = array<i32>} : memref<640xf32, #tpu.memory_space<vmem>>, vector<16xf32>,
      %get3A_588 = arith.constant 336 : index
      %get3A_589 = tpu.vector_load %arg10[%get3A_588] {strides = array<i32>} : memref<640xf32, #tpu.memory_space<vmem>>, vector<16xf32>,
      %get3A_590 = arith.constant 352 : index
      %get3A_591 = tpu.vector_load %arg10[%get3A_590] {strides = array<i32>} : memref<640xf32, #tpu.memory_space<vmem>>, vector<16xf32>,
      %get3A_592 = arith.constant 368 : index
      %get3A_593 = tpu.vector_load %arg10[%get3A_592] {strides = array<i32>} : memref<640xf32, #tpu.memory_space<vmem>>, vector<16xf32>,
      %get3A_594 = arith.constant 384 : index
      %get3A_595 = tpu.vector_load %arg10[%get3A_594] {strides = array<i32>} : memref<640xf32, #tpu.memory_space<vmem>>, vector<16xf32>,
      %parallel_loop3A_596 = arith.constant 64 : i32
      %parallel_loop3A_597 = arith.constant 25152 : i32
      %parallel_loop3A_598 = arith.constant 128 : i32
      scf.for %parallel_loop3A_649 = %parallel_loop3A_596 to %parallel_loop3A_597 step %parallel_loop3A_598  : i32 {
        %parallel_loop3A_650 = arith.index_cast %parallel_loop3A_649 : i32 to index
        %parallel_loop3A_651 = tpu.vector_load %arg12[%parallel_loop3A_650] {strides = array<i32>} : memref<25088xf32, #tpu.memory_space<vmem>>, vector<16xf32>,
        %parallel_loop3A_652 = arith.cmpf olt, %parallel_loop3A_651, %get3A_587 : vector<16xf32>
        %parallel_loop3A_653 = arith.mulf %get3A_589, %parallel_loop3A_651 : vector<16xf32>
        %parallel_loop3A_654 = arith.addf %parallel_loop3A_653, %get3A_591 : vector<16xf32>
        %parallel_loop3A_655 = arith.select %parallel_loop3A_652, %parallel_loop3A_651, %parallel_loop3A_654 : vector<16xi1>, vector<16xf32>
        %parallel_loop3A_656 = arith.maximumf %parallel_loop3A_655, %get3A_593 : vector<16xf32>
        %parallel_loop3A_657 = arith.minimumf %parallel_loop3A_656, %get3A_595 : vector<16xf32>
        %parallel_loop3A_658 = arith.index_cast %parallel_loop3A_649 : i32 to index
        %parallel_loop3A_659 = tpu.vector_load %arg14[%parallel_loop3A_658] {strides = array<i32>} : memref<25088xf32, #tpu.memory_space<vmem>>, vector<16xf32>,
        tpu.vector_store %arg14[%parallel_loop3A_658], %parallel_loop3A_657 {strides = array<i32>} : memref<25088xf32, #tpu.memory_space<vmem>>, vector<16xf32>,
      } {sc.loop_unroll_factor = 7 : i64, sc.parallel_access}
      %get3A_599 = arith.constant 400 : index
      %get3A_600 = tpu.vector_load %arg10[%get3A_599] {strides = array<i32>} : memref<640xf32, #tpu.memory_space<vmem>>, vector<16xf32>,
      %get3A_601 = arith.constant 416 : index
      %get3A_602 = tpu.vector_load %arg10[%get3A_601] {strides = array<i32>} : memref<640xf32, #tpu.memory_space<vmem>>, vector<16xf32>,
      %get3A_603 = arith.constant 432 : index
      %get3A_604 = tpu.vector_load %arg10[%get3A_603] {strides = array<i32>} : memref<640xf32, #tpu.memory_space<vmem>>, vector<16xf32>,
      %get3A_605 = arith.constant 448 : index
      %get3A_606 = tpu.vector_load %arg10[%get3A_605] {strides = array<i32>} : memref<640xf32, #tpu.memory_space<vmem>>, vector<16xf32>,
      %get3A_607 = arith.constant 464 : index
      %get3A_608 = tpu.vector_load %arg10[%get3A_607] {strides = array<i32>} : memref<640xf32, #tpu.memory_space<vmem>>, vector<16xf32>,
      %parallel_loop3A_609 = arith.constant 80 : i32
      %parallel_loop3A_610 = arith.constant 25168 : i32
      %parallel_loop3A_611 = arith.constant 128 : i32
      scf.for %parallel_loop3A_649 = %parallel_loop3A_609 to %parallel_loop3A_610 step %parallel_loop3A_611  : i32 {
        %parallel_loop3A_650 = arith.index_cast %parallel_loop3A_649 : i32 to index
        %parallel_loop3A_651 = tpu.vector_load %arg12[%parallel_loop3A_650] {strides = array<i32>} : memref<25088xf32, #tpu.memory_space<vmem>>, vector<16xf32>,
        %parallel_loop3A_652 = arith.cmpf olt, %parallel_loop3A_651, %get3A_600 : vector<16xf32>
        %parallel_loop3A_653 = arith.mulf %get3A_602, %parallel_loop3A_651 : vector<16xf32>
        %parallel_loop3A_654 = arith.addf %parallel_loop3A_653, %get3A_604 : vector<16xf32>
        %parallel_loop3A_655 = arith.select %parallel_loop3A_652, %parallel_loop3A_651, %parallel_loop3A_654 : vector<16xi1>, vector<16xf32>
        %parallel_loop3A_656 = arith.maximumf %parallel_loop3A_655, %get3A_606 : vector<16xf32>
        %parallel_loop3A_657 = arith.minimumf %parallel_loop3A_656, %get3A_608 : vector<16xf32>
        %parallel_loop3A_658 = arith.index_cast %parallel_loop3A_649 : i32 to index
        %parallel_loop3A_659 = tpu.vector_load %arg14[%parallel_loop3A_658] {strides = array<i32>} : memref<25088xf32, #tpu.memory_space<vmem>>, vector<16xf32>,
        tpu.vector_store %arg14[%parallel_loop3A_658], %parallel_loop3A_657 {strides = array<i32>} : memref<25088xf32, #tpu.memory_space<vmem>>, vector<16xf32>,
      } {sc.loop_unroll_factor = 7 : i64, sc.parallel_access}
      %get3A_612 = arith.constant 480 : index
      %get3A_613 = tpu.vector_load %arg10[%get3A_612] {strides = array<i32>} : memref<640xf32, #tpu.memory_space<vmem>>, vector<16xf32>,
      %get3A_614 = arith.constant 496 : index
      %get3A_615 = tpu.vector_load %arg10[%get3A_614] {strides = array<i32>} : memref<640xf32, #tpu.memory_space<vmem>>, vector<16xf32>,
      %get3A_616 = arith.constant 512 : index
      %get3A_617 = tpu.vector_load %arg10[%get3A_616] {strides = array<i32>} : memref<640xf32, #tpu.memory_space<vmem>>, vector<16xf32>,
      %get3A_618 = arith.constant 528 : index
      %get3A_619 = tpu.vector_load %arg10[%get3A_618] {strides = array<i32>} : memref<640xf32, #tpu.memory_space<vmem>>, vector<16xf32>,
      %get3A_620 = arith.constant 544 : index
      %get3A_621 = tpu.vector_load %arg10[%get3A_620] {strides = array<i32>} : memref<640xf32, #tpu.memory_space<vmem>>, vector<16xf32>,
      %parallel_loop3A_622 = arith.constant 96 : i32
      %parallel_loop3A_623 = arith.constant 25184 : i32
      %parallel_loop3A_624 = arith.constant 128 : i32
      scf.for %parallel_loop3A_649 = %parallel_loop3A_622 to %parallel_loop3A_623 step %parallel_loop3A_624  : i32 {
        %parallel_loop3A_650 = arith.index_cast %parallel_loop3A_649 : i32 to index
        %parallel_loop3A_651 = tpu.vector_load %arg12[%parallel_loop3A_650] {strides = array<i32>} : memref<25088xf32, #tpu.memory_space<vmem>>, vector<16xf32>,
        %parallel_loop3A_652 = arith.cmpf olt, %parallel_loop3A_651, %get3A_613 : vector<16xf32>
        %parallel_loop3A_653 = arith.mulf %get3A_615, %parallel_loop3A_651 : vector<16xf32>
        %parallel_loop3A_654 = arith.addf %parallel_loop3A_653, %get3A_617 : vector<16xf32>
        %parallel_loop3A_655 = arith.select %parallel_loop3A_652, %parallel_loop3A_651, %parallel_loop3A_654 : vector<16xi1>, vector<16xf32>
        %parallel_loop3A_656 = arith.maximumf %parallel_loop3A_655, %get3A_619 : vector<16xf32>
        %parallel_loop3A_657 = arith.minimumf %parallel_loop3A_656, %get3A_621 : vector<16xf32>
        %parallel_loop3A_658 = arith.index_cast %parallel_loop3A_649 : i32 to index
        %parallel_loop3A_659 = tpu.vector_load %arg14[%parallel_loop3A_658] {strides = array<i32>} : memref<25088xf32, #tpu.memory_space<vmem>>, vector<16xf32>,
        tpu.vector_store %arg14[%parallel_loop3A_658], %parallel_loop3A_657 {strides = array<i32>} : memref<25088xf32, #tpu.memory_space<vmem>>, vector<16xf32>,
      } {sc.loop_unroll_factor = 7 : i64, sc.parallel_access}
      %get3A_625 = arith.constant 560 : index
      %get3A_626 = tpu.vector_load %arg10[%get3A_625] {strides = array<i32>} : memref<640xf32, #tpu.memory_space<vmem>>, vector<16xf32>,
      %get3A_627 = arith.constant 576 : index
      %get3A_628 = tpu.vector_load %arg10[%get3A_627] {strides = array<i32>} : memref<640xf32, #tpu.memory_space<vmem>>, vector<16xf32>,
      %get3A_629 = arith.constant 592 : index
      %get3A_630 = tpu.vector_load %arg10[%get3A_629] {strides = array<i32>} : memref<640xf32, #tpu.memory_space<vmem>>, vector<16xf32>,
      %get3A_631 = arith.constant 608 : index
      %get3A_632 = tpu.vector_load %arg10[%get3A_631] {strides = array<i32>} : memref<640xf32, #tpu.memory_space<vmem>>, vector<16xf32>,
      %get3A_633 = arith.constant 624 : index
      %get3A_634 = tpu.vector_load %arg10[%get3A_633] {strides = array<i32>} : memref<640xf32, #tpu.memory_space<vmem>>, vector<16xf32>,
      %parallel_loop3A_635 = arith.constant 112 : i32
      %parallel_loop3A_636 = arith.constant 25200 : i32
      %parallel_loop3A_637 = arith.constant 128 : i32
      scf.for %parallel_loop3A_649 = %parallel_loop3A_635 to %parallel_loop3A_636 step %parallel_loop3A_637  : i32 {
        %parallel_loop3A_650 = arith.index_cast %parallel_loop3A_649 : i32 to index
        %parallel_loop3A_651 = tpu.vector_load %arg12[%parallel_loop3A_650] {strides = array<i32>} : memref<25088xf32, #tpu.memory_space<vmem>>, vector<16xf32>,
        %parallel_loop3A_652 = arith.cmpf olt, %parallel_loop3A_651, %get3A_626 : vector<16xf32>
        %parallel_loop3A_653 = arith.mulf %get3A_628, %parallel_loop3A_651 : vector<16xf32>
        %parallel_loop3A_654 = arith.addf %parallel_loop3A_653, %get3A_630 : vector<16xf32>
        %parallel_loop3A_655 = arith.select %parallel_loop3A_652, %parallel_loop3A_651, %parallel_loop3A_654 : vector<16xi1>, vector<16xf32>
        %parallel_loop3A_656 = arith.maximumf %parallel_loop3A_655, %get3A_632 : vector<16xf32>
        %parallel_loop3A_657 = arith.minimumf %parallel_loop3A_656, %get3A_634 : vector<16xf32>
        %parallel_loop3A_658 = arith.index_cast %parallel_loop3A_649 : i32 to index
        %parallel_loop3A_659 = tpu.vector_load %arg14[%parallel_loop3A_658] {strides = array<i32>} : memref<25088xf32, #tpu.memory_space<vmem>>, vector<16xf32>,
        tpu.vector_store %arg14[%parallel_loop3A_658], %parallel_loop3A_657 {strides = array<i32>} : memref<25088xf32, #tpu.memory_space<vmem>>, vector<16xf32>,
      } {sc.loop_unroll_factor = 7 : i64, sc.parallel_access}
      %lt3A_638 = arith.constant 22 : i32
      %lt3A_639 = arith.cmpi slt, %add3A_524, %lt3A_638 : i32
      %convert_element_type3A_640 = arith.extui %lt3A_639 : i1 to i32
      %cond3A_641 = arith.constant 0 : i32
      %cond3A_642 = arith.cmpi ne, %convert_element_type3A_640, %cond3A_641 : i32
      scf.if %cond3A_642 {
        %add3A_649 = arith.constant 2 : i32
        %add3A_650 = arith.addi %add3A_524, %add3A_649 : i32
        %mul3A_651 = arith.constant 25088 : i32
        %mul3A_652 = arith.muli %add3A_650, %mul3A_651 : i32
        %add3A_653 = arith.addi %mul3A_4, %mul3A_652 : i32
        %dma_start3A_654 = tpu.memref_slice %arg5[%add3A_653] : memref<19267584xf32, #tpu.memory_space<hbm>> -> memref<25088xf32, #tpu.memory_space<hbm>>
        %dma_start3A_655 = tpu.memref_slice %arg5[%add3A_653] : memref<19267584xf32, #tpu.memory_space<hbm>> -> memref<25088xf32, #tpu.memory_space<hbm>>
        tpu.enqueue_dma source(%dma_start3A_655 : memref<25088xf32, #tpu.memory_space<hbm>>) target(%arg12 : memref<25088xf32, #tpu.memory_space<vmem>>) target_semaphore(%arg16 : memref<!tpu.dma_semaphore, #tpu.memory_space<semaphore_mem>>)
      } else {
      }
      %mul3A_643 = arith.constant 25088 : i32
      %mul3A_644 = arith.muli %add3A_524, %mul3A_643 : i32
      %add3A_645 = arith.addi %mul3A_4, %mul3A_644 : i32
      %dma_start3A_646 = tpu.memref_slice %arg6[%add3A_645] : memref<19267584xf32, #tpu.memory_space<hbm>> -> memref<25088xf32, #tpu.memory_space<hbm>>
      %dma_start3A_647 = tpu.memref_slice %arg6[%add3A_645] : memref<19267584xf32, #tpu.memory_space<hbm>> -> memref<25088xf32, #tpu.memory_space<hbm>>
      tpu.enqueue_dma source(%arg14 : memref<25088xf32, #tpu.memory_space<vmem>>) target(%dma_start3A_647 : memref<25088xf32, #tpu.memory_space<hbm>>) target_semaphore(%arg18 : memref<!tpu.dma_semaphore, #tpu.memory_space<semaphore_mem>>)
      %scan3A_648 = arith.constant 0 : i32
      scf.yield %scan3A_648 : i32
    }
    %scan3A_389 = arith.constant 12 : i32
    %dma_wait3A = arith.constant 0 : i32
    %dma_wait3A_390 = tpu.memref_slice %arg6[%dma_wait3A] : memref<19267584xf32, #tpu.memory_space<hbm>> -> memref<25088xf32, #tpu.memory_space<hbm>>
    %dma_wait3A_391 = arith.constant 0 : i32
    %dma_wait3A_392 = tpu.memref_slice %arg6[%dma_wait3A_391] : memref<19267584xf32, #tpu.memory_space<hbm>> -> memref<25088xf32, #tpu.memory_space<hbm>>
    tpu.wait_dma2 semaphore(%arg17 : memref<!tpu.dma_semaphore, #tpu.memory_space<semaphore_mem>>) src(%arg13 : memref<25088xf32, #tpu.memory_space<vmem>>) dst(%dma_wait3A_392 : memref<25088xf32, #tpu.memory_space<hbm>>)
    %dma_wait3A_393 = arith.constant 0 : i32
    %dma_wait3A_394 = tpu.memref_slice %arg6[%dma_wait3A_393] : memref<19267584xf32, #tpu.memory_space<hbm>> -> memref<25088xf32, #tpu.memory_space<hbm>>
    %dma_wait3A_395 = arith.constant 0 : i32
    %dma_wait3A_396 = tpu.memref_slice %arg6[%dma_wait3A_395] : memref<19267584xf32, #tpu.memory_space<hbm>> -> memref<25088xf32, #tpu.memory_space<hbm>>
    tpu.wait_dma2 semaphore(%arg18 : memref<!tpu.dma_semaphore, #tpu.memory_space<semaphore_mem>>) src(%arg14 : memref<25088xf32, #tpu.memory_space<vmem>>) dst(%dma_wait3A_396 : memref<25088xf32, #tpu.memory_space<hbm>>)
    return
  }
}

</mosaic_0001>

<sc_bundles>
// kernel: _run.3.cloned.1.call-start
scs
__scs_entry_jumppad:
0x0: {  	(pc) =	sbr.rel $0x88, $3  }
0x1: {  	(tag) =	ssettag $0x0;
	lr =	simm.s32 $0x1  }
0x2: {  	[smem:$0x3F9D] =	sst lr;
	_ =	strace $0xD0000000  }
0x3: {  	_ = 	snop  }
0x4: {  	_ = 	snop  }
0x5: {  	_ = 	snop  }
0x6: {  	_ = 	snop  }
0x7: {  	_ = 	snop  }
__scs_overlays_trampoline_lowered:
0x8: {  	[smem:$0x3FAC] =	sst s0  }
0x9: {  	[smem:$0x3FAD] =	sst s1  }
0xa: {  	[smem:$0x3FAE] =	sst s2  }
0xb: {  	[smem:$0x3FAF] =	sst s3  }
0xc: {  	[smem:$0x3FB0] =	sst s4  }
0xd: {  	[smem:$0x3FB1] =	sst s5  }
0xe: {  	[smem:$0x3FB2] =	sst s6  }
0xf: {  	[smem:$0x3FB3] =	sst s7  }
0x10: {  	[smem:$0x3FB4] =	sst s8  }
0x11: {  	[smem:$0x3FB5] =	sst s9;
	s0 =	simm.s32 @!p0 $0x0  }
0x12: {  	s1 =	sld [smem:$0x3F9B];
	s0 =	simm.s32 @p0 $0x1  }
0x13: {  	[smem:$0x3FB6] =	sst s0;
	s0 =	simm.s32 @!p1 $0x0  }
0x14: {  	s2 =	sld [smem:$0x3F9A];
	s0 =	simm.s32 @p1 $0x1  }
0x15: {  	[smem:$0x3FB7] =	sst s0;
	s0 =	simm.s32 @!p2 $0x0  }
0x16: {  	s3 =	sld [smem:$0x3FDB];
	s0 =	simm.s32 @p2 $0x1  }
0x17: {  	s4 =	simm.s32 $0x1BF5;
	[smem:$0x3FB9] =	sst s0  }
0x18: {  	s0 =	sld [smem:$0x3F9C];
	_ =	swait.ge [sflag:s4], $0x0  }
0x19: {  	s7 =	sld [smem:$0x3F9D]  }
0x1a: {  	s8 =	sadd.s32 $0xFFFFE003, lr  }
0x1b: {  	s9 =	sadd.s32 $0xFFFFFEF7, lr;
	s5 =	simm.s32 $0xFFFFFFFF;
	p2 =	slt.u32 s8, $0xFFFFF086  }
0x1c: {  	p1 =	slt.u32 s9, $0xF7A;
	s5 =	simm.s32 @!p2 $0x0  }
0x1d: {  	s5 =	simm.s32 @p1 $0x1;
	p0 =	seq.s32 s7, s2  }
0x1e: {  	s7 =	smul.u32 @!p0 $0xF7A, s2;
	p2 =	seq.s32 @!p0 s5, $0x0  }
0x1f: {  	s9 =	smul.u32 $0xF7A, s1;
	s8 =	simm.s32 @!p0 $0x1BF5;
	p2 =	por !p2, p0  }
0x20: {  	[sflag:s8] =	ssyncset.s32 @!p0 $0xFFFFF086;
	s6 =	sadd.s32 @!p0 s3, s7;
	s7 =	simm.s32 @!p0 $0x108  }
0x21: {  	s3 =	sadd.s32 s3, s9;
	s6 =	sadd.s32 @!p0 $0x88, s6;
	s7 =	simm.s32 @p2 $0x1082  }
0x22: {  	[simem:s7], [sflag:s8] =	dma.local @!p0 [hbm:s6], $0xF7A  }
0x23: {  	s9 =	sor.u32 $0xD0000000, s2;
	s6 =	simm.s32 $0x108;
	_ =	swait.ge @!p0 [sflag:s8], $0x0  }
0x24: {  	s3 =	sadd.s32 $0x88, s3;
	s6 =	simm.s32 @!p1 $0x1082;
	[sflag:s4] =	ssyncset.s32 $0xFFFFF086  }
0x25: {  	[simem:s6], [sflag:s4] =	dma.local [hbm:s3], $0xF7A  }
0x26: {  	[smem:$0x3F9D] =	sst s1;
	(tag) =	ssettag s2;
	_ =	strace s9  }
0x27: {  	s1 =	sld [smem:$0x3FAD]  }
0x28: {  	s2 =	sld [smem:$0x3FAE]  }
0x29: {  	s4 =	sld [smem:$0x3FB0]  }
0x2a: {  	p0 =	seq.s32 s5, $0x0;
	s5 =	sld [smem:$0x3FB1]  }
0x2b: {  	s6 =	sld [smem:$0x3FB2]  }
0x2c: {  	s7 =	sld [smem:$0x3FB3]  }
0x2d: {  	s3 =	simm.s32 $0x108;
	s8 =	sld [smem:$0x3FB4]  }
0x2e: {  	s3 =	simm.s32 @!p0 $0x1082;
	s9 =	sld [smem:$0x3FB5]  }
0x2f: {  	lr =	sadd.s32 s0, s3;
	s0 =	sld [smem:$0x3FAC]  }
0x30: {  	s3 =	sld [smem:$0x3FAF]  }
0x31: {  	[smem:$0x3FB8] =	sst s10  }
0x32: {  	s10 =	sld [smem:$0x3FB6];
	_ =	sdelay $0x3  }
0x33: {  	p0 =	seq.s32 s10, $0x1;
	s10 =	sld [smem:$0x3FB8];
	_ =	sdelay $0x3  }
0x34: {  	[smem:$0x3FB8] =	sst s10  }
0x35: {  	s10 =	sld [smem:$0x3FB7];
	_ =	sdelay $0x3  }
0x36: {  	p1 =	seq.s32 s10, $0x1;
	s10 =	sld [smem:$0x3FB8];
	_ =	sdelay $0x3  }
0x37: {  	[smem:$0x3FB8] =	sst s10  }
0x38: {  	s10 =	sld [smem:$0x3FB9]  }
0x39: {  	_ = 	snop;
	(pc) =	sbr.ind lr, $3  }
0x3a: {  	_ = 	snop  }
0x3b: {  	_ = 	snop  }
0x3c: {  	p2 =	seq.s32 s10, $0x1;
	s10 =	sld [smem:$0x3FB8]  }
0x3d: {  	_ =	shalt  }
0x3e: {  	_ =	shalt  }
0x3f: {  	_ =	shalt  }
0x40: {  	_ =	shalt  }
0x41: {  	_ =	shalt  }
0x42: {  	_ =	shalt  }
0x43: {  	_ =	shalt  }
0x44: {  	_ =	shalt  }
0x45: {  	_ =	shalt  }
0x46: {  	_ =	shalt  }
0x47: {  	_ =	shalt  }
0x48: {  	_ =	shalt  }
0x49: {  	_ =	shalt  }
0x4a: {  	_ =	shalt  }
0x4b: {  	_ =	shalt  }
0x4c: {  	_ =	shalt  }
0x4d: {  	_ =	shalt  }
0x4e: {  	_ =	shalt  }
0x4f: {  	_ =	shalt  }
0x50: {  	_ =	shalt  }
0x51: {  	_ =	shalt  }
0x52: {  	_ =	shalt  }
0x53: {  	_ =	shalt  }
0x54: {  	_ =	shalt  }
0x55: {  	_ =	shalt  }
0x56: {  	_ =	shalt  }
0x57: {  	_ =	shalt  }
0x58: {  	_ =	shalt  }
0x59: {  	_ =	shalt  }
0x5a: {  	_ =	shalt  }
0x5b: {  	_ =	shalt  }
0x5c: {  	_ =	shalt  }
0x5d: {  	_ =	shalt  }
0x5e: {  	_ =	shalt  }
0x5f: {  	_ =	shalt  }
0x60: {  	_ =	shalt  }
0x61: {  	_ =	shalt  }
0x62: {  	_ =	shalt  }
0x63: {  	_ =	shalt  }
0x64: {  	_ =	shalt  }
0x65: {  	_ =	shalt  }
0x66: {  	_ =	shalt  }
0x67: {  	_ =	shalt  }
0x68: {  	_ =	shalt  }
0x69: {  	_ =	shalt  }
0x6a: {  	_ =	shalt  }
0x6b: {  	_ =	shalt  }
0x6c: {  	_ =	shalt  }
0x6d: {  	_ =	shalt  }
0x6e: {  	_ =	shalt  }
0x6f: {  	_ =	shalt  }
0x70: {  	_ =	shalt  }
0x71: {  	_ =	shalt  }
0x72: {  	_ =	shalt  }
0x73: {  	_ =	shalt  }
0x74: {  	_ =	shalt  }
0x75: {  	_ =	shalt  }
0x76: {  	_ =	shalt  }
0x77: {  	_ =	shalt  }
0x78: {  	_ =	shalt  }
0x79: {  	_ =	shalt  }
0x7a: {  	_ =	shalt  }
0x7b: {  	_ =	shalt  }
0x7c: {  	_ =	shalt  }
0x7d: {  	_ =	shalt  }
0x7e: {  	_ =	shalt  }
0x7f: {  	_ =	shalt  }
0x80: {  	_ =	shalt  }
0x81: {  	_ =	shalt  }
0x82: {  	_ =	shalt  }
0x83: {  	_ =	shalt  }
0x84: {  	_ =	shalt  }
0x85: {  	_ =	shalt  }
0x86: {  	_ =	shalt  }
0x87: {  	_ =	shalt  }
.Lfunc_end0:
.L_simem_size_0:
called_computation_lowered:
.L_overlay_start_0:
0x88: {  	s2 =	sld [smem:$0x3FD9]  }
0x89: {  	s3 =	sld [smem:$0x3FFE];
	_ =	sdelay $0x1  }
0x8a: {  	s1 =	srdreg.scid  }
0x8b: {  	s0 =	sand.u32 $0x1, s1  }
0x8c: {  	s18 =	sshll.u32 s0, $0xA;
	s2 =	sadd.s32 s3, s2  }
0x8d: {  	s2 =	sadd.s32 s2, s18  }
0x8e: {  	[smem:$0x3FC4] =	sst s2  }
0x8f: {  	_ = 	snop  }
0x90: {  	s2 =	sld [smem:$0x3FC9]  }
0x91: {  	s19 =	sld [smem:$0x3FC8]  }
0x92: {  	s4 =	sld [smem:$0x3FC7]  }
0x93: {  	s5 =	sld [smem:$0x3FC6]  }
0x94: {  	s6 =	sld [smem:$0x3FD0];
	(tm) =	ssettm $0x1  }
0x95: {  	s7 =	sld [smem:$0x3FFB];
	_ =	sdelay $0x3  }
0x96: {  	_ =	strace s7  }
0x97: {  	s7 =	sld [smem:$0x3FFC];
	_ =	sdelay $0x3  }
0x98: {  	_ =	strace s7  }
0x99: {  	s7 =	sld [smem:$0x3FFD];
	_ =	sdelay $0x3  }
0x9a: {  	_ =	strace s7  }
0x9b: {  	_ =	strace $0x8FFFFFFF  }
0x9c: {  	s20 =	sld [smem:$0x3FDB];
	_ =	sdelay $0x1  }
0x9d: {  	s8 =	simm.s32 $_scs_section_size  }
0x9e: {  	s9 =	simm.s32 $_size__tile_overlayer_lowered;
	s10 =	simm.s32 $_tile_overlayer_lowered  }
0x9f: {  	s23 =	simm.s32 $0x1BFF;
	s22 =	sshll.u32 s10, $0x1;
	s7 =	sadd.s32 s8, s20  }
0xa0: {  	s11 =	simm.s32 $0x0;
	s21 =	sshll.u32 s9, $0x1;
	s9 =	sadd.s32 s22, s7  }
0xa1: {  	[timem:s11], [sflag:s23] =	dma.local [hbm:s9], s21  }
0xa2: {  	_ =	swait.ge [sflag:s23], s21  }
0xa3: {  	s8 =	ssub.s32 $0x0, s21;
	[sflag:s23] =	ssyncset.done $0x0  }
0xa4: {  	[sflag:s23] =	ssyncadd.s32 s8;
	_ =	sdelay $0x1  }
0xa5: {  	s24 =	simm.s32 $0x1B8B  }
0xa6: {  	_ =	swait.ge [sflag:s24], $0x1  }
0xa7: {  	[sflag:s24] =	ssyncset.done $0x0  }
0xa8: {  	s25 =	simm.s32 $0x1B8E;
	[sflag:s24] =	ssyncadd.s32 $0xFFFFFFFF  }
0xa9: {  	s26 =	simm.s32 $execute0_lowered;
	[smem:$0x3FD2] =	sst s25  }
0xaa: {  	s8 =	sshll.u32 s26, $0x1;
	_ =	strace $0x80000046;
	[dreg:$0x1] =	wrdreg $0xFFFFFFFF  }
0xab: {  	s28 =	simm.s32 $_size_execute0_lowered;
	s7 =	sadd.s32 s7, s8;
	[dreg:$0x0] =	wrdreg $0x0  }
0xac: {  	s8 =	sshll.u32 s28, $0x1;
	[dreg:$0x2] =	wrdreg s7  }
0xad: {  	[dreg:$0x3] =	wrdreg s8  }
0xae: {  	[dreg:$0x4] =	wrdreg $0xC0  }
0xaf: {  	_ =	task [dreg:s11], $0x5FFFF  }
0xb0: {  	[dreg:$0x1] =	wrdreg $0xFFFFFFFF  }
0xb1: {  	[dreg:$0x0] =	wrdreg $0x60  }
0xb2: {  	[dreg:$0x2] =	wrdreg s19  }
0xb3: {  	[dreg:$0x3] =	wrdreg s4  }
0xb4: {  	[dreg:$0x4] =	wrdreg s5  }
0xb5: {  	[dreg:$0x5] =	wrdreg s2  }
0xb6: {  	[dreg:$0x6] =	wrdreg s6  }
0xb7: {  	[dreg:$0x7] =	wrdreg $0x9  }
0xb8: {  	_ =	task.clear_ibuf [dreg:s11], $0x8FFFF;
	_ =	strace $0x90000046  }
0xb9: {  	s29 =	simm.s32 $0x9;
	_ =	strace $0x80000048  }
0xba: {  	_ =	swait.ge [sflag:s29], $0x1  }
0xbb: {  	[sflag:s29] =	ssyncadd.s32 $0xFFFFFFFF  }
0xbc: {  	_ =	strace $0x90000048  }
0xbd: {  	_ =	sfence  }
0xbe: {  	s30 =	sld [smem:$0x0];
	_ =	sdelay $0x2  }
0xbf: {  	s31 =	sshll.u32 s1, $0xD;
	s1 =	sshrl.u32 s1, $0x2  }
0xc0: {  	s3 =	sand.u32 $0x4000, s31;
	s1 =	sadd.s32 s1, s30  }
0xc1: {  	s0 =	sor.u32 s3, s0;
	s1 =	sshll.u32 s1, $0x11  }
0xc2: {  	s0 =	sor.u32 s1, s0  }
0xc3: {  	s0 =	sadd.s32 $0x8F2B, s0  }
0xc4: {  	[sflag:s0] =	ssyncadd.remote.s32 $0x1  }
0xc5: {  	_ =	sfence.sel $0xFFFF  }
0xc6: {  	[dreg:$0x0] =	wrdreg $0xFFFFFFFF;
	(pc) =	sbr.abs _section_cstart, $3  }
0xc7: {  	[dreg:$0x1] =	wrdreg $0xFFFFFFFF  }
0xc8: {  	_ =	task.clear_ibuf [dreg:s11], $0x2FFFF;
	_ =	strace $0x9FFFFFFF  }
0xc9: {  	(tm) =	ssettm $0x7FFFFFFF  }
tec
execute0_lowered:
.L_overlay_start_1:
0x0: {  	(tag) =	ssettag $0x1  }
0x1: {  	s1 =	rddreg [dreg:$0x0]  }
0x2: {  	s2 =	rddreg [dreg:$0x1]  }
0x3: {  	s3 =	rddreg [dreg:$0x2]  }
0x4: {  	s4 =	srdreg.scid;
	s5 =	rddreg [dreg:$0x3]  }
0x5: {  	s0 =	stileid.u32;
	s6 =	rddreg [dreg:$0x4]  }
0x6: {  	s15 =	simm.s32 $0x1600;
	s16 =	simm.s32 $0x7800;
	s17 =	simm.s32 $0x5  }
0x7: {  	s18 =	simm.s32 $0x1200;
	s19 =	simm.s32 $0x1280;
	s20 =	simm.s32 $0x1  }
0x8: {  	s21 =	simm.s32 $0xDA00;
	s22 =	simm.s32 $0x2;
	s23 =	simm.s32 $0x13C00  }
0x9: {  	s24 =	simm.s32 $0x3;
	s4 =	sand.u32 $0x1, s4;
	s7 =	sshll.u32 s0, $0x1  }
0xa: {  	s25 =	simm.s32 $0x4;
	s8 =	sor.u32 s4, s7;
	s7 =	simm.s32 $0x0  }
0xb: {  	s4 =	ssub.s32 $0x2, s4;
	s8 =	smul.u32 $0x93000, s8;
	[smem:$0x7FF] =	sst s7  }
0xc: {  	s26 =	simm.s32 $0x0;
	s10 =	sshrl.u32 s4, $0x1;
	_ =	strace $0x80000047  }
0xd: {  	s4 =	ssub.s32 s4, s10;
	s9 =	sadd.s32 $0x6200, s8;
	s11 =	sshrl.u32 s8, $0x3  }
0xe: {  	s13 =	sadd.s32 $0x12600, s8;
	s14 =	smax.u32 s4, $0x1;
	s12 =	sshrl.u32 s9, $0x3  }
0xf: {  	s10 =	sadd.s32 s5, s11;
	s11 =	sadd.s32 s5, s12;
	s12 =	sadd.s32 $0xC400, s8  }
.LBB2_1:
0x10: {  	[tilespmem:s15], [sflag:$0x1] =	stream.linear.gather [hbm4b:s10+s7], $0x6200, $0x38;
	[tilespmem:$0x19E00] =	vst v63  }
0x11: {  	_ = 	snop  }
0x12: {  	[tilespmem:s16], [sflag:$0x2] =	stream.linear.gather [hbm4b:s11+s7], $0x6200, $0x38;
	[tilespmem:$0x19E00] =	vst v63  }
0x13: {  	_ = 	snop  }
0x14: {  	[tilespmem:s7], [sflag:$0x5] =	stream.linear.gather [hbm4b:s1+s7], $0x1200, $0x38;
	[tilespmem:$0x19E00] =	vst v63  }
0x15: {  	_ =	swait.ge [sflag:s17], $0x1200  }
0x16: {  	[sflag:s17] =	ssyncset.done $0x0  }
0x17: {  	[sflag:s17] =	ssyncadd.s32 $0xFFFFEE00  }
0x18: {  	[tilespmem:s18], [sflag:$0x5] =	stream.linear.gather [hbm4b:s2+s7], $0x80, $0x38;
	[tilespmem:$0x19E00] =	vst v63  }
0x19: {  	_ =	swait.ge [sflag:s17], $0x80  }
0x1a: {  	[sflag:s17] =	ssyncset.done $0x0  }
0x1b: {  	[sflag:s17] =	ssyncadd.s32 $0xFFFFFF80  }
0x1c: {  	[tilespmem:s19], [sflag:$0x5] =	stream.linear.gather [hbm4b:s3+s7], $0x100, $0x38;
	[tilespmem:$0x19E00] =	vst v63  }
0x1d: {  	_ =	swait.ge [sflag:s17], $0x100  }
0x1e: {  	[sflag:s17] =	ssyncset.done $0x0  }
0x1f: {  	s4 =	simm.s32 $0x40;
	[sflag:s17] =	ssyncadd.s32 $0xFFFFFF00  }
0x20: {  	v1 =	vld [tilespmem:s4+$0xFFFFFFC0]  }
0x21: {  	v2 =	vld [tilespmem:s4+$0xFFFFFFD0]  }
0x22: {  	v3 =	vld [tilespmem:s4+$0xFFFFFFE0]  }
0x23: {  	v4 =	vld [tilespmem:s4+$0xFFFFFFF0]  }
0x24: {  	v5 =	vld [tilespmem:s4+$0x0]  }
0x25: {  	v7 =	vld [tilespmem:s4+$0x10]  }
0x26: {  	v8 =	vld [tilespmem:s4+$0x20];
	_ =	sdelay $0x1  }
0x27: {  	v11 =	vimm.f32 $-1.000000020e+30;
	s31 =	simm.s32 $0xC0;
	v14 =	vld [tilespmem:s4+$0x30]  }
0x28: {  	v0 =	vimm.s32 $0x0;
	v23 =	vld [tilespmem:s31+$0xFFFFFFC0];
	vm0 =	vgt.f32 v1, v11;
	vm1 =	vgt.f32 v2, v11  }
0x29: {  	v17 =	vld [tilespmem:s31+$0xFFFFFFD0];
	vm2 =	vgt.f32 v3, v11;
	vm3 =	vgt.f32 v4, v11;
	vm4 =	vgt.f32 v5, v11  }
0x2a: {  	v19 =	vld [tilespmem:s31+$0xFFFFFFE0];
	vm5 =	vgt.f32 v7, v11;
	vm6 =	vgt.f32 v8, v11;
	v20 =	vsel vm0, v1, v11  }
0x2b: {  	v12 =	vld [tilespmem:s31+$0xFFFFFFF0];
	v21 =	vsel vm0, s7, v0;
	v18 =	vsel vm1, v2, v11;
	v15 =	vsel vm2, v3, v11  }
0x2c: {  	v10 =	vld [tilespmem:s31+$0x0];
	v13 =	vsel vm3, v4, v11;
	v9 =	vsel vm4, v5, v11;
	vm0 =	vgt.f32 v14, v11  }
0x2d: {  	v6 =	vld [tilespmem:s31+$0x10];
	v7 =	vsel vm5, v7, v11;
	v3 =	vsel vm6, v8, v11;
	v22 =	vsel vm1, s7, v0  }
0x2e: {  	s28 =	simm.s32 $0x1;
	v4 =	vld [tilespmem:s31+$0x20];
	v16 =	vsel vm2, s7, v0;
	v8 =	vsel vm5, s7, v0;
	v5 =	vsel vm6, s7, v0  }
0x2f: {  	s30 =	simm.s32 $0x2;
	s29 =	simm.s32 $0x0;
	s4 =	simm.s32 $0x140;
	v2 =	vld [tilespmem:s31+$0x30];
	v1 =	vsel vm0, v14, v11;
	v14 =	vsel vm3, s7, v0;
	v11 =	vsel vm4, s7, v0  }
.LBB2_2:
0x30: {  	v24 =	vld [tilespmem:s4+$0xFFFFFFC0];
	p0 =	sne.s32 s30, $0x23;
	vm1 =	vgt.f32 v23, v20;
	vm2 =	vgt.f32 v17, v18;
	v0 =	vsel vm0, s29, v0;
	s29 =	smov.u32 s28;
	s28 =	smov.u32 s30  }
0x31: {  	v20 =	vsel vm1, v23, v20;
	v21 =	vsel vm1, s29, v21;
	v18 =	vsel vm2, v17, v18;
	v17 =	vld [tilespmem:s4+$0xFFFFFFD0]  }
0x32: {  	vm3 =	vgt.f32 v12, v13;
	vm1 =	vgt.f32 v19, v15;
	vm4 =	vgt.f32 v10, v9;
	v25 =	vld [tilespmem:s4+$0xFFFFFFE0]  }
.Ltmp0:
0x33: {  	v13 =	vsel vm3, v12, v13;
	v15 =	vsel vm1, v19, v15;
	v9 =	vsel vm4, v10, v9;
	v12 =	vld [tilespmem:s4+$0xFFFFFFF0];
	(pc) =	sbr.rel @p0 .LBB2_2-.Ltmp0, $4  }
0x34: {  	vm5 =	vgt.f32 v6, v7;
	vm6 =	vgt.f32 v4, v3;
	v10 =	vld [tilespmem:s4+$0x0];
	vm0 =	vgt.f32 v2, v1  }
0x35: {  	v7 =	vsel vm5, v6, v7;
	v3 =	vsel vm6, v4, v3;
	v6 =	vld [tilespmem:s4+$0x10];
	v1 =	vsel vm0, v2, v1;
	v23 =	vmovc v24  }
0x36: {  	v22 =	vsel vm2, s29, v22;
	v14 =	vsel vm3, s29, v14;
	v16 =	vsel vm1, s29, v16;
	v4 =	vld [tilespmem:s4+$0x20]  }
0x37: {  	s30 =	sadd.s32 $0x1, s30;
	v11 =	vsel vm4, s29, v11;
	v8 =	vsel vm5, s29, v8;
	v5 =	vsel vm6, s29, v5;
	v2 =	vld [tilespmem:s4+$0x30];
	s4 =	sadd.s32 $0x80, s4;
	v19 =	vmovc v25  }
0x38: {  	vm1 =	vgt.f32 v23, v20  }
0x39: {  	v20 =	vsel vm1, s28, v21;
	_ =	sdelay $0x1  }
0x3a: {  	v21 =	vadd.s32 $0x30, v20  }
0x3b: {  	v30 =	vadd.s32 $0x60, v20  }
0x3c: {  	v24 =	vadd.s32 $0x90, v20  }
0x3d: {  	v26 =	vadd.s32 $0xC0, v20;
	v25 =	vld.idx.msk [tilespmem:v20+s18+$0x0], $0xffff  }
0x3e: {  	v20 =	vld.idx.msk [tilespmem:v20+s19+$0x0], $0xffff  }
0x3f: {  	v21 =	vld.idx.msk [tilespmem:v21+s19+$0x0], $0xffff  }
0x40: {  	v23 =	vld.idx.msk [tilespmem:v30+s19+$0x0], $0xffff  }
0x41: {  	v24 =	vld.idx.msk [tilespmem:v24+s19+$0x0], $0xffff  }
0x42: {  	v31 =	vld.idx.msk [tilespmem:v26+s19+$0x0], $0xffff;
	vm14 =	vlt.f32 v25, $5.000000000e-01  }
0x43: {  	vm2 =	vgt.f32 v17, v18;
	v32 =	vnsel vm14, $0xF149F2CA, v20  }
0x44: {  	v18 =	vsel vm2, s28, v22;
	v33 =	vnsel vm14, $0x3F800000, v21;
	[tilespmem:$0x1380] =	vst v32  }
0x45: {  	v34 =	vnsel vm14, $0x0, v23;
	[tilespmem:$0x1390] =	vst v33  }
0x46: {  	v36 =	vadd.s32 $0x30, v18;
	v35 =	vnsel vm14, $0xF149F2CA, v24;
	[tilespmem:$0x13A0] =	vst v34  }
0x47: {  	v38 =	vadd.s32 $0x60, v18;
	v37 =	vnsel vm14, $0x7149F2CA, v31;
	[tilespmem:$0x13B0] =	vst v35  }
0x48: {  	v39 =	vadd.s32 $0x90, v18;
	[tilespmem:$0x13C0] =	vst v37  }
0x49: {  	v40 =	vadd.s32 $0xC0, v18;
	v22 =	vld.idx.msk [tilespmem:v18+s18+$0x0], $0xffff  }
0x4a: {  	v18 =	vld.idx.msk [tilespmem:v18+s19+$0x0], $0xffff  }
0x4b: {  	v20 =	vld.idx.msk [tilespmem:v36+s19+$0x0], $0xffff  }
0x4c: {  	v17 =	vld.idx.msk [tilespmem:v38+s19+$0x0], $0xffff  }
0x4d: {  	v21 =	vld.idx.msk [tilespmem:v39+s19+$0x0], $0xffff  }
0x4e: {  	v41 =	vld.idx.msk [tilespmem:v40+s19+$0x0], $0xffff;
	vm15 =	vlt.f32 v22, $5.000000000e-01  }
0x4f: {  	vm4 =	vgt.f32 v19, v15;
	v42 =	vnsel vm15, $0xF149F2CA, v18  }
0x50: {  	v16 =	vsel vm4, s28, v16;
	v43 =	vnsel vm15, $0x3F800000, v20;
	[tilespmem:$0x13D0] =	vst v42  }
0x51: {  	v44 =	vnsel vm15, $0x0, v17;
	[tilespmem:$0x13E0] =	vst v43  }
0x52: {  	v46 =	vadd.s32 $0x30, v16;
	v45 =	vnsel vm15, $0xF149F2CA, v21;
	[tilespmem:$0x13F0] =	vst v44  }
0x53: {  	v48 =	vadd.s32 $0x60, v16;
	v47 =	vnsel vm15, $0x7149F2CA, v41;
	[tilespmem:$0x1400] =	vst v45  }
0x54: {  	v49 =	vadd.s32 $0x90, v16;
	[tilespmem:$0x1410] =	vst v47  }
0x55: {  	v51 =	vadd.s32 $0xC0, v16;
	v50 =	vld.idx.msk [tilespmem:v16+s18+$0x0], $0xffff  }
0x56: {  	v16 =	vld.idx.msk [tilespmem:v16+s19+$0x0], $0xffff  }
0x57: {  	v15 =	vld.idx.msk [tilespmem:v46+s19+$0x0], $0xffff  }
0x58: {  	v17 =	vld.idx.msk [tilespmem:v48+s19+$0x0], $0xffff  }
0x59: {  	v18 =	vld.idx.msk [tilespmem:v49+s19+$0x0], $0xffff  }
0x5a: {  	v52 =	vld.idx.msk [tilespmem:v51+s19+$0x0], $0xffff;
	vm5 =	vlt.f32 v50, $5.000000000e-01  }
0x5b: {  	vm6 =	vgt.f32 v12, v13;
	v53 =	vnsel vm5, $0xF149F2CA, v16  }
0x5c: {  	v13 =	vsel vm6, s28, v14;
	v54 =	vnsel vm5, $0x3F800000, v15;
	[tilespmem:$0x1420] =	vst v53  }
0x5d: {  	v55 =	vnsel vm5, $0x0, v17;
	[tilespmem:$0x1430] =	vst v54  }
0x5e: {  	v57 =	vadd.s32 $0x30, v13;
	v56 =	vnsel vm5, $0xF149F2CA, v18;
	[tilespmem:$0x1440] =	vst v55  }
0x5f: {  	v59 =	vadd.s32 $0x60, v13;
	v58 =	vnsel vm5, $0x7149F2CA, v52;
	[tilespmem:$0x1450] =	vst v56  }
0x60: {  	v60 =	vadd.s32 $0x90, v13;
	[tilespmem:$0x1460] =	vst v58  }
0x61: {  	v62 =	vadd.s32 $0xC0, v13;
	v61 =	vld.idx.msk [tilespmem:v13+s18+$0x0], $0xffff  }
0x62: {  	v13 =	vld.idx.msk [tilespmem:v13+s19+$0x0], $0xffff  }
0x63: {  	v12 =	vld.idx.msk [tilespmem:v57+s19+$0x0], $0xffff  }
0x64: {  	v14 =	vld.idx.msk [tilespmem:v59+s19+$0x0], $0xffff  }
0x65: {  	v15 =	vld.idx.msk [tilespmem:v60+s19+$0x0], $0xffff  }
0x66: {  	v63 =	vld.idx.msk [tilespmem:v62+s19+$0x0], $0xffff;
	vm7 =	vlt.f32 v61, $5.000000000e-01  }
0x67: {  	vm8 =	vgt.f32 v10, v9;
	v17 =	vnsel vm7, $0xF149F2CA, v13  }
0x68: {  	v10 =	vsel vm8, s28, v11;
	v18 =	vnsel vm7, $0x3F800000, v12;
	[tilespmem:$0x1470] =	vst v17  }
0x69: {  	v19 =	vnsel vm7, $0x0, v14;
	[tilespmem:$0x1480] =	vst v18  }
0x6a: {  	v21 =	vadd.s32 $0x30, v10;
	v20 =	vnsel vm7, $0xF149F2CA, v15;
	[tilespmem:$0x1490] =	vst v19  }
0x6b: {  	v23 =	vadd.s32 $0x60, v10;
	v22 =	vnsel vm7, $0x7149F2CA, v63;
	[tilespmem:$0x14A0] =	vst v20  }
0x6c: {  	v24 =	vadd.s32 $0x90, v10;
	[tilespmem:$0x14B0] =	vst v22  }
0x6d: {  	v26 =	vadd.s32 $0xC0, v10;
	v25 =	vld.idx.msk [tilespmem:v10+s18+$0x0], $0xffff  }
0x6e: {  	v10 =	vld.idx.msk [tilespmem:v10+s19+$0x0], $0xffff  }
0x6f: {  	v9 =	vld.idx.msk [tilespmem:v21+s19+$0x0], $0xffff  }
0x70: {  	v11 =	vld.idx.msk [tilespmem:v23+s19+$0x0], $0xffff  }
0x71: {  	v12 =	vld.idx.msk [tilespmem:v24+s19+$0x0], $0xffff  }
0x72: {  	v27 =	vld.idx.msk [tilespmem:v26+s19+$0x0], $0xffff;
	vm9 =	vlt.f32 v25, $5.000000000e-01  }
0x73: {  	vm10 =	vgt.f32 v6, v7;
	v28 =	vnsel vm9, $0xF149F2CA, v10  }
0x74: {  	v7 =	vsel vm10, s28, v8;
	v29 =	vnsel vm9, $0x3F800000, v9;
	[tilespmem:$0x14C0] =	vst v28  }
0x75: {  	v30 =	vnsel vm9, $0x0, v11;
	[tilespmem:$0x14D0] =	vst v29  }
0x76: {  	v32 =	vadd.s32 $0x30, v7;
	v31 =	vnsel vm9, $0xF149F2CA, v12;
	[tilespmem:$0x14E0] =	vst v30  }
0x77: {  	v34 =	vadd.s32 $0x60, v7;
	v33 =	vnsel vm9, $0x7149F2CA, v27;
	[tilespmem:$0x14F0] =	vst v31  }
0x78: {  	v35 =	vadd.s32 $0x90, v7;
	[tilespmem:$0x1500] =	vst v33  }
0x79: {  	v37 =	vadd.s32 $0xC0, v7;
	v36 =	vld.idx.msk [tilespmem:v7+s18+$0x0], $0xffff  }
0x7a: {  	v7 =	vld.idx.msk [tilespmem:v7+s19+$0x0], $0xffff  }
0x7b: {  	v6 =	vld.idx.msk [tilespmem:v32+s19+$0x0], $0xffff  }
0x7c: {  	v8 =	vld.idx.msk [tilespmem:v34+s19+$0x0], $0xffff  }
0x7d: {  	v9 =	vld.idx.msk [tilespmem:v35+s19+$0x0], $0xffff  }
0x7e: {  	v38 =	vld.idx.msk [tilespmem:v37+s19+$0x0], $0xffff;
	vm11 =	vlt.f32 v36, $5.000000000e-01  }
0x7f: {  	vm12 =	vgt.f32 v4, v3;
	v39 =	vnsel vm11, $0xF149F2CA, v7  }
0x80: {  	v4 =	vsel vm12, s28, v5;
	v40 =	vnsel vm11, $0x3F800000, v6;
	[tilespmem:$0x1510] =	vst v39  }
0x81: {  	v41 =	vnsel vm11, $0x0, v8;
	[tilespmem:$0x1520] =	vst v40  }
0x82: {  	v43 =	vadd.s32 $0x30, v4;
	v42 =	vnsel vm11, $0xF149F2CA, v9;
	[tilespmem:$0x1530] =	vst v41  }
0x83: {  	v45 =	vadd.s32 $0x60, v4;
	v44 =	vnsel vm11, $0x7149F2CA, v38;
	[tilespmem:$0x1540] =	vst v42  }
0x84: {  	v46 =	vadd.s32 $0x90, v4;
	[tilespmem:$0x1550] =	vst v44  }
0x85: {  	v48 =	vadd.s32 $0xC0, v4;
	v47 =	vld.idx.msk [tilespmem:v4+s18+$0x0], $0xffff  }
0x86: {  	v4 =	vld.idx.msk [tilespmem:v4+s19+$0x0], $0xffff  }
0x87: {  	v3 =	vld.idx.msk [tilespmem:v43+s19+$0x0], $0xffff  }
0x88: {  	v5 =	vld.idx.msk [tilespmem:v45+s19+$0x0], $0xffff  }
0x89: {  	v6 =	vld.idx.msk [tilespmem:v46+s19+$0x0], $0xffff  }
0x8a: {  	v49 =	vld.idx.msk [tilespmem:v48+s19+$0x0], $0xffff;
	vm13 =	vlt.f32 v47, $5.000000000e-01  }
0x8b: {  	v0 =	vsel vm0, s29, v0;
	vm14 =	vgt.f32 v2, v1;
	v50 =	vnsel vm13, $0xF149F2CA, v4  }
0x8c: {  	v0 =	vsel vm14, s28, v0;
	v51 =	vnsel vm13, $0x3F800000, v3;
	[tilespmem:$0x1560] =	vst v50  }
0x8d: {  	v52 =	vnsel vm13, $0x0, v5;
	[tilespmem:$0x1570] =	vst v51  }
0x8e: {  	v54 =	vadd.s32 $0x30, v0;
	v53 =	vnsel vm13, $0xF149F2CA, v6;
	[tilespmem:$0x1580] =	vst v52  }
0x8f: {  	v56 =	vadd.s32 $0x60, v0;
	v55 =	vnsel vm13, $0x7149F2CA, v49;
	[tilespmem:$0x1590] =	vst v53  }
0x90: {  	v57 =	vadd.s32 $0x90, v0;
	[tilespmem:$0x15A0] =	vst v55  }
0x91: {  	v59 =	vadd.s32 $0xC0, v0;
	v58 =	vld.idx.msk [tilespmem:v0+s18+$0x0], $0xffff  }
0x92: {  	v0 =	vld.idx.msk [tilespmem:v0+s19+$0x0], $0xffff  }
0x93: {  	v1 =	vld.idx.msk [tilespmem:v54+s19+$0x0], $0xffff  }
0x94: {  	v2 =	vld.idx.msk [tilespmem:v56+s19+$0x0], $0xffff  }
0x95: {  	v3 =	vld.idx.msk [tilespmem:v57+s19+$0x0], $0xffff  }
0x96: {  	v60 =	vld.idx.msk [tilespmem:v59+s19+$0x0], $0xffff;
	vm15 =	vlt.f32 v58, $5.000000000e-01  }
0x97: {  	v0 =	vnsel vm15, $0xF149F2CA, v0  }
0x98: {  	v1 =	vnsel vm15, $0x3F800000, v1;
	[tilespmem:$0x15B0] =	vst v0  }
0x99: {  	v61 =	vnsel vm15, $0x0, v2;
	[tilespmem:$0x15C0] =	vst v1  }
0x9a: {  	v62 =	vnsel vm15, $0xF149F2CA, v3;
	[tilespmem:$0x15D0] =	vst v61  }
0x9b: {  	v63 =	vnsel vm15, $0x7149F2CA, v60;
	[tilespmem:$0x15E0] =	vst v62  }
0x9c: {  	s28 =	simm.s32 $0x0;
	[tilespmem:$0x15F0] =	vst v63  }
.LBB2_4:
0x9d: {  	_ =	swait.ge [sflag:s20], $0x6200  }
0x9e: {  	p1 =	seq.s32 s28, $0x0;
	[sflag:s20] =	ssyncset.done $0x0  }
0x9f: {  	s4 =	simm.s32 @!p1 $0x3;
	[sflag:s20] =	ssyncadd.s32 $0xFFFF9E00  }
0xa0: {  	_ =	swait.ge @!p1 [sflag:s4], $0x6200  }
0xa1: {  	[sflag:s4] =	ssyncset.done @!p1 $0x0  }
0xa2: {  	[sflag:s4] =	ssyncadd.s32 @!p1 $0xFFFF9E00  }
0xa3: {  	v2 =	vld [tilespmem:$0x1380]  }
0xa4: {  	v3 =	vld [tilespmem:$0x1390]  }
0xa5: {  	s4 =	simm.s32 $0x1780;
	v4 =	vld [tilespmem:$0x13A0]  }
0xa6: {  	v13 =	vld [tilespmem:s4+$0x180]  }
0xa7: {  	v5 =	vld [tilespmem:s4+$0xFFFFFF00]  }
0xa8: {  	v7 =	vld [tilespmem:s4+$0xFFFFFF80]  }
0xa9: {  	v9 =	vld [tilespmem:s4+$0x0]  }
0xaa: {  	v10 =	vld [tilespmem:s4+$0xFFFFFE80]  }
0xab: {  	v1 =	vld [tilespmem:$0x13B0]  }
0xac: {  	v6 =	vld [tilespmem:s4+$0x80]  }
0xad: {  	v8 =	vld [tilespmem:s4+$0x100];
	v11 =	vmul.f32 v13, v3;
	vm0 =	vlt.f32 v5, v2;
	v12 =	vmul.f32 v5, v3  }
0xae: {  	v0 =	vld [tilespmem:$0x13C0];
	vm1 =	vlt.f32 v7, v2;
	v14 =	vmul.f32 v7, v3;
	v16 =	vmul.f32 v9, v3  }
0xaf: {  	vm2 =	vlt.f32 v13, v2;
	v17 =	vmul.f32 v10, v3;
	v15 =	vadd.f32 v11, v4  }
0xb0: {  	vm4 =	vlt.f32 v10, v2;
	vm3 =	vlt.f32 v9, v2;
	v11 =	vadd.f32 v12, v4  }
0xb1: {  	v12 =	vadd.f32 v14, v4;
	v14 =	vmul.f32 v6, v3;
	v15 =	vsel vm2, v13, v15  }
0xb2: {  	v13 =	vadd.f32 v16, v4;
	v16 =	vmul.f32 v8, v3;
	v15 =	vmax.f32 v15, v1  }
0xb3: {  	s29 =	simm.s32 $0xDB80;
	vm5 =	vlt.f32 v6, v2;
	v14 =	vadd.f32 v14, v4;
	v18 =	vmin.f32 v15, v0  }
0xb4: {  	s30 =	simm.s32 $0x0;
	s31 =	simm.s32 $0x1B00;
	vm2 =	vlt.f32 v8, v2;
	v15 =	vadd.f32 v16, v4;
	v16 =	vadd.f32 v17, v4;
	[tilespmem:s29+$0x180] =	vst v18  }
.LBB2_5:
0xb5: {  	v17 =	vld [tilespmem:s31+$0x180];
	s30 =	sadd.s32 $0x380, s30;
	v11 =	vsel vm0, v5, v11;
	v12 =	vsel vm1, v7, v12;
	v13 =	vsel vm3, v9, v13  }
0xb6: {  	v6 =	vsel vm5, v6, v14;
	v8 =	vsel vm2, v8, v15;
	v5 =	vld [tilespmem:s31+$0xFFFFFF00];
	p0 =	slt.u32 s30, $0x5E80;
	v9 =	vsel vm4, v10, v16  }
0xb7: {  	v11 =	vmax.f32 v11, v1;
	v12 =	vmax.f32 v12, v1;
	v7 =	vld [tilespmem:s31+$0xFFFFFF80];
	v10 =	vmax.f32 v9, v1  }
0xb8: {  	v13 =	vmax.f32 v13, v1;
	v14 =	vmax.f32 v6, v1;
	v15 =	vmax.f32 v8, v1;
	v9 =	vld [tilespmem:s31+$0x0]  }
0xb9: {  	v11 =	vmin.f32 v11, v0;
	v12 =	vmin.f32 v12, v0;
	v10 =	vmin.f32 v10, v0;
	v6 =	vld [tilespmem:s31+$0x80]  }
0xba: {  	v13 =	vmin.f32 v13, v0;
	v14 =	vmin.f32 v14, v0;
	v8 =	vld [tilespmem:s31+$0x100];
	v16 =	vmul.f32 v17, v3;
	[tilespmem:s29+$0xFFFFFE80] =	vst v10  }
0xbb: {  	v15 =	vmin.f32 v15, v0;
	v10 =	vld [tilespmem:s31+$0xFFFFFE80];
	vm0 =	vlt.f32 v5, v2;
	v18 =	vmul.f32 v5, v3;
	[tilespmem:s29+$0xFFFFFF00] =	vst v11  }
0xbc: {  	vm1 =	vlt.f32 v7, v2;
	v19 =	vmul.f32 v7, v3;
	v16 =	vadd.f32 v16, v4;
	[tilespmem:s29+$0xFFFFFF80] =	vst v12  }
0xbd: {  	vm2 =	vlt.f32 v17, v2;
	v11 =	vadd.f32 v18, v4;
	v18 =	vmul.f32 v9, v3;
	[tilespmem:s29+$0x0] =	vst v13  }
.Ltmp1:
0xbe: {  	v12 =	vadd.f32 v19, v4;
	v19 =	vmul.f32 v6, v3;
	v16 =	vsel vm2, v17, v16;
	[tilespmem:s29+$0x80] =	vst v14;
	(pc) =	sbr.rel @p0 .LBB2_5-.Ltmp1, $4  }
0xbf: {  	v13 =	vadd.f32 v18, v4;
	v17 =	vmul.f32 v8, v3;
	v16 =	vmax.f32 v16, v1;
	[tilespmem:s29+$0x100] =	vst v15  }
0xc0: {  	s29 =	sadd.s32 $0x380, s29;
	v18 =	vmul.f32 v10, v3;
	v14 =	vadd.f32 v19, v4;
	v16 =	vmin.f32 v16, v0  }
0xc1: {  	vm3 =	vlt.f32 v9, v2;
	vm4 =	vlt.f32 v10, v2;
	v15 =	vadd.f32 v17, v4;
	[tilespmem:s29+$0x180] =	vst v16  }
0xc2: {  	s31 =	sadd.s32 $0x380, s31;
	vm5 =	vlt.f32 v6, v2;
	vm2 =	vlt.f32 v8, v2;
	v16 =	vadd.f32 v18, v4  }
0xc3: {  	v3 =	vsel vm0, v5, v11  }
0xc4: {  	v2 =	vsel vm4, v10, v16;
	v3 =	vmax.f32 v3, v1  }
0xc5: {  	v4 =	vsel vm1, v7, v12;
	v2 =	vmax.f32 v2, v1;
	v3 =	vmin.f32 v3, v0  }
0xc6: {  	v5 =	vsel vm3, v9, v13;
	v4 =	vmax.f32 v4, v1;
	v2 =	vmin.f32 v2, v0;
	[tilespmem:s29+$0xFFFFFF00] =	vst v3  }
0xc7: {  	v5 =	vmax.f32 v5, v1;
	v4 =	vmin.f32 v4, v0;
	[tilespmem:s29+$0xFFFFFE80] =	vst v2;
	v2 =	vsel vm5, v6, v14  }
0xc8: {  	v5 =	vmin.f32 v5, v0;
	v3 =	vsel vm2, v8, v15;
	[tilespmem:s29+$0xFFFFFF80] =	vst v4;
	v2 =	vmax.f32 v2, v1  }
0xc9: {  	[tilespmem:s29+$0x0] =	vst v5;
	v1 =	vmax.f32 v3, v1;
	v2 =	vmin.f32 v2, v0  }
0xca: {  	v0 =	vmin.f32 v1, v0;
	[tilespmem:s29+$0x80] =	vst v2  }
0xcb: {  	[tilespmem:s29+$0x100] =	vst v0  }
0xcc: {  	v2 =	vld [tilespmem:$0x13D0]  }
0xcd: {  	v3 =	vld [tilespmem:$0x13E0]  }
0xce: {  	s4 =	simm.s32 $0x1790;
	v4 =	vld [tilespmem:$0x13F0]  }
0xcf: {  	v13 =	vld [tilespmem:s4+$0x180]  }
0xd0: {  	v5 =	vld [tilespmem:s4+$0xFFFFFF00]  }
0xd1: {  	v7 =	vld [tilespmem:s4+$0xFFFFFF80]  }
0xd2: {  	v9 =	vld [tilespmem:s4+$0x0]  }
0xd3: {  	v10 =	vld [tilespmem:s4+$0xFFFFFE80]  }
0xd4: {  	v1 =	vld [tilespmem:$0x1400]  }
0xd5: {  	v6 =	vld [tilespmem:s4+$0x80]  }
0xd6: {  	v8 =	vld [tilespmem:s4+$0x100];
	v11 =	vmul.f32 v13, v3;
	vm0 =	vlt.f32 v5, v2;
	v12 =	vmul.f32 v5, v3  }
0xd7: {  	v0 =	vld [tilespmem:$0x1410];
	vm1 =	vlt.f32 v7, v2;
	v14 =	vmul.f32 v7, v3;
	v16 =	vmul.f32 v9, v3  }
0xd8: {  	vm2 =	vlt.f32 v13, v2;
	v17 =	vmul.f32 v10, v3;
	v15 =	vadd.f32 v11, v4  }
0xd9: {  	vm4 =	vlt.f32 v10, v2;
	vm3 =	vlt.f32 v9, v2;
	v11 =	vadd.f32 v12, v4  }
0xda: {  	v12 =	vadd.f32 v14, v4;
	v14 =	vmul.f32 v6, v3;
	v15 =	vsel vm2, v13, v15  }
0xdb: {  	v13 =	vadd.f32 v16, v4;
	v16 =	vmul.f32 v8, v3;
	v15 =	vmax.f32 v15, v1  }
0xdc: {  	s29 =	simm.s32 $0xDB90;
	vm5 =	vlt.f32 v6, v2;
	v14 =	vadd.f32 v14, v4;
	v18 =	vmin.f32 v15, v0  }
0xdd: {  	s30 =	simm.s32 $0x10;
	s31 =	simm.s32 $0x1B10;
	vm2 =	vlt.f32 v8, v2;
	v15 =	vadd.f32 v16, v4;
	v16 =	vadd.f32 v17, v4;
	[tilespmem:s29+$0x180] =	vst v18  }
.LBB2_7:
0xde: {  	v17 =	vld [tilespmem:s31+$0x180];
	s30 =	sadd.s32 $0x380, s30;
	v11 =	vsel vm0, v5, v11;
	v12 =	vsel vm1, v7, v12;
	v13 =	vsel vm3, v9, v13  }
0xdf: {  	v6 =	vsel vm5, v6, v14;
	v8 =	vsel vm2, v8, v15;
	v5 =	vld [tilespmem:s31+$0xFFFFFF00];
	p0 =	slt.u32 s30, $0x5E90;
	v9 =	vsel vm4, v10, v16  }
0xe0: {  	v11 =	vmax.f32 v11, v1;
	v12 =	vmax.f32 v12, v1;
	v7 =	vld [tilespmem:s31+$0xFFFFFF80];
	v10 =	vmax.f32 v9, v1  }
0xe1: {  	v13 =	vmax.f32 v13, v1;
	v14 =	vmax.f32 v6, v1;
	v15 =	vmax.f32 v8, v1;
	v9 =	vld [tilespmem:s31+$0x0]  }
0xe2: {  	v11 =	vmin.f32 v11, v0;
	v12 =	vmin.f32 v12, v0;
	v10 =	vmin.f32 v10, v0;
	v6 =	vld [tilespmem:s31+$0x80]  }
0xe3: {  	v13 =	vmin.f32 v13, v0;
	v14 =	vmin.f32 v14, v0;
	v8 =	vld [tilespmem:s31+$0x100];
	v16 =	vmul.f32 v17, v3;
	[tilespmem:s29+$0xFFFFFE80] =	vst v10  }
0xe4: {  	v15 =	vmin.f32 v15, v0;
	v10 =	vld [tilespmem:s31+$0xFFFFFE80];
	vm0 =	vlt.f32 v5, v2;
	v18 =	vmul.f32 v5, v3;
	[tilespmem:s29+$0xFFFFFF00] =	vst v11  }
0xe5: {  	vm1 =	vlt.f32 v7, v2;
	v19 =	vmul.f32 v7, v3;
	v16 =	vadd.f32 v16, v4;
	[tilespmem:s29+$0xFFFFFF80] =	vst v12  }
0xe6: {  	vm2 =	vlt.f32 v17, v2;
	v11 =	vadd.f32 v18, v4;
	v18 =	vmul.f32 v9, v3;
	[tilespmem:s29+$0x0] =	vst v13  }
.Ltmp2:
0xe7: {  	v12 =	vadd.f32 v19, v4;
	v19 =	vmul.f32 v6, v3;
	v16 =	vsel vm2, v17, v16;
	[tilespmem:s29+$0x80] =	vst v14;
	(pc) =	sbr.rel @p0 .LBB2_7-.Ltmp2, $4  }
0xe8: {  	v13 =	vadd.f32 v18, v4;
	v17 =	vmul.f32 v8, v3;
	v16 =	vmax.f32 v16, v1;
	[tilespmem:s29+$0x100] =	vst v15  }
0xe9: {  	s29 =	sadd.s32 $0x380, s29;
	v18 =	vmul.f32 v10, v3;
	v14 =	vadd.f32 v19, v4;
	v16 =	vmin.f32 v16, v0  }
0xea: {  	vm3 =	vlt.f32 v9, v2;
	vm4 =	vlt.f32 v10, v2;
	v15 =	vadd.f32 v17, v4;
	[tilespmem:s29+$0x180] =	vst v16  }
0xeb: {  	s31 =	sadd.s32 $0x380, s31;
	vm5 =	vlt.f32 v6, v2;
	vm2 =	vlt.f32 v8, v2;
	v16 =	vadd.f32 v18, v4  }
0xec: {  	v3 =	vsel vm0, v5, v11  }
0xed: {  	v2 =	vsel vm4, v10, v16;
	v3 =	vmax.f32 v3, v1  }
0xee: {  	v4 =	vsel vm1, v7, v12;
	v2 =	vmax.f32 v2, v1;
	v3 =	vmin.f32 v3, v0  }
0xef: {  	v5 =	vsel vm3, v9, v13;
	v4 =	vmax.f32 v4, v1;
	v2 =	vmin.f32 v2, v0;
	[tilespmem:s29+$0xFFFFFF00] =	vst v3  }
0xf0: {  	v5 =	vmax.f32 v5, v1;
	v4 =	vmin.f32 v4, v0;
	[tilespmem:s29+$0xFFFFFE80] =	vst v2;
	v2 =	vsel vm5, v6, v14  }
0xf1: {  	v5 =	vmin.f32 v5, v0;
	v3 =	vsel vm2, v8, v15;
	[tilespmem:s29+$0xFFFFFF80] =	vst v4;
	v2 =	vmax.f32 v2, v1  }
0xf2: {  	[tilespmem:s29+$0x0] =	vst v5;
	v1 =	vmax.f32 v3, v1;
	v2 =	vmin.f32 v2, v0  }
0xf3: {  	v0 =	vmin.f32 v1, v0;
	[tilespmem:s29+$0x80] =	vst v2  }
0xf4: {  	[tilespmem:s29+$0x100] =	vst v0  }
0xf5: {  	v2 =	vld [tilespmem:$0x1420]  }
0xf6: {  	v3 =	vld [tilespmem:$0x1430]  }
0xf7: {  	s4 =	simm.s32 $0x17A0;
	v4 =	vld [tilespmem:$0x1440]  }
0xf8: {  	v13 =	vld [tilespmem:s4+$0x180]  }
0xf9: {  	v5 =	vld [tilespmem:s4+$0xFFFFFF00]  }
0xfa: {  	v7 =	vld [tilespmem:s4+$0xFFFFFF80]  }
0xfb: {  	v9 =	vld [tilespmem:s4+$0x0]  }
0xfc: {  	v10 =	vld [tilespmem:s4+$0xFFFFFE80]  }
0xfd: {  	v1 =	vld [tilespmem:$0x1450]  }
0xfe: {  	v6 =	vld [tilespmem:s4+$0x80]  }
0xff: {  	v8 =	vld [tilespmem:s4+$0x100];
	v11 =	vmul.f32 v13, v3;
	vm0 =	vlt.f32 v5, v2;
	v12 =	vmul.f32 v5, v3  }
0x100: {  	v0 =	vld [tilespmem:$0x1460];
	vm1 =	vlt.f32 v7, v2;
	v14 =	vmul.f32 v7, v3;
	v16 =	vmul.f32 v9, v3  }
0x101: {  	vm2 =	vlt.f32 v13, v2;
	v17 =	vmul.f32 v10, v3;
	v15 =	vadd.f32 v11, v4  }
0x102: {  	vm4 =	vlt.f32 v10, v2;
	vm3 =	vlt.f32 v9, v2;
	v11 =	vadd.f32 v12, v4  }
0x103: {  	v12 =	vadd.f32 v14, v4;
	v14 =	vmul.f32 v6, v3;
	v15 =	vsel vm2, v13, v15  }
0x104: {  	v13 =	vadd.f32 v16, v4;
	v16 =	vmul.f32 v8, v3;
	v15 =	vmax.f32 v15, v1  }
0x105: {  	s29 =	simm.s32 $0xDBA0;
	vm5 =	vlt.f32 v6, v2;
	v14 =	vadd.f32 v14, v4;
	v18 =	vmin.f32 v15, v0  }
0x106: {  	s30 =	simm.s32 $0x20;
	s31 =	simm.s32 $0x1B20;
	vm2 =	vlt.f32 v8, v2;
	v15 =	vadd.f32 v16, v4;
	v16 =	vadd.f32 v17, v4;
	[tilespmem:s29+$0x180] =	vst v18  }
.LBB2_9:
0x107: {  	v17 =	vld [tilespmem:s31+$0x180];
	s30 =	sadd.s32 $0x380, s30;
	v11 =	vsel vm0, v5, v11;
	v12 =	vsel vm1, v7, v12;
	v13 =	vsel vm3, v9, v13  }
0x108: {  	v6 =	vsel vm5, v6, v14;
	v8 =	vsel vm2, v8, v15;
	v5 =	vld [tilespmem:s31+$0xFFFFFF00];
	p0 =	slt.u32 s30, $0x5EA0;
	v9 =	vsel vm4, v10, v16  }
0x109: {  	v11 =	vmax.f32 v11, v1;
	v12 =	vmax.f32 v12, v1;
	v7 =	vld [tilespmem:s31+$0xFFFFFF80];
	v10 =	vmax.f32 v9, v1  }
0x10a: {  	v13 =	vmax.f32 v13, v1;
	v14 =	vmax.f32 v6, v1;
	v15 =	vmax.f32 v8, v1;
	v9 =	vld [tilespmem:s31+$0x0]  }
0x10b: {  	v11 =	vmin.f32 v11, v0;
	v12 =	vmin.f32 v12, v0;
	v10 =	vmin.f32 v10, v0;
	v6 =	vld [tilespmem:s31+$0x80]  }
0x10c: {  	v13 =	vmin.f32 v13, v0;
	v14 =	vmin.f32 v14, v0;
	v8 =	vld [tilespmem:s31+$0x100];
	v16 =	vmul.f32 v17, v3;
	[tilespmem:s29+$0xFFFFFE80] =	vst v10  }
0x10d: {  	v15 =	vmin.f32 v15, v0;
	v10 =	vld [tilespmem:s31+$0xFFFFFE80];
	vm0 =	vlt.f32 v5, v2;
	v18 =	vmul.f32 v5, v3;
	[tilespmem:s29+$0xFFFFFF00] =	vst v11  }
0x10e: {  	vm1 =	vlt.f32 v7, v2;
	v19 =	vmul.f32 v7, v3;
	v16 =	vadd.f32 v16, v4;
	[tilespmem:s29+$0xFFFFFF80] =	vst v12  }
0x10f: {  	vm2 =	vlt.f32 v17, v2;
	v11 =	vadd.f32 v18, v4;
	v18 =	vmul.f32 v9, v3;
	[tilespmem:s29+$0x0] =	vst v13  }
.Ltmp3:
0x110: {  	v12 =	vadd.f32 v19, v4;
	v19 =	vmul.f32 v6, v3;
	v16 =	vsel vm2, v17, v16;
	[tilespmem:s29+$0x80] =	vst v14;
	(pc) =	sbr.rel @p0 .LBB2_9-.Ltmp3, $4  }
0x111: {  	v13 =	vadd.f32 v18, v4;
	v17 =	vmul.f32 v8, v3;
	v16 =	vmax.f32 v16, v1;
	[tilespmem:s29+$0x100] =	vst v15  }
0x112: {  	s29 =	sadd.s32 $0x380, s29;
	v18 =	vmul.f32 v10, v3;
	v14 =	vadd.f32 v19, v4;
	v16 =	vmin.f32 v16, v0  }
0x113: {  	vm3 =	vlt.f32 v9, v2;
	vm4 =	vlt.f32 v10, v2;
	v15 =	vadd.f32 v17, v4;
	[tilespmem:s29+$0x180] =	vst v16  }
0x114: {  	s31 =	sadd.s32 $0x380, s31;
	vm5 =	vlt.f32 v6, v2;
	vm2 =	vlt.f32 v8, v2;
	v16 =	vadd.f32 v18, v4  }
0x115: {  	v3 =	vsel vm0, v5, v11  }
0x116: {  	v2 =	vsel vm4, v10, v16;
	v3 =	vmax.f32 v3, v1  }
0x117: {  	v4 =	vsel vm1, v7, v12;
	v2 =	vmax.f32 v2, v1;
	v3 =	vmin.f32 v3, v0  }
0x118: {  	v5 =	vsel vm3, v9, v13;
	v4 =	vmax.f32 v4, v1;
	v2 =	vmin.f32 v2, v0;
	[tilespmem:s29+$0xFFFFFF00] =	vst v3  }
0x119: {  	v5 =	vmax.f32 v5, v1;
	v4 =	vmin.f32 v4, v0;
	[tilespmem:s29+$0xFFFFFE80] =	vst v2;
	v2 =	vsel vm5, v6, v14  }
0x11a: {  	v5 =	vmin.f32 v5, v0;
	v3 =	vsel vm2, v8, v15;
	[tilespmem:s29+$0xFFFFFF80] =	vst v4;
	v2 =	vmax.f32 v2, v1  }
0x11b: {  	[tilespmem:s29+$0x0] =	vst v5;
	v1 =	vmax.f32 v3, v1;
	v2 =	vmin.f32 v2, v0  }
0x11c: {  	v0 =	vmin.f32 v1, v0;
	[tilespmem:s29+$0x80] =	vst v2  }
0x11d: {  	[tilespmem:s29+$0x100] =	vst v0  }
0x11e: {  	v2 =	vld [tilespmem:$0x1470]  }
0x11f: {  	v3 =	vld [tilespmem:$0x1480]  }
0x120: {  	s4 =	simm.s32 $0x17B0;
	v4 =	vld [tilespmem:$0x1490]  }
0x121: {  	v13 =	vld [tilespmem:s4+$0x180]  }
0x122: {  	v5 =	vld [tilespmem:s4+$0xFFFFFF00]  }
0x123: {  	v7 =	vld [tilespmem:s4+$0xFFFFFF80]  }
0x124: {  	v9 =	vld [tilespmem:s4+$0x0]  }
0x125: {  	v10 =	vld [tilespmem:s4+$0xFFFFFE80]  }
0x126: {  	v1 =	vld [tilespmem:$0x14A0]  }
0x127: {  	v6 =	vld [tilespmem:s4+$0x80]  }
0x128: {  	v8 =	vld [tilespmem:s4+$0x100];
	v11 =	vmul.f32 v13, v3;
	vm0 =	vlt.f32 v5, v2;
	v12 =	vmul.f32 v5, v3  }
0x129: {  	v0 =	vld [tilespmem:$0x14B0];
	vm1 =	vlt.f32 v7, v2;
	v14 =	vmul.f32 v7, v3;
	v16 =	vmul.f32 v9, v3  }
0x12a: {  	vm2 =	vlt.f32 v13, v2;
	v17 =	vmul.f32 v10, v3;
	v15 =	vadd.f32 v11, v4  }
0x12b: {  	vm4 =	vlt.f32 v10, v2;
	vm3 =	vlt.f32 v9, v2;
	v11 =	vadd.f32 v12, v4  }
0x12c: {  	v12 =	vadd.f32 v14, v4;
	v14 =	vmul.f32 v6, v3;
	v15 =	vsel vm2, v13, v15  }
0x12d: {  	v13 =	vadd.f32 v16, v4;
	v16 =	vmul.f32 v8, v3;
	v15 =	vmax.f32 v15, v1  }
0x12e: {  	s29 =	simm.s32 $0xDBB0;
	vm5 =	vlt.f32 v6, v2;
	v14 =	vadd.f32 v14, v4;
	v18 =	vmin.f32 v15, v0  }
0x12f: {  	s30 =	simm.s32 $0x30;
	s31 =	simm.s32 $0x1B30;
	vm2 =	vlt.f32 v8, v2;
	v15 =	vadd.f32 v16, v4;
	v16 =	vadd.f32 v17, v4;
	[tilespmem:s29+$0x180] =	vst v18  }
.LBB2_11:
0x130: {  	v17 =	vld [tilespmem:s31+$0x180];
	s30 =	sadd.s32 $0x380, s30;
	v11 =	vsel vm0, v5, v11;
	v12 =	vsel vm1, v7, v12;
	v13 =	vsel vm3, v9, v13  }
0x131: {  	v6 =	vsel vm5, v6, v14;
	v8 =	vsel vm2, v8, v15;
	v5 =	vld [tilespmem:s31+$0xFFFFFF00];
	p0 =	slt.u32 s30, $0x5EB0;
	v9 =	vsel vm4, v10, v16  }
0x132: {  	v11 =	vmax.f32 v11, v1;
	v12 =	vmax.f32 v12, v1;
	v7 =	vld [tilespmem:s31+$0xFFFFFF80];
	v10 =	vmax.f32 v9, v1  }
0x133: {  	v13 =	vmax.f32 v13, v1;
	v14 =	vmax.f32 v6, v1;
	v15 =	vmax.f32 v8, v1;
	v9 =	vld [tilespmem:s31+$0x0]  }
0x134: {  	v11 =	vmin.f32 v11, v0;
	v12 =	vmin.f32 v12, v0;
	v10 =	vmin.f32 v10, v0;
	v6 =	vld [tilespmem:s31+$0x80]  }
0x135: {  	v13 =	vmin.f32 v13, v0;
	v14 =	vmin.f32 v14, v0;
	v8 =	vld [tilespmem:s31+$0x100];
	v16 =	vmul.f32 v17, v3;
	[tilespmem:s29+$0xFFFFFE80] =	vst v10  }
0x136: {  	v15 =	vmin.f32 v15, v0;
	v10 =	vld [tilespmem:s31+$0xFFFFFE80];
	vm0 =	vlt.f32 v5, v2;
	v18 =	vmul.f32 v5, v3;
	[tilespmem:s29+$0xFFFFFF00] =	vst v11  }
0x137: {  	vm1 =	vlt.f32 v7, v2;
	v19 =	vmul.f32 v7, v3;
	v16 =	vadd.f32 v16, v4;
	[tilespmem:s29+$0xFFFFFF80] =	vst v12  }
0x138: {  	vm2 =	vlt.f32 v17, v2;
	v11 =	vadd.f32 v18, v4;
	v18 =	vmul.f32 v9, v3;
	[tilespmem:s29+$0x0] =	vst v13  }
.Ltmp4:
0x139: {  	v12 =	vadd.f32 v19, v4;
	v19 =	vmul.f32 v6, v3;
	v16 =	vsel vm2, v17, v16;
	[tilespmem:s29+$0x80] =	vst v14;
	(pc) =	sbr.rel @p0 .LBB2_11-.Ltmp4, $4  }
0x13a: {  	v13 =	vadd.f32 v18, v4;
	v17 =	vmul.f32 v8, v3;
	v16 =	vmax.f32 v16, v1;
	[tilespmem:s29+$0x100] =	vst v15  }
0x13b: {  	s29 =	sadd.s32 $0x380, s29;
	v18 =	vmul.f32 v10, v3;
	v14 =	vadd.f32 v19, v4;
	v16 =	vmin.f32 v16, v0  }
0x13c: {  	vm3 =	vlt.f32 v9, v2;
	vm4 =	vlt.f32 v10, v2;
	v15 =	vadd.f32 v17, v4;
	[tilespmem:s29+$0x180] =	vst v16  }
0x13d: {  	s31 =	sadd.s32 $0x380, s31;
	vm5 =	vlt.f32 v6, v2;
	vm2 =	vlt.f32 v8, v2;
	v16 =	vadd.f32 v18, v4  }
0x13e: {  	v3 =	vsel vm0, v5, v11  }
0x13f: {  	v2 =	vsel vm4, v10, v16;
	v3 =	vmax.f32 v3, v1  }
0x140: {  	v4 =	vsel vm1, v7, v12;
	v2 =	vmax.f32 v2, v1;
	v3 =	vmin.f32 v3, v0  }
0x141: {  	v5 =	vsel vm3, v9, v13;
	v4 =	vmax.f32 v4, v1;
	v2 =	vmin.f32 v2, v0;
	[tilespmem:s29+$0xFFFFFF00] =	vst v3  }
0x142: {  	v5 =	vmax.f32 v5, v1;
	v4 =	vmin.f32 v4, v0;
	[tilespmem:s29+$0xFFFFFE80] =	vst v2;
	v2 =	vsel vm5, v6, v14  }
0x143: {  	v5 =	vmin.f32 v5, v0;
	v3 =	vsel vm2, v8, v15;
	[tilespmem:s29+$0xFFFFFF80] =	vst v4;
	v2 =	vmax.f32 v2, v1  }
0x144: {  	[tilespmem:s29+$0x0] =	vst v5;
	v1 =	vmax.f32 v3, v1;
	v2 =	vmin.f32 v2, v0  }
0x145: {  	v0 =	vmin.f32 v1, v0;
	[tilespmem:s29+$0x80] =	vst v2  }
0x146: {  	[tilespmem:s29+$0x100] =	vst v0  }
0x147: {  	v2 =	vld [tilespmem:$0x14C0]  }
0x148: {  	v3 =	vld [tilespmem:$0x14D0]  }
0x149: {  	s4 =	simm.s32 $0x17C0;
	v4 =	vld [tilespmem:$0x14E0]  }
0x14a: {  	v13 =	vld [tilespmem:s4+$0x180]  }
0x14b: {  	v5 =	vld [tilespmem:s4+$0xFFFFFF00]  }
0x14c: {  	v7 =	vld [tilespmem:s4+$0xFFFFFF80]  }
0x14d: {  	v9 =	vld [tilespmem:s4+$0x0]  }
0x14e: {  	v10 =	vld [tilespmem:s4+$0xFFFFFE80]  }
0x14f: {  	v1 =	vld [tilespmem:$0x14F0]  }
0x150: {  	v6 =	vld [tilespmem:s4+$0x80]  }
0x151: {  	v8 =	vld [tilespmem:s4+$0x100];
	v11 =	vmul.f32 v13, v3;
	vm0 =	vlt.f32 v5, v2;
	v12 =	vmul.f32 v5, v3  }
0x152: {  	v0 =	vld [tilespmem:$0x1500];
	vm1 =	vlt.f32 v7, v2;
	v14 =	vmul.f32 v7, v3;
	v16 =	vmul.f32 v9, v3  }
0x153: {  	vm2 =	vlt.f32 v13, v2;
	v17 =	vmul.f32 v10, v3;
	v15 =	vadd.f32 v11, v4  }
0x154: {  	vm4 =	vlt.f32 v10, v2;
	vm3 =	vlt.f32 v9, v2;
	v11 =	vadd.f32 v12, v4  }
0x155: {  	v12 =	vadd.f32 v14, v4;
	v14 =	vmul.f32 v6, v3;
	v15 =	vsel vm2, v13, v15  }
0x156: {  	v13 =	vadd.f32 v16, v4;
	v16 =	vmul.f32 v8, v3;
	v15 =	vmax.f32 v15, v1  }
0x157: {  	s29 =	simm.s32 $0xDBC0;
	vm5 =	vlt.f32 v6, v2;
	v14 =	vadd.f32 v14, v4;
	v18 =	vmin.f32 v15, v0  }
0x158: {  	s30 =	simm.s32 $0x40;
	s31 =	simm.s32 $0x1B40;
	vm2 =	vlt.f32 v8, v2;
	v15 =	vadd.f32 v16, v4;
	v16 =	vadd.f32 v17, v4;
	[tilespmem:s29+$0x180] =	vst v18  }
.LBB2_13:
0x159: {  	v17 =	vld [tilespmem:s31+$0x180];
	s30 =	sadd.s32 $0x380, s30;
	v11 =	vsel vm0, v5, v11;
	v12 =	vsel vm1, v7, v12;
	v13 =	vsel vm3, v9, v13  }
0x15a: {  	v6 =	vsel vm5, v6, v14;
	v8 =	vsel vm2, v8, v15;
	v5 =	vld [tilespmem:s31+$0xFFFFFF00];
	p0 =	slt.u32 s30, $0x5EC0;
	v9 =	vsel vm4, v10, v16  }
0x15b: {  	v11 =	vmax.f32 v11, v1;
	v12 =	vmax.f32 v12, v1;
	v7 =	vld [tilespmem:s31+$0xFFFFFF80];
	v10 =	vmax.f32 v9, v1  }
0x15c: {  	v13 =	vmax.f32 v13, v1;
	v14 =	vmax.f32 v6, v1;
	v15 =	vmax.f32 v8, v1;
	v9 =	vld [tilespmem:s31+$0x0]  }
0x15d: {  	v11 =	vmin.f32 v11, v0;
	v12 =	vmin.f32 v12, v0;
	v10 =	vmin.f32 v10, v0;
	v6 =	vld [tilespmem:s31+$0x80]  }
0x15e: {  	v13 =	vmin.f32 v13, v0;
	v14 =	vmin.f32 v14, v0;
	v8 =	vld [tilespmem:s31+$0x100];
	v16 =	vmul.f32 v17, v3;
	[tilespmem:s29+$0xFFFFFE80] =	vst v10  }
0x15f: {  	v15 =	vmin.f32 v15, v0;
	v10 =	vld [tilespmem:s31+$0xFFFFFE80];
	vm0 =	vlt.f32 v5, v2;
	v18 =	vmul.f32 v5, v3;
	[tilespmem:s29+$0xFFFFFF00] =	vst v11  }
0x160: {  	vm1 =	vlt.f32 v7, v2;
	v19 =	vmul.f32 v7, v3;
	v16 =	vadd.f32 v16, v4;
	[tilespmem:s29+$0xFFFFFF80] =	vst v12  }
0x161: {  	vm2 =	vlt.f32 v17, v2;
	v11 =	vadd.f32 v18, v4;
	v18 =	vmul.f32 v9, v3;
	[tilespmem:s29+$0x0] =	vst v13  }
.Ltmp5:
0x162: {  	v12 =	vadd.f32 v19, v4;
	v19 =	vmul.f32 v6, v3;
	v16 =	vsel vm2, v17, v16;
	[tilespmem:s29+$0x80] =	vst v14;
	(pc) =	sbr.rel @p0 .LBB2_13-.Ltmp5, $4  }
0x163: {  	v13 =	vadd.f32 v18, v4;
	v17 =	vmul.f32 v8, v3;
	v16 =	vmax.f32 v16, v1;
	[tilespmem:s29+$0x100] =	vst v15  }
0x164: {  	s29 =	sadd.s32 $0x380, s29;
	v18 =	vmul.f32 v10, v3;
	v14 =	vadd.f32 v19, v4;
	v16 =	vmin.f32 v16, v0  }
0x165: {  	vm3 =	vlt.f32 v9, v2;
	vm4 =	vlt.f32 v10, v2;
	v15 =	vadd.f32 v17, v4;
	[tilespmem:s29+$0x180] =	vst v16  }
0x166: {  	s31 =	sadd.s32 $0x380, s31;
	vm5 =	vlt.f32 v6, v2;
	vm2 =	vlt.f32 v8, v2;
	v16 =	vadd.f32 v18, v4  }
0x167: {  	v3 =	vsel vm0, v5, v11  }
0x168: {  	v2 =	vsel vm4, v10, v16;
	v3 =	vmax.f32 v3, v1  }
0x169: {  	v4 =	vsel vm1, v7, v12;
	v2 =	vmax.f32 v2, v1;
	v3 =	vmin.f32 v3, v0  }
0x16a: {  	v5 =	vsel vm3, v9, v13;
	v4 =	vmax.f32 v4, v1;
	v2 =	vmin.f32 v2, v0;
	[tilespmem:s29+$0xFFFFFF00] =	vst v3  }
0x16b: {  	v5 =	vmax.f32 v5, v1;
	v4 =	vmin.f32 v4, v0;
	[tilespmem:s29+$0xFFFFFE80] =	vst v2;
	v2 =	vsel vm5, v6, v14  }
0x16c: {  	v5 =	vmin.f32 v5, v0;
	v3 =	vsel vm2, v8, v15;
	[tilespmem:s29+$0xFFFFFF80] =	vst v4;
	v2 =	vmax.f32 v2, v1  }
0x16d: {  	[tilespmem:s29+$0x0] =	vst v5;
	v1 =	vmax.f32 v3, v1;
	v2 =	vmin.f32 v2, v0  }
0x16e: {  	v0 =	vmin.f32 v1, v0;
	[tilespmem:s29+$0x80] =	vst v2  }
0x16f: {  	[tilespmem:s29+$0x100] =	vst v0  }
0x170: {  	v2 =	vld [tilespmem:$0x1510]  }
0x171: {  	v3 =	vld [tilespmem:$0x1520]  }
0x172: {  	s4 =	simm.s32 $0x17D0;
	v4 =	vld [tilespmem:$0x1530]  }
0x173: {  	v13 =	vld [tilespmem:s4+$0x180]  }
0x174: {  	v5 =	vld [tilespmem:s4+$0xFFFFFF00]  }
0x175: {  	v7 =	vld [tilespmem:s4+$0xFFFFFF80]  }
0x176: {  	v9 =	vld [tilespmem:s4+$0x0]  }
0x177: {  	v10 =	vld [tilespmem:s4+$0xFFFFFE80]  }
0x178: {  	v1 =	vld [tilespmem:$0x1540]  }
0x179: {  	v6 =	vld [tilespmem:s4+$0x80]  }
0x17a: {  	v8 =	vld [tilespmem:s4+$0x100];
	v11 =	vmul.f32 v13, v3;
	vm0 =	vlt.f32 v5, v2;
	v12 =	vmul.f32 v5, v3  }
0x17b: {  	v0 =	vld [tilespmem:$0x1550];
	vm1 =	vlt.f32 v7, v2;
	v14 =	vmul.f32 v7, v3;
	v16 =	vmul.f32 v9, v3  }
0x17c: {  	vm2 =	vlt.f32 v13, v2;
	v17 =	vmul.f32 v10, v3;
	v15 =	vadd.f32 v11, v4  }
0x17d: {  	vm4 =	vlt.f32 v10, v2;
	vm3 =	vlt.f32 v9, v2;
	v11 =	vadd.f32 v12, v4  }
0x17e: {  	v12 =	vadd.f32 v14, v4;
	v14 =	vmul.f32 v6, v3;
	v15 =	vsel vm2, v13, v15  }
0x17f: {  	v13 =	vadd.f32 v16, v4;
	v16 =	vmul.f32 v8, v3;
	v15 =	vmax.f32 v15, v1  }
0x180: {  	s29 =	simm.s32 $0xDBD0;
	vm5 =	vlt.f32 v6, v2;
	v14 =	vadd.f32 v14, v4;
	v18 =	vmin.f32 v15, v0  }
0x181: {  	s30 =	simm.s32 $0x50;
	s31 =	simm.s32 $0x1B50;
	vm2 =	vlt.f32 v8, v2;
	v15 =	vadd.f32 v16, v4;
	v16 =	vadd.f32 v17, v4;
	[tilespmem:s29+$0x180] =	vst v18  }
.LBB2_15:
0x182: {  	v17 =	vld [tilespmem:s31+$0x180];
	s30 =	sadd.s32 $0x380, s30;
	v11 =	vsel vm0, v5, v11;
	v12 =	vsel vm1, v7, v12;
	v13 =	vsel vm3, v9, v13  }
0x183: {  	v6 =	vsel vm5, v6, v14;
	v8 =	vsel vm2, v8, v15;
	v5 =	vld [tilespmem:s31+$0xFFFFFF00];
	p0 =	slt.u32 s30, $0x5ED0;
	v9 =	vsel vm4, v10, v16  }
0x184: {  	v11 =	vmax.f32 v11, v1;
	v12 =	vmax.f32 v12, v1;
	v7 =	vld [tilespmem:s31+$0xFFFFFF80];
	v10 =	vmax.f32 v9, v1  }
0x185: {  	v13 =	vmax.f32 v13, v1;
	v14 =	vmax.f32 v6, v1;
	v15 =	vmax.f32 v8, v1;
	v9 =	vld [tilespmem:s31+$0x0]  }
0x186: {  	v11 =	vmin.f32 v11, v0;
	v12 =	vmin.f32 v12, v0;
	v10 =	vmin.f32 v10, v0;
	v6 =	vld [tilespmem:s31+$0x80]  }
0x187: {  	v13 =	vmin.f32 v13, v0;
	v14 =	vmin.f32 v14, v0;
	v8 =	vld [tilespmem:s31+$0x100];
	v16 =	vmul.f32 v17, v3;
	[tilespmem:s29+$0xFFFFFE80] =	vst v10  }
0x188: {  	v15 =	vmin.f32 v15, v0;
	v10 =	vld [tilespmem:s31+$0xFFFFFE80];
	vm0 =	vlt.f32 v5, v2;
	v18 =	vmul.f32 v5, v3;
	[tilespmem:s29+$0xFFFFFF00] =	vst v11  }
0x189: {  	vm1 =	vlt.f32 v7, v2;
	v19 =	vmul.f32 v7, v3;
	v16 =	vadd.f32 v16, v4;
	[tilespmem:s29+$0xFFFFFF80] =	vst v12  }
0x18a: {  	vm2 =	vlt.f32 v17, v2;
	v11 =	vadd.f32 v18, v4;
	v18 =	vmul.f32 v9, v3;
	[tilespmem:s29+$0x0] =	vst v13  }
.Ltmp6:
0x18b: {  	v12 =	vadd.f32 v19, v4;
	v19 =	vmul.f32 v6, v3;
	v16 =	vsel vm2, v17, v16;
	[tilespmem:s29+$0x80] =	vst v14;
	(pc) =	sbr.rel @p0 .LBB2_15-.Ltmp6, $4  }
0x18c: {  	v13 =	vadd.f32 v18, v4;
	v17 =	vmul.f32 v8, v3;
	v16 =	vmax.f32 v16, v1;
	[tilespmem:s29+$0x100] =	vst v15  }
0x18d: {  	s29 =	sadd.s32 $0x380, s29;
	v18 =	vmul.f32 v10, v3;
	v14 =	vadd.f32 v19, v4;
	v16 =	vmin.f32 v16, v0  }
0x18e: {  	vm3 =	vlt.f32 v9, v2;
	vm4 =	vlt.f32 v10, v2;
	v15 =	vadd.f32 v17, v4;
	[tilespmem:s29+$0x180] =	vst v16  }
0x18f: {  	s31 =	sadd.s32 $0x380, s31;
	vm5 =	vlt.f32 v6, v2;
	vm2 =	vlt.f32 v8, v2;
	v16 =	vadd.f32 v18, v4  }
0x190: {  	v3 =	vsel vm0, v5, v11  }
0x191: {  	v2 =	vsel vm4, v10, v16;
	v3 =	vmax.f32 v3, v1  }
0x192: {  	v4 =	vsel vm1, v7, v12;
	v2 =	vmax.f32 v2, v1;
	v3 =	vmin.f32 v3, v0  }
0x193: {  	v5 =	vsel vm3, v9, v13;
	v4 =	vmax.f32 v4, v1;
	v2 =	vmin.f32 v2, v0;
	[tilespmem:s29+$0xFFFFFF00] =	vst v3  }
0x194: {  	v5 =	vmax.f32 v5, v1;
	v4 =	vmin.f32 v4, v0;
	[tilespmem:s29+$0xFFFFFE80] =	vst v2;
	v2 =	vsel vm5, v6, v14  }
0x195: {  	v5 =	vmin.f32 v5, v0;
	v3 =	vsel vm2, v8, v15;
	[tilespmem:s29+$0xFFFFFF80] =	vst v4;
	v2 =	vmax.f32 v2, v1  }
0x196: {  	[tilespmem:s29+$0x0] =	vst v5;
	v1 =	vmax.f32 v3, v1;
	v2 =	vmin.f32 v2, v0  }
0x197: {  	v0 =	vmin.f32 v1, v0;
	[tilespmem:s29+$0x80] =	vst v2  }
0x198: {  	[tilespmem:s29+$0x100] =	vst v0  }
0x199: {  	v2 =	vld [tilespmem:$0x1560]  }
0x19a: {  	v3 =	vld [tilespmem:$0x1570]  }
0x19b: {  	s4 =	simm.s32 $0x17E0;
	v4 =	vld [tilespmem:$0x1580]  }
0x19c: {  	v13 =	vld [tilespmem:s4+$0x180]  }
0x19d: {  	v5 =	vld [tilespmem:s4+$0xFFFFFF00]  }
0x19e: {  	v7 =	vld [tilespmem:s4+$0xFFFFFF80]  }
0x19f: {  	v9 =	vld [tilespmem:s4+$0x0]  }
0x1a0: {  	v10 =	vld [tilespmem:s4+$0xFFFFFE80]  }
0x1a1: {  	v1 =	vld [tilespmem:$0x1590]  }
0x1a2: {  	v6 =	vld [tilespmem:s4+$0x80]  }
0x1a3: {  	v8 =	vld [tilespmem:s4+$0x100];
	v11 =	vmul.f32 v13, v3;
	vm0 =	vlt.f32 v5, v2;
	v12 =	vmul.f32 v5, v3  }
0x1a4: {  	v0 =	vld [tilespmem:$0x15A0];
	vm1 =	vlt.f32 v7, v2;
	v14 =	vmul.f32 v7, v3;
	v16 =	vmul.f32 v9, v3  }
0x1a5: {  	vm2 =	vlt.f32 v13, v2;
	v17 =	vmul.f32 v10, v3;
	v15 =	vadd.f32 v11, v4  }
0x1a6: {  	vm4 =	vlt.f32 v10, v2;
	vm3 =	vlt.f32 v9, v2;
	v11 =	vadd.f32 v12, v4  }
0x1a7: {  	v12 =	vadd.f32 v14, v4;
	v14 =	vmul.f32 v6, v3;
	v15 =	vsel vm2, v13, v15  }
0x1a8: {  	v13 =	vadd.f32 v16, v4;
	v16 =	vmul.f32 v8, v3;
	v15 =	vmax.f32 v15, v1  }
0x1a9: {  	s29 =	simm.s32 $0xDBE0;
	vm5 =	vlt.f32 v6, v2;
	v14 =	vadd.f32 v14, v4;
	v18 =	vmin.f32 v15, v0  }
0x1aa: {  	s30 =	simm.s32 $0x60;
	s31 =	simm.s32 $0x1B60;
	vm2 =	vlt.f32 v8, v2;
	v15 =	vadd.f32 v16, v4;
	v16 =	vadd.f32 v17, v4;
	[tilespmem:s29+$0x180] =	vst v18  }
.LBB2_17:
0x1ab: {  	v17 =	vld [tilespmem:s31+$0x180];
	s30 =	sadd.s32 $0x380, s30;
	v11 =	vsel vm0, v5, v11;
	v12 =	vsel vm1, v7, v12;
	v13 =	vsel vm3, v9, v13  }
0x1ac: {  	v6 =	vsel vm5, v6, v14;
	v8 =	vsel vm2, v8, v15;
	v5 =	vld [tilespmem:s31+$0xFFFFFF00];
	p0 =	slt.u32 s30, $0x5EE0;
	v9 =	vsel vm4, v10, v16  }
0x1ad: {  	v11 =	vmax.f32 v11, v1;
	v12 =	vmax.f32 v12, v1;
	v7 =	vld [tilespmem:s31+$0xFFFFFF80];
	v10 =	vmax.f32 v9, v1  }
0x1ae: {  	v13 =	vmax.f32 v13, v1;
	v14 =	vmax.f32 v6, v1;
	v15 =	vmax.f32 v8, v1;
	v9 =	vld [tilespmem:s31+$0x0]  }
0x1af: {  	v11 =	vmin.f32 v11, v0;
	v12 =	vmin.f32 v12, v0;
	v10 =	vmin.f32 v10, v0;
	v6 =	vld [tilespmem:s31+$0x80]  }
0x1b0: {  	v13 =	vmin.f32 v13, v0;
	v14 =	vmin.f32 v14, v0;
	v8 =	vld [tilespmem:s31+$0x100];
	v16 =	vmul.f32 v17, v3;
	[tilespmem:s29+$0xFFFFFE80] =	vst v10  }
0x1b1: {  	v15 =	vmin.f32 v15, v0;
	v10 =	vld [tilespmem:s31+$0xFFFFFE80];
	vm0 =	vlt.f32 v5, v2;
	v18 =	vmul.f32 v5, v3;
	[tilespmem:s29+$0xFFFFFF00] =	vst v11  }
0x1b2: {  	vm1 =	vlt.f32 v7, v2;
	v19 =	vmul.f32 v7, v3;
	v16 =	vadd.f32 v16, v4;
	[tilespmem:s29+$0xFFFFFF80] =	vst v12  }
0x1b3: {  	vm2 =	vlt.f32 v17, v2;
	v11 =	vadd.f32 v18, v4;
	v18 =	vmul.f32 v9, v3;
	[tilespmem:s29+$0x0] =	vst v13  }
.Ltmp7:
0x1b4: {  	v12 =	vadd.f32 v19, v4;
	v19 =	vmul.f32 v6, v3;
	v16 =	vsel vm2, v17, v16;
	[tilespmem:s29+$0x80] =	vst v14;
	(pc) =	sbr.rel @p0 .LBB2_17-.Ltmp7, $4  }
0x1b5: {  	v13 =	vadd.f32 v18, v4;
	v17 =	vmul.f32 v8, v3;
	v16 =	vmax.f32 v16, v1;
	[tilespmem:s29+$0x100] =	vst v15  }
0x1b6: {  	s29 =	sadd.s32 $0x380, s29;
	v18 =	vmul.f32 v10, v3;
	v14 =	vadd.f32 v19, v4;
	v16 =	vmin.f32 v16, v0  }
0x1b7: {  	vm3 =	vlt.f32 v9, v2;
	vm4 =	vlt.f32 v10, v2;
	v15 =	vadd.f32 v17, v4;
	[tilespmem:s29+$0x180] =	vst v16  }
0x1b8: {  	s31 =	sadd.s32 $0x380, s31;
	vm5 =	vlt.f32 v6, v2;
	vm2 =	vlt.f32 v8, v2;
	v16 =	vadd.f32 v18, v4  }
0x1b9: {  	v3 =	vsel vm0, v5, v11  }
0x1ba: {  	v2 =	vsel vm4, v10, v16;
	v3 =	vmax.f32 v3, v1  }
0x1bb: {  	v4 =	vsel vm1, v7, v12;
	v2 =	vmax.f32 v2, v1;
	v3 =	vmin.f32 v3, v0  }
0x1bc: {  	v5 =	vsel vm3, v9, v13;
	v4 =	vmax.f32 v4, v1;
	v2 =	vmin.f32 v2, v0;
	[tilespmem:s29+$0xFFFFFF00] =	vst v3  }
0x1bd: {  	v5 =	vmax.f32 v5, v1;
	v4 =	vmin.f32 v4, v0;
	[tilespmem:s29+$0xFFFFFE80] =	vst v2;
	v2 =	vsel vm5, v6, v14  }
0x1be: {  	v5 =	vmin.f32 v5, v0;
	v3 =	vsel vm2, v8, v15;
	[tilespmem:s29+$0xFFFFFF80] =	vst v4;
	v2 =	vmax.f32 v2, v1  }
0x1bf: {  	[tilespmem:s29+$0x0] =	vst v5;
	v1 =	vmax.f32 v3, v1;
	v2 =	vmin.f32 v2, v0  }
0x1c0: {  	v0 =	vmin.f32 v1, v0;
	[tilespmem:s29+$0x80] =	vst v2  }
0x1c1: {  	[tilespmem:s29+$0x100] =	vst v0  }
0x1c2: {  	v2 =	vld [tilespmem:$0x15B0]  }
0x1c3: {  	v3 =	vld [tilespmem:$0x15C0]  }
0x1c4: {  	s4 =	simm.s32 $0x17F0;
	v4 =	vld [tilespmem:$0x15D0]  }
0x1c5: {  	v13 =	vld [tilespmem:s4+$0x180]  }
0x1c6: {  	v5 =	vld [tilespmem:s4+$0xFFFFFF00]  }
0x1c7: {  	v8 =	vld [tilespmem:s4+$0xFFFFFF80]  }
0x1c8: {  	v9 =	vld [tilespmem:s4+$0x0]  }
0x1c9: {  	v10 =	vld [tilespmem:s4+$0xFFFFFE80]  }
0x1ca: {  	v1 =	vld [tilespmem:$0x15E0]  }
0x1cb: {  	v6 =	vld [tilespmem:s4+$0x80]  }
0x1cc: {  	v7 =	vld [tilespmem:s4+$0x100];
	v11 =	vmul.f32 v13, v3;
	vm0 =	vlt.f32 v5, v2;
	v12 =	vmul.f32 v5, v3  }
0x1cd: {  	v0 =	vld [tilespmem:$0x15F0];
	vm1 =	vlt.f32 v8, v2;
	v14 =	vmul.f32 v8, v3;
	v16 =	vmul.f32 v9, v3  }
0x1ce: {  	vm2 =	vlt.f32 v13, v2;
	v17 =	vmul.f32 v10, v3;
	v15 =	vadd.f32 v11, v4  }
0x1cf: {  	vm4 =	vlt.f32 v10, v2;
	vm3 =	vlt.f32 v9, v2;
	v11 =	vadd.f32 v12, v4  }
0x1d0: {  	v12 =	vadd.f32 v14, v4;
	v14 =	vmul.f32 v6, v3;
	v15 =	vsel vm2, v13, v15  }
0x1d1: {  	v13 =	vadd.f32 v16, v4;
	v16 =	vmul.f32 v7, v3;
	v15 =	vmax.f32 v15, v1  }
0x1d2: {  	s30 =	simm.s32 $0xDBF0;
	vm5 =	vlt.f32 v6, v2;
	v14 =	vadd.f32 v14, v4;
	v18 =	vmin.f32 v15, v0  }
0x1d3: {  	s31 =	simm.s32 $0x1B70;
	s29 =	simm.s32 $0x70;
	vm2 =	vlt.f32 v7, v2;
	v15 =	vadd.f32 v16, v4;
	v16 =	vadd.f32 v17, v4;
	[tilespmem:s30+$0x180] =	vst v18  }
.LBB2_19:
0x1d4: {  	v17 =	vld [tilespmem:s31+$0x180];
	s29 =	sadd.s32 $0x380, s29;
	v11 =	vsel vm0, v5, v11;
	v12 =	vsel vm1, v8, v12;
	v13 =	vsel vm3, v9, v13  }
0x1d5: {  	v6 =	vsel vm5, v6, v14;
	v7 =	vsel vm2, v7, v15;
	v5 =	vld [tilespmem:s31+$0xFFFFFF00];
	p0 =	slt.u32 s29, $0x5EF0;
	v9 =	vsel vm4, v10, v16  }
0x1d6: {  	v11 =	vmax.f32 v11, v1;
	v12 =	vmax.f32 v12, v1;
	v8 =	vld [tilespmem:s31+$0xFFFFFF80];
	v10 =	vmax.f32 v9, v1  }
0x1d7: {  	v13 =	vmax.f32 v13, v1;
	v14 =	vmax.f32 v6, v1;
	v15 =	vmax.f32 v7, v1;
	v9 =	vld [tilespmem:s31+$0x0]  }
0x1d8: {  	v11 =	vmin.f32 v11, v0;
	v12 =	vmin.f32 v12, v0;
	v10 =	vmin.f32 v10, v0;
	v6 =	vld [tilespmem:s31+$0x80]  }
0x1d9: {  	v13 =	vmin.f32 v13, v0;
	v14 =	vmin.f32 v14, v0;
	v7 =	vld [tilespmem:s31+$0x100];
	v16 =	vmul.f32 v17, v3;
	[tilespmem:s30+$0xFFFFFE80] =	vst v10  }
0x1da: {  	v15 =	vmin.f32 v15, v0;
	v10 =	vld [tilespmem:s31+$0xFFFFFE80];
	vm0 =	vlt.f32 v5, v2;
	v18 =	vmul.f32 v5, v3;
	[tilespmem:s30+$0xFFFFFF00] =	vst v11  }
0x1db: {  	vm1 =	vlt.f32 v8, v2;
	v19 =	vmul.f32 v8, v3;
	v16 =	vadd.f32 v16, v4;
	[tilespmem:s30+$0xFFFFFF80] =	vst v12  }
0x1dc: {  	vm2 =	vlt.f32 v17, v2;
	v11 =	vadd.f32 v18, v4;
	v18 =	vmul.f32 v9, v3;
	[tilespmem:s30+$0x0] =	vst v13  }
.Ltmp8:
0x1dd: {  	v12 =	vadd.f32 v19, v4;
	v19 =	vmul.f32 v6, v3;
	v16 =	vsel vm2, v17, v16;
	[tilespmem:s30+$0x80] =	vst v14;
	(pc) =	sbr.rel @p0 .LBB2_19-.Ltmp8, $4  }
0x1de: {  	v13 =	vadd.f32 v18, v4;
	v17 =	vmul.f32 v7, v3;
	v16 =	vmax.f32 v16, v1;
	[tilespmem:s30+$0x100] =	vst v15  }
0x1df: {  	s30 =	sadd.s32 $0x380, s30;
	v18 =	vmul.f32 v10, v3;
	v14 =	vadd.f32 v19, v4;
	v16 =	vmin.f32 v16, v0  }
0x1e0: {  	vm3 =	vlt.f32 v9, v2;
	vm4 =	vlt.f32 v10, v2;
	v15 =	vadd.f32 v17, v4;
	[tilespmem:s30+$0x180] =	vst v16  }
0x1e1: {  	s31 =	sadd.s32 $0x380, s31;
	vm5 =	vlt.f32 v6, v2;
	vm2 =	vlt.f32 v7, v2;
	v16 =	vadd.f32 v18, v4  }
0x1e2: {  	v3 =	vsel vm0, v5, v11  }
0x1e3: {  	v2 =	vsel vm4, v10, v16;
	v3 =	vmax.f32 v3, v1  }
0x1e4: {  	v4 =	vsel vm1, v8, v12;
	v2 =	vmax.f32 v2, v1;
	v3 =	vmin.f32 v3, v0  }
0x1e5: {  	v5 =	vsel vm3, v9, v13;
	p0 =	seq.s32 s28, $0xB;
	v4 =	vmax.f32 v4, v1;
	v2 =	vmin.f32 v2, v0;
	[tilespmem:s30+$0xFFFFFF00] =	vst v3  }
0x1e6: {  	v5 =	vmax.f32 v5, v1;
	s29 =	smul.u32 @!p0 $0xC400, s28;
	v4 =	vmin.f32 v4, v0;
	[tilespmem:s30+$0xFFFFFE80] =	vst v2;
	v2 =	vsel vm5, v6, v14  }
0x1e7: {  	v5 =	vmin.f32 v5, v0;
	v3 =	vsel vm2, v7, v15;
	[tilespmem:s30+$0xFFFFFF80] =	vst v4;
	v2 =	vmax.f32 v2, v1  }
0x1e8: {  	[tilespmem:s30+$0x0] =	vst v5;
	s4 =	sadd.s32 @!p0 s29, s12;
	v1 =	vmax.f32 v3, v1;
	v2 =	vmin.f32 v2, v0  }
0x1e9: {  	s31 =	simm.s32 @!p0 $0x1600;
	s4 =	sshrl.u32 @!p0 s4, $0x3;
	v0 =	vmin.f32 v1, v0;
	[tilespmem:s30+$0x80] =	vst v2  }
0x1ea: {  	s29 =	simm.s32 @p0 $0x86C00;
	s4 =	sadd.s32 @!p0 s5, s4;
	[tilespmem:s30+$0x100] =	vst v0;
	s30 =	simm.s32 @!p0 $0x0  }
0x1eb: {  	[tilespmem:s31], [sflag:$0x1] =	stream.linear.gather @!p0 [hbm4b:s4+s30], $0x6200, $0x38;
	[tilespmem:$0x19E00] =	vst v63  }
0x1ec: {  	s4 =	sadd.s32 s8, s29  }
0x1ed: {  	s4 =	sshrl.u32 s4, $0x3  }
0x1ee: {  	s4 =	sadd.s32 s6, s4  }
0x1ef: {  	[hbm4b:s4+s7] =	stream.linear.scatter [tilespmem:s21], [sflag:$0x3], $0x6200, $0x38;
	[tilespmem:$0x19E00] =	vst v63  }
0x1f0: {  	_ =	swait.ge [sflag:s22], $0x6200  }
0x1f1: {  	[sflag:s22] =	ssyncset.done $0x0  }
0x1f2: {  	s4 =	simm.s32 @!p1 $0x4;
	[sflag:s22] =	ssyncadd.s32 $0xFFFF9E00  }
0x1f3: {  	_ =	swait.ge @!p1 [sflag:s4], $0x6200  }
0x1f4: {  	[sflag:s4] =	ssyncset.done @!p1 $0x0  }
0x1f5: {  	[sflag:s4] =	ssyncadd.s32 @!p1 $0xFFFF9E00  }
0x1f6: {  	v2 =	vld [tilespmem:$0x1380]  }
0x1f7: {  	v3 =	vld [tilespmem:$0x1390]  }
0x1f8: {  	s4 =	simm.s32 $0x7980;
	v4 =	vld [tilespmem:$0x13A0]  }
0x1f9: {  	v13 =	vld [tilespmem:s4+$0x180]  }
0x1fa: {  	v5 =	vld [tilespmem:s4+$0xFFFFFF00]  }
0x1fb: {  	v7 =	vld [tilespmem:s4+$0xFFFFFF80]  }
0x1fc: {  	v9 =	vld [tilespmem:s4+$0x0]  }
0x1fd: {  	v10 =	vld [tilespmem:s4+$0xFFFFFE80]  }
0x1fe: {  	v1 =	vld [tilespmem:$0x13B0]  }
0x1ff: {  	v6 =	vld [tilespmem:s4+$0x80]  }
0x200: {  	v8 =	vld [tilespmem:s4+$0x100];
	v11 =	vmul.f32 v13, v3;
	vm0 =	vlt.f32 v5, v2;
	v12 =	vmul.f32 v5, v3  }
0x201: {  	v0 =	vld [tilespmem:$0x13C0];
	vm1 =	vlt.f32 v7, v2;
	v14 =	vmul.f32 v7, v3;
	v16 =	vmul.f32 v9, v3  }
0x202: {  	vm2 =	vlt.f32 v13, v2;
	v17 =	vmul.f32 v10, v3;
	v15 =	vadd.f32 v11, v4  }
0x203: {  	vm4 =	vlt.f32 v10, v2;
	vm3 =	vlt.f32 v9, v2;
	v11 =	vadd.f32 v12, v4  }
0x204: {  	v12 =	vadd.f32 v14, v4;
	v14 =	vmul.f32 v6, v3;
	v15 =	vsel vm2, v13, v15  }
0x205: {  	v13 =	vadd.f32 v16, v4;
	v16 =	vmul.f32 v8, v3;
	v15 =	vmax.f32 v15, v1  }
0x206: {  	s30 =	simm.s32 $0x13D80;
	vm5 =	vlt.f32 v6, v2;
	v14 =	vadd.f32 v14, v4;
	v18 =	vmin.f32 v15, v0  }
0x207: {  	s31 =	simm.s32 $0x0;
	s4 =	simm.s32 $0x7D00;
	vm2 =	vlt.f32 v8, v2;
	v15 =	vadd.f32 v16, v4;
	v16 =	vadd.f32 v17, v4;
	[tilespmem:s30+$0x180] =	vst v18  }
.LBB2_21:
0x208: {  	v17 =	vld [tilespmem:s4+$0x180];
	s31 =	sadd.s32 $0x380, s31;
	v11 =	vsel vm0, v5, v11;
	v12 =	vsel vm1, v7, v12;
	v13 =	vsel vm3, v9, v13  }
0x209: {  	v6 =	vsel vm5, v6, v14;
	v8 =	vsel vm2, v8, v15;
	v5 =	vld [tilespmem:s4+$0xFFFFFF00];
	p1 =	slt.u32 s31, $0x5E80;
	v9 =	vsel vm4, v10, v16  }
0x20a: {  	v11 =	vmax.f32 v11, v1;
	v12 =	vmax.f32 v12, v1;
	v7 =	vld [tilespmem:s4+$0xFFFFFF80];
	v10 =	vmax.f32 v9, v1  }
0x20b: {  	v13 =	vmax.f32 v13, v1;
	v14 =	vmax.f32 v6, v1;
	v15 =	vmax.f32 v8, v1;
	v9 =	vld [tilespmem:s4+$0x0]  }
0x20c: {  	v11 =	vmin.f32 v11, v0;
	v12 =	vmin.f32 v12, v0;
	v10 =	vmin.f32 v10, v0;
	v6 =	vld [tilespmem:s4+$0x80]  }
0x20d: {  	v13 =	vmin.f32 v13, v0;
	v14 =	vmin.f32 v14, v0;
	v8 =	vld [tilespmem:s4+$0x100];
	v16 =	vmul.f32 v17, v3;
	[tilespmem:s30+$0xFFFFFE80] =	vst v10  }
0x20e: {  	v15 =	vmin.f32 v15, v0;
	v10 =	vld [tilespmem:s4+$0xFFFFFE80];
	vm0 =	vlt.f32 v5, v2;
	v18 =	vmul.f32 v5, v3;
	[tilespmem:s30+$0xFFFFFF00] =	vst v11  }
0x20f: {  	vm1 =	vlt.f32 v7, v2;
	v19 =	vmul.f32 v7, v3;
	v16 =	vadd.f32 v16, v4;
	[tilespmem:s30+$0xFFFFFF80] =	vst v12  }
0x210: {  	vm2 =	vlt.f32 v17, v2;
	v11 =	vadd.f32 v18, v4;
	v18 =	vmul.f32 v9, v3;
	[tilespmem:s30+$0x0] =	vst v13  }
.Ltmp9:
0x211: {  	v12 =	vadd.f32 v19, v4;
	v19 =	vmul.f32 v6, v3;
	v16 =	vsel vm2, v17, v16;
	[tilespmem:s30+$0x80] =	vst v14;
	(pc) =	sbr.rel @p1 .LBB2_21-.Ltmp9, $4  }
0x212: {  	v13 =	vadd.f32 v18, v4;
	v17 =	vmul.f32 v8, v3;
	v16 =	vmax.f32 v16, v1;
	[tilespmem:s30+$0x100] =	vst v15  }
0x213: {  	s30 =	sadd.s32 $0x380, s30;
	v18 =	vmul.f32 v10, v3;
	v14 =	vadd.f32 v19, v4;
	v16 =	vmin.f32 v16, v0  }
0x214: {  	vm3 =	vlt.f32 v9, v2;
	vm4 =	vlt.f32 v10, v2;
	v15 =	vadd.f32 v17, v4;
	[tilespmem:s30+$0x180] =	vst v16  }
0x215: {  	s4 =	sadd.s32 $0x380, s4;
	vm5 =	vlt.f32 v6, v2;
	vm2 =	vlt.f32 v8, v2;
	v16 =	vadd.f32 v18, v4  }
0x216: {  	v3 =	vsel vm0, v5, v11  }
0x217: {  	v2 =	vsel vm4, v10, v16;
	v3 =	vmax.f32 v3, v1  }
0x218: {  	v4 =	vsel vm1, v7, v12;
	v2 =	vmax.f32 v2, v1;
	v3 =	vmin.f32 v3, v0  }
0x219: {  	v5 =	vsel vm3, v9, v13;
	v4 =	vmax.f32 v4, v1;
	v2 =	vmin.f32 v2, v0;
	[tilespmem:s30+$0xFFFFFF00] =	vst v3  }
0x21a: {  	v5 =	vmax.f32 v5, v1;
	v4 =	vmin.f32 v4, v0;
	[tilespmem:s30+$0xFFFFFE80] =	vst v2;
	v2 =	vsel vm5, v6, v14  }
0x21b: {  	v5 =	vmin.f32 v5, v0;
	v3 =	vsel vm2, v8, v15;
	[tilespmem:s30+$0xFFFFFF80] =	vst v4;
	v2 =	vmax.f32 v2, v1  }
0x21c: {  	[tilespmem:s30+$0x0] =	vst v5;
	v1 =	vmax.f32 v3, v1;
	v2 =	vmin.f32 v2, v0  }
0x21d: {  	v0 =	vmin.f32 v1, v0;
	[tilespmem:s30+$0x80] =	vst v2  }
0x21e: {  	[tilespmem:s30+$0x100] =	vst v0  }
0x21f: {  	v2 =	vld [tilespmem:$0x13D0]  }
0x220: {  	v3 =	vld [tilespmem:$0x13E0]  }
0x221: {  	s4 =	simm.s32 $0x7990;
	v4 =	vld [tilespmem:$0x13F0]  }
0x222: {  	v13 =	vld [tilespmem:s4+$0x180]  }
0x223: {  	v5 =	vld [tilespmem:s4+$0xFFFFFF00]  }
0x224: {  	v7 =	vld [tilespmem:s4+$0xFFFFFF80]  }
0x225: {  	v9 =	vld [tilespmem:s4+$0x0]  }
0x226: {  	v10 =	vld [tilespmem:s4+$0xFFFFFE80]  }
0x227: {  	v1 =	vld [tilespmem:$0x1400]  }
0x228: {  	v6 =	vld [tilespmem:s4+$0x80]  }
0x229: {  	v8 =	vld [tilespmem:s4+$0x100];
	v11 =	vmul.f32 v13, v3;
	vm0 =	vlt.f32 v5, v2;
	v12 =	vmul.f32 v5, v3  }
0x22a: {  	v0 =	vld [tilespmem:$0x1410];
	vm1 =	vlt.f32 v7, v2;
	v14 =	vmul.f32 v7, v3;
	v16 =	vmul.f32 v9, v3  }
0x22b: {  	vm2 =	vlt.f32 v13, v2;
	v17 =	vmul.f32 v10, v3;
	v15 =	vadd.f32 v11, v4  }
0x22c: {  	vm4 =	vlt.f32 v10, v2;
	vm3 =	vlt.f32 v9, v2;
	v11 =	vadd.f32 v12, v4  }
0x22d: {  	v12 =	vadd.f32 v14, v4;
	v14 =	vmul.f32 v6, v3;
	v15 =	vsel vm2, v13, v15  }
0x22e: {  	v13 =	vadd.f32 v16, v4;
	v16 =	vmul.f32 v8, v3;
	v15 =	vmax.f32 v15, v1  }
0x22f: {  	s30 =	simm.s32 $0x13D90;
	vm5 =	vlt.f32 v6, v2;
	v14 =	vadd.f32 v14, v4;
	v18 =	vmin.f32 v15, v0  }
0x230: {  	s31 =	simm.s32 $0x10;
	s4 =	simm.s32 $0x7D10;
	vm2 =	vlt.f32 v8, v2;
	v15 =	vadd.f32 v16, v4;
	v16 =	vadd.f32 v17, v4;
	[tilespmem:s30+$0x180] =	vst v18  }
.LBB2_23:
0x231: {  	v17 =	vld [tilespmem:s4+$0x180];
	s31 =	sadd.s32 $0x380, s31;
	v11 =	vsel vm0, v5, v11;
	v12 =	vsel vm1, v7, v12;
	v13 =	vsel vm3, v9, v13  }
0x232: {  	v6 =	vsel vm5, v6, v14;
	v8 =	vsel vm2, v8, v15;
	v5 =	vld [tilespmem:s4+$0xFFFFFF00];
	p1 =	slt.u32 s31, $0x5E90;
	v9 =	vsel vm4, v10, v16  }
0x233: {  	v11 =	vmax.f32 v11, v1;
	v12 =	vmax.f32 v12, v1;
	v7 =	vld [tilespmem:s4+$0xFFFFFF80];
	v10 =	vmax.f32 v9, v1  }
0x234: {  	v13 =	vmax.f32 v13, v1;
	v14 =	vmax.f32 v6, v1;
	v15 =	vmax.f32 v8, v1;
	v9 =	vld [tilespmem:s4+$0x0]  }
0x235: {  	v11 =	vmin.f32 v11, v0;
	v12 =	vmin.f32 v12, v0;
	v10 =	vmin.f32 v10, v0;
	v6 =	vld [tilespmem:s4+$0x80]  }
0x236: {  	v13 =	vmin.f32 v13, v0;
	v14 =	vmin.f32 v14, v0;
	v8 =	vld [tilespmem:s4+$0x100];
	v16 =	vmul.f32 v17, v3;
	[tilespmem:s30+$0xFFFFFE80] =	vst v10  }
0x237: {  	v15 =	vmin.f32 v15, v0;
	v10 =	vld [tilespmem:s4+$0xFFFFFE80];
	vm0 =	vlt.f32 v5, v2;
	v18 =	vmul.f32 v5, v3;
	[tilespmem:s30+$0xFFFFFF00] =	vst v11  }
0x238: {  	vm1 =	vlt.f32 v7, v2;
	v19 =	vmul.f32 v7, v3;
	v16 =	vadd.f32 v16, v4;
	[tilespmem:s30+$0xFFFFFF80] =	vst v12  }
0x239: {  	vm2 =	vlt.f32 v17, v2;
	v11 =	vadd.f32 v18, v4;
	v18 =	vmul.f32 v9, v3;
	[tilespmem:s30+$0x0] =	vst v13  }
.Ltmp10:
0x23a: {  	v12 =	vadd.f32 v19, v4;
	v19 =	vmul.f32 v6, v3;
	v16 =	vsel vm2, v17, v16;
	[tilespmem:s30+$0x80] =	vst v14;
	(pc) =	sbr.rel @p1 .LBB2_23-.Ltmp10, $4  }
0x23b: {  	v13 =	vadd.f32 v18, v4;
	v17 =	vmul.f32 v8, v3;
	v16 =	vmax.f32 v16, v1;
	[tilespmem:s30+$0x100] =	vst v15  }
0x23c: {  	s30 =	sadd.s32 $0x380, s30;
	v18 =	vmul.f32 v10, v3;
	v14 =	vadd.f32 v19, v4;
	v16 =	vmin.f32 v16, v0  }
0x23d: {  	vm3 =	vlt.f32 v9, v2;
	vm4 =	vlt.f32 v10, v2;
	v15 =	vadd.f32 v17, v4;
	[tilespmem:s30+$0x180] =	vst v16  }
0x23e: {  	s4 =	sadd.s32 $0x380, s4;
	vm5 =	vlt.f32 v6, v2;
	vm2 =	vlt.f32 v8, v2;
	v16 =	vadd.f32 v18, v4  }
0x23f: {  	v3 =	vsel vm0, v5, v11  }
0x240: {  	v2 =	vsel vm4, v10, v16;
	v3 =	vmax.f32 v3, v1  }
0x241: {  	v4 =	vsel vm1, v7, v12;
	v2 =	vmax.f32 v2, v1;
	v3 =	vmin.f32 v3, v0  }
0x242: {  	v5 =	vsel vm3, v9, v13;
	v4 =	vmax.f32 v4, v1;
	v2 =	vmin.f32 v2, v0;
	[tilespmem:s30+$0xFFFFFF00] =	vst v3  }
0x243: {  	v5 =	vmax.f32 v5, v1;
	v4 =	vmin.f32 v4, v0;
	[tilespmem:s30+$0xFFFFFE80] =	vst v2;
	v2 =	vsel vm5, v6, v14  }
0x244: {  	v5 =	vmin.f32 v5, v0;
	v3 =	vsel vm2, v8, v15;
	[tilespmem:s30+$0xFFFFFF80] =	vst v4;
	v2 =	vmax.f32 v2, v1  }
0x245: {  	[tilespmem:s30+$0x0] =	vst v5;
	v1 =	vmax.f32 v3, v1;
	v2 =	vmin.f32 v2, v0  }
0x246: {  	v0 =	vmin.f32 v1, v0;
	[tilespmem:s30+$0x80] =	vst v2  }
0x247: {  	[tilespmem:s30+$0x100] =	vst v0  }
0x248: {  	v2 =	vld [tilespmem:$0x1420]  }
0x249: {  	v3 =	vld [tilespmem:$0x1430]  }
0x24a: {  	s4 =	simm.s32 $0x79A0;
	v4 =	vld [tilespmem:$0x1440]  }
0x24b: {  	v13 =	vld [tilespmem:s4+$0x180]  }
0x24c: {  	v5 =	vld [tilespmem:s4+$0xFFFFFF00]  }
0x24d: {  	v7 =	vld [tilespmem:s4+$0xFFFFFF80]  }
0x24e: {  	v9 =	vld [tilespmem:s4+$0x0]  }
0x24f: {  	v10 =	vld [tilespmem:s4+$0xFFFFFE80]  }
0x250: {  	v1 =	vld [tilespmem:$0x1450]  }
0x251: {  	v6 =	vld [tilespmem:s4+$0x80]  }
0x252: {  	v8 =	vld [tilespmem:s4+$0x100];
	v11 =	vmul.f32 v13, v3;
	vm0 =	vlt.f32 v5, v2;
	v12 =	vmul.f32 v5, v3  }
0x253: {  	v0 =	vld [tilespmem:$0x1460];
	vm1 =	vlt.f32 v7, v2;
	v14 =	vmul.f32 v7, v3;
	v16 =	vmul.f32 v9, v3  }
0x254: {  	vm2 =	vlt.f32 v13, v2;
	v17 =	vmul.f32 v10, v3;
	v15 =	vadd.f32 v11, v4  }
0x255: {  	vm4 =	vlt.f32 v10, v2;
	vm3 =	vlt.f32 v9, v2;
	v11 =	vadd.f32 v12, v4  }
0x256: {  	v12 =	vadd.f32 v14, v4;
	v14 =	vmul.f32 v6, v3;
	v15 =	vsel vm2, v13, v15  }
0x257: {  	v13 =	vadd.f32 v16, v4;
	v16 =	vmul.f32 v8, v3;
	v15 =	vmax.f32 v15, v1  }
0x258: {  	s30 =	simm.s32 $0x13DA0;
	vm5 =	vlt.f32 v6, v2;
	v14 =	vadd.f32 v14, v4;
	v18 =	vmin.f32 v15, v0  }
0x259: {  	s31 =	simm.s32 $0x20;
	s4 =	simm.s32 $0x7D20;
	vm2 =	vlt.f32 v8, v2;
	v15 =	vadd.f32 v16, v4;
	v16 =	vadd.f32 v17, v4;
	[tilespmem:s30+$0x180] =	vst v18  }
.LBB2_25:
0x25a: {  	v17 =	vld [tilespmem:s4+$0x180];
	s31 =	sadd.s32 $0x380, s31;
	v11 =	vsel vm0, v5, v11;
	v12 =	vsel vm1, v7, v12;
	v13 =	vsel vm3, v9, v13  }
0x25b: {  	v6 =	vsel vm5, v6, v14;
	v8 =	vsel vm2, v8, v15;
	v5 =	vld [tilespmem:s4+$0xFFFFFF00];
	p1 =	slt.u32 s31, $0x5EA0;
	v9 =	vsel vm4, v10, v16  }
0x25c: {  	v11 =	vmax.f32 v11, v1;
	v12 =	vmax.f32 v12, v1;
	v7 =	vld [tilespmem:s4+$0xFFFFFF80];
	v10 =	vmax.f32 v9, v1  }
0x25d: {  	v13 =	vmax.f32 v13, v1;
	v14 =	vmax.f32 v6, v1;
	v15 =	vmax.f32 v8, v1;
	v9 =	vld [tilespmem:s4+$0x0]  }
0x25e: {  	v11 =	vmin.f32 v11, v0;
	v12 =	vmin.f32 v12, v0;
	v10 =	vmin.f32 v10, v0;
	v6 =	vld [tilespmem:s4+$0x80]  }
0x25f: {  	v13 =	vmin.f32 v13, v0;
	v14 =	vmin.f32 v14, v0;
	v8 =	vld [tilespmem:s4+$0x100];
	v16 =	vmul.f32 v17, v3;
	[tilespmem:s30+$0xFFFFFE80] =	vst v10  }
0x260: {  	v15 =	vmin.f32 v15, v0;
	v10 =	vld [tilespmem:s4+$0xFFFFFE80];
	vm0 =	vlt.f32 v5, v2;
	v18 =	vmul.f32 v5, v3;
	[tilespmem:s30+$0xFFFFFF00] =	vst v11  }
0x261: {  	vm1 =	vlt.f32 v7, v2;
	v19 =	vmul.f32 v7, v3;
	v16 =	vadd.f32 v16, v4;
	[tilespmem:s30+$0xFFFFFF80] =	vst v12  }
0x262: {  	vm2 =	vlt.f32 v17, v2;
	v11 =	vadd.f32 v18, v4;
	v18 =	vmul.f32 v9, v3;
	[tilespmem:s30+$0x0] =	vst v13  }
.Ltmp11:
0x263: {  	v12 =	vadd.f32 v19, v4;
	v19 =	vmul.f32 v6, v3;
	v16 =	vsel vm2, v17, v16;
	[tilespmem:s30+$0x80] =	vst v14;
	(pc) =	sbr.rel @p1 .LBB2_25-.Ltmp11, $4  }
0x264: {  	v13 =	vadd.f32 v18, v4;
	v17 =	vmul.f32 v8, v3;
	v16 =	vmax.f32 v16, v1;
	[tilespmem:s30+$0x100] =	vst v15  }
0x265: {  	s30 =	sadd.s32 $0x380, s30;
	v18 =	vmul.f32 v10, v3;
	v14 =	vadd.f32 v19, v4;
	v16 =	vmin.f32 v16, v0  }
0x266: {  	vm3 =	vlt.f32 v9, v2;
	vm4 =	vlt.f32 v10, v2;
	v15 =	vadd.f32 v17, v4;
	[tilespmem:s30+$0x180] =	vst v16  }
0x267: {  	s4 =	sadd.s32 $0x380, s4;
	vm5 =	vlt.f32 v6, v2;
	vm2 =	vlt.f32 v8, v2;
	v16 =	vadd.f32 v18, v4  }
0x268: {  	v3 =	vsel vm0, v5, v11  }
0x269: {  	v2 =	vsel vm4, v10, v16;
	v3 =	vmax.f32 v3, v1  }
0x26a: {  	v4 =	vsel vm1, v7, v12;
	v2 =	vmax.f32 v2, v1;
	v3 =	vmin.f32 v3, v0  }
0x26b: {  	v5 =	vsel vm3, v9, v13;
	v4 =	vmax.f32 v4, v1;
	v2 =	vmin.f32 v2, v0;
	[tilespmem:s30+$0xFFFFFF00] =	vst v3  }
0x26c: {  	v5 =	vmax.f32 v5, v1;
	v4 =	vmin.f32 v4, v0;
	[tilespmem:s30+$0xFFFFFE80] =	vst v2;
	v2 =	vsel vm5, v6, v14  }
0x26d: {  	v5 =	vmin.f32 v5, v0;
	v3 =	vsel vm2, v8, v15;
	[tilespmem:s30+$0xFFFFFF80] =	vst v4;
	v2 =	vmax.f32 v2, v1  }
0x26e: {  	[tilespmem:s30+$0x0] =	vst v5;
	v1 =	vmax.f32 v3, v1;
	v2 =	vmin.f32 v2, v0  }
0x26f: {  	v0 =	vmin.f32 v1, v0;
	[tilespmem:s30+$0x80] =	vst v2  }
0x270: {  	[tilespmem:s30+$0x100] =	vst v0  }
0x271: {  	v2 =	vld [tilespmem:$0x1470]  }
0x272: {  	v3 =	vld [tilespmem:$0x1480]  }
0x273: {  	s4 =	simm.s32 $0x79B0;
	v4 =	vld [tilespmem:$0x1490]  }
0x274: {  	v13 =	vld [tilespmem:s4+$0x180]  }
0x275: {  	v5 =	vld [tilespmem:s4+$0xFFFFFF00]  }
0x276: {  	v7 =	vld [tilespmem:s4+$0xFFFFFF80]  }
0x277: {  	v9 =	vld [tilespmem:s4+$0x0]  }
0x278: {  	v10 =	vld [tilespmem:s4+$0xFFFFFE80]  }
0x279: {  	v1 =	vld [tilespmem:$0x14A0]  }
0x27a: {  	v6 =	vld [tilespmem:s4+$0x80]  }
0x27b: {  	v8 =	vld [tilespmem:s4+$0x100];
	v11 =	vmul.f32 v13, v3;
	vm0 =	vlt.f32 v5, v2;
	v12 =	vmul.f32 v5, v3  }
0x27c: {  	v0 =	vld [tilespmem:$0x14B0];
	vm1 =	vlt.f32 v7, v2;
	v14 =	vmul.f32 v7, v3;
	v16 =	vmul.f32 v9, v3  }
0x27d: {  	vm2 =	vlt.f32 v13, v2;
	v17 =	vmul.f32 v10, v3;
	v15 =	vadd.f32 v11, v4  }
0x27e: {  	vm4 =	vlt.f32 v10, v2;
	vm3 =	vlt.f32 v9, v2;
	v11 =	vadd.f32 v12, v4  }
0x27f: {  	v12 =	vadd.f32 v14, v4;
	v14 =	vmul.f32 v6, v3;
	v15 =	vsel vm2, v13, v15  }
0x280: {  	v13 =	vadd.f32 v16, v4;
	v16 =	vmul.f32 v8, v3;
	v15 =	vmax.f32 v15, v1  }
0x281: {  	s30 =	simm.s32 $0x13DB0;
	vm5 =	vlt.f32 v6, v2;
	v14 =	vadd.f32 v14, v4;
	v18 =	vmin.f32 v15, v0  }
0x282: {  	s31 =	simm.s32 $0x30;
	s4 =	simm.s32 $0x7D30;
	vm2 =	vlt.f32 v8, v2;
	v15 =	vadd.f32 v16, v4;
	v16 =	vadd.f32 v17, v4;
	[tilespmem:s30+$0x180] =	vst v18  }
.LBB2_27:
0x283: {  	v17 =	vld [tilespmem:s4+$0x180];
	s31 =	sadd.s32 $0x380, s31;
	v11 =	vsel vm0, v5, v11;
	v12 =	vsel vm1, v7, v12;
	v13 =	vsel vm3, v9, v13  }
0x284: {  	v6 =	vsel vm5, v6, v14;
	v8 =	vsel vm2, v8, v15;
	v5 =	vld [tilespmem:s4+$0xFFFFFF00];
	p1 =	slt.u32 s31, $0x5EB0;
	v9 =	vsel vm4, v10, v16  }
0x285: {  	v11 =	vmax.f32 v11, v1;
	v12 =	vmax.f32 v12, v1;
	v7 =	vld [tilespmem:s4+$0xFFFFFF80];
	v10 =	vmax.f32 v9, v1  }
0x286: {  	v13 =	vmax.f32 v13, v1;
	v14 =	vmax.f32 v6, v1;
	v15 =	vmax.f32 v8, v1;
	v9 =	vld [tilespmem:s4+$0x0]  }
0x287: {  	v11 =	vmin.f32 v11, v0;
	v12 =	vmin.f32 v12, v0;
	v10 =	vmin.f32 v10, v0;
	v6 =	vld [tilespmem:s4+$0x80]  }
0x288: {  	v13 =	vmin.f32 v13, v0;
	v14 =	vmin.f32 v14, v0;
	v8 =	vld [tilespmem:s4+$0x100];
	v16 =	vmul.f32 v17, v3;
	[tilespmem:s30+$0xFFFFFE80] =	vst v10  }
0x289: {  	v15 =	vmin.f32 v15, v0;
	v10 =	vld [tilespmem:s4+$0xFFFFFE80];
	vm0 =	vlt.f32 v5, v2;
	v18 =	vmul.f32 v5, v3;
	[tilespmem:s30+$0xFFFFFF00] =	vst v11  }
0x28a: {  	vm1 =	vlt.f32 v7, v2;
	v19 =	vmul.f32 v7, v3;
	v16 =	vadd.f32 v16, v4;
	[tilespmem:s30+$0xFFFFFF80] =	vst v12  }
0x28b: {  	vm2 =	vlt.f32 v17, v2;
	v11 =	vadd.f32 v18, v4;
	v18 =	vmul.f32 v9, v3;
	[tilespmem:s30+$0x0] =	vst v13  }
.Ltmp12:
0x28c: {  	v12 =	vadd.f32 v19, v4;
	v19 =	vmul.f32 v6, v3;
	v16 =	vsel vm2, v17, v16;
	[tilespmem:s30+$0x80] =	vst v14;
	(pc) =	sbr.rel @p1 .LBB2_27-.Ltmp12, $4  }
0x28d: {  	v13 =	vadd.f32 v18, v4;
	v17 =	vmul.f32 v8, v3;
	v16 =	vmax.f32 v16, v1;
	[tilespmem:s30+$0x100] =	vst v15  }
0x28e: {  	s30 =	sadd.s32 $0x380, s30;
	v18 =	vmul.f32 v10, v3;
	v14 =	vadd.f32 v19, v4;
	v16 =	vmin.f32 v16, v0  }
0x28f: {  	vm3 =	vlt.f32 v9, v2;
	vm4 =	vlt.f32 v10, v2;
	v15 =	vadd.f32 v17, v4;
	[tilespmem:s30+$0x180] =	vst v16  }
0x290: {  	s4 =	sadd.s32 $0x380, s4;
	vm5 =	vlt.f32 v6, v2;
	vm2 =	vlt.f32 v8, v2;
	v16 =	vadd.f32 v18, v4  }
0x291: {  	v3 =	vsel vm0, v5, v11  }
0x292: {  	v2 =	vsel vm4, v10, v16;
	v3 =	vmax.f32 v3, v1  }
0x293: {  	v4 =	vsel vm1, v7, v12;
	v2 =	vmax.f32 v2, v1;
	v3 =	vmin.f32 v3, v0  }
0x294: {  	v5 =	vsel vm3, v9, v13;
	v4 =	vmax.f32 v4, v1;
	v2 =	vmin.f32 v2, v0;
	[tilespmem:s30+$0xFFFFFF00] =	vst v3  }
0x295: {  	v5 =	vmax.f32 v5, v1;
	v4 =	vmin.f32 v4, v0;
	[tilespmem:s30+$0xFFFFFE80] =	vst v2;
	v2 =	vsel vm5, v6, v14  }
0x296: {  	v5 =	vmin.f32 v5, v0;
	v3 =	vsel vm2, v8, v15;
	[tilespmem:s30+$0xFFFFFF80] =	vst v4;
	v2 =	vmax.f32 v2, v1  }
0x297: {  	[tilespmem:s30+$0x0] =	vst v5;
	v1 =	vmax.f32 v3, v1;
	v2 =	vmin.f32 v2, v0  }
0x298: {  	v0 =	vmin.f32 v1, v0;
	[tilespmem:s30+$0x80] =	vst v2  }
0x299: {  	[tilespmem:s30+$0x100] =	vst v0  }
0x29a: {  	v2 =	vld [tilespmem:$0x14C0]  }
0x29b: {  	v3 =	vld [tilespmem:$0x14D0]  }
0x29c: {  	s4 =	simm.s32 $0x79C0;
	v4 =	vld [tilespmem:$0x14E0]  }
0x29d: {  	v13 =	vld [tilespmem:s4+$0x180]  }
0x29e: {  	v5 =	vld [tilespmem:s4+$0xFFFFFF00]  }
0x29f: {  	v7 =	vld [tilespmem:s4+$0xFFFFFF80]  }
0x2a0: {  	v9 =	vld [tilespmem:s4+$0x0]  }
0x2a1: {  	v10 =	vld [tilespmem:s4+$0xFFFFFE80]  }
0x2a2: {  	v1 =	vld [tilespmem:$0x14F0]  }
0x2a3: {  	v6 =	vld [tilespmem:s4+$0x80]  }
0x2a4: {  	v8 =	vld [tilespmem:s4+$0x100];
	v11 =	vmul.f32 v13, v3;
	vm0 =	vlt.f32 v5, v2;
	v12 =	vmul.f32 v5, v3  }
0x2a5: {  	v0 =	vld [tilespmem:$0x1500];
	vm1 =	vlt.f32 v7, v2;
	v14 =	vmul.f32 v7, v3;
	v16 =	vmul.f32 v9, v3  }
0x2a6: {  	vm2 =	vlt.f32 v13, v2;
	v17 =	vmul.f32 v10, v3;
	v15 =	vadd.f32 v11, v4  }
0x2a7: {  	vm4 =	vlt.f32 v10, v2;
	vm3 =	vlt.f32 v9, v2;
	v11 =	vadd.f32 v12, v4  }
0x2a8: {  	v12 =	vadd.f32 v14, v4;
	v14 =	vmul.f32 v6, v3;
	v15 =	vsel vm2, v13, v15  }
0x2a9: {  	v13 =	vadd.f32 v16, v4;
	v16 =	vmul.f32 v8, v3;
	v15 =	vmax.f32 v15, v1  }
0x2aa: {  	s30 =	simm.s32 $0x13DC0;
	vm5 =	vlt.f32 v6, v2;
	v14 =	vadd.f32 v14, v4;
	v18 =	vmin.f32 v15, v0  }
0x2ab: {  	s31 =	simm.s32 $0x40;
	s4 =	simm.s32 $0x7D40;
	vm2 =	vlt.f32 v8, v2;
	v15 =	vadd.f32 v16, v4;
	v16 =	vadd.f32 v17, v4;
	[tilespmem:s30+$0x180] =	vst v18  }
.LBB2_29:
0x2ac: {  	v17 =	vld [tilespmem:s4+$0x180];
	s31 =	sadd.s32 $0x380, s31;
	v11 =	vsel vm0, v5, v11;
	v12 =	vsel vm1, v7, v12;
	v13 =	vsel vm3, v9, v13  }
0x2ad: {  	v6 =	vsel vm5, v6, v14;
	v8 =	vsel vm2, v8, v15;
	v5 =	vld [tilespmem:s4+$0xFFFFFF00];
	p1 =	slt.u32 s31, $0x5EC0;
	v9 =	vsel vm4, v10, v16  }
0x2ae: {  	v11 =	vmax.f32 v11, v1;
	v12 =	vmax.f32 v12, v1;
	v7 =	vld [tilespmem:s4+$0xFFFFFF80];
	v10 =	vmax.f32 v9, v1  }
0x2af: {  	v13 =	vmax.f32 v13, v1;
	v14 =	vmax.f32 v6, v1;
	v15 =	vmax.f32 v8, v1;
	v9 =	vld [tilespmem:s4+$0x0]  }
0x2b0: {  	v11 =	vmin.f32 v11, v0;
	v12 =	vmin.f32 v12, v0;
	v10 =	vmin.f32 v10, v0;
	v6 =	vld [tilespmem:s4+$0x80]  }
0x2b1: {  	v13 =	vmin.f32 v13, v0;
	v14 =	vmin.f32 v14, v0;
	v8 =	vld [tilespmem:s4+$0x100];
	v16 =	vmul.f32 v17, v3;
	[tilespmem:s30+$0xFFFFFE80] =	vst v10  }
0x2b2: {  	v15 =	vmin.f32 v15, v0;
	v10 =	vld [tilespmem:s4+$0xFFFFFE80];
	vm0 =	vlt.f32 v5, v2;
	v18 =	vmul.f32 v5, v3;
	[tilespmem:s30+$0xFFFFFF00] =	vst v11  }
0x2b3: {  	vm1 =	vlt.f32 v7, v2;
	v19 =	vmul.f32 v7, v3;
	v16 =	vadd.f32 v16, v4;
	[tilespmem:s30+$0xFFFFFF80] =	vst v12  }
0x2b4: {  	vm2 =	vlt.f32 v17, v2;
	v11 =	vadd.f32 v18, v4;
	v18 =	vmul.f32 v9, v3;
	[tilespmem:s30+$0x0] =	vst v13  }
.Ltmp13:
0x2b5: {  	v12 =	vadd.f32 v19, v4;
	v19 =	vmul.f32 v6, v3;
	v16 =	vsel vm2, v17, v16;
	[tilespmem:s30+$0x80] =	vst v14;
	(pc) =	sbr.rel @p1 .LBB2_29-.Ltmp13, $4  }
0x2b6: {  	v13 =	vadd.f32 v18, v4;
	v17 =	vmul.f32 v8, v3;
	v16 =	vmax.f32 v16, v1;
	[tilespmem:s30+$0x100] =	vst v15  }
0x2b7: {  	s30 =	sadd.s32 $0x380, s30;
	v18 =	vmul.f32 v10, v3;
	v14 =	vadd.f32 v19, v4;
	v16 =	vmin.f32 v16, v0  }
0x2b8: {  	vm3 =	vlt.f32 v9, v2;
	vm4 =	vlt.f32 v10, v2;
	v15 =	vadd.f32 v17, v4;
	[tilespmem:s30+$0x180] =	vst v16  }
0x2b9: {  	s4 =	sadd.s32 $0x380, s4;
	vm5 =	vlt.f32 v6, v2;
	vm2 =	vlt.f32 v8, v2;
	v16 =	vadd.f32 v18, v4  }
0x2ba: {  	v3 =	vsel vm0, v5, v11  }
0x2bb: {  	v2 =	vsel vm4, v10, v16;
	v3 =	vmax.f32 v3, v1  }
0x2bc: {  	v4 =	vsel vm1, v7, v12;
	v2 =	vmax.f32 v2, v1;
	v3 =	vmin.f32 v3, v0  }
0x2bd: {  	v5 =	vsel vm3, v9, v13;
	v4 =	vmax.f32 v4, v1;
	v2 =	vmin.f32 v2, v0;
	[tilespmem:s30+$0xFFFFFF00] =	vst v3  }
0x2be: {  	v5 =	vmax.f32 v5, v1;
	v4 =	vmin.f32 v4, v0;
	[tilespmem:s30+$0xFFFFFE80] =	vst v2;
	v2 =	vsel vm5, v6, v14  }
0x2bf: {  	v5 =	vmin.f32 v5, v0;
	v3 =	vsel vm2, v8, v15;
	[tilespmem:s30+$0xFFFFFF80] =	vst v4;
	v2 =	vmax.f32 v2, v1  }
0x2c0: {  	[tilespmem:s30+$0x0] =	vst v5;
	v1 =	vmax.f32 v3, v1;
	v2 =	vmin.f32 v2, v0  }
0x2c1: {  	v0 =	vmin.f32 v1, v0;
	[tilespmem:s30+$0x80] =	vst v2  }
0x2c2: {  	[tilespmem:s30+$0x100] =	vst v0  }
0x2c3: {  	v2 =	vld [tilespmem:$0x1510]  }
0x2c4: {  	v3 =	vld [tilespmem:$0x1520]  }
0x2c5: {  	s4 =	simm.s32 $0x79D0;
	v4 =	vld [tilespmem:$0x1530]  }
0x2c6: {  	v13 =	vld [tilespmem:s4+$0x180]  }
0x2c7: {  	v5 =	vld [tilespmem:s4+$0xFFFFFF00]  }
0x2c8: {  	v7 =	vld [tilespmem:s4+$0xFFFFFF80]  }
0x2c9: {  	v9 =	vld [tilespmem:s4+$0x0]  }
0x2ca: {  	v10 =	vld [tilespmem:s4+$0xFFFFFE80]  }
0x2cb: {  	v1 =	vld [tilespmem:$0x1540]  }
0x2cc: {  	v6 =	vld [tilespmem:s4+$0x80]  }
0x2cd: {  	v8 =	vld [tilespmem:s4+$0x100];
	v11 =	vmul.f32 v13, v3;
	vm0 =	vlt.f32 v5, v2;
	v12 =	vmul.f32 v5, v3  }
0x2ce: {  	v0 =	vld [tilespmem:$0x1550];
	vm1 =	vlt.f32 v7, v2;
	v14 =	vmul.f32 v7, v3;
	v16 =	vmul.f32 v9, v3  }
0x2cf: {  	vm2 =	vlt.f32 v13, v2;
	v17 =	vmul.f32 v10, v3;
	v15 =	vadd.f32 v11, v4  }
0x2d0: {  	vm4 =	vlt.f32 v10, v2;
	vm3 =	vlt.f32 v9, v2;
	v11 =	vadd.f32 v12, v4  }
0x2d1: {  	v12 =	vadd.f32 v14, v4;
	v14 =	vmul.f32 v6, v3;
	v15 =	vsel vm2, v13, v15  }
0x2d2: {  	v13 =	vadd.f32 v16, v4;
	v16 =	vmul.f32 v8, v3;
	v15 =	vmax.f32 v15, v1  }
0x2d3: {  	s30 =	simm.s32 $0x13DD0;
	vm5 =	vlt.f32 v6, v2;
	v14 =	vadd.f32 v14, v4;
	v18 =	vmin.f32 v15, v0  }
0x2d4: {  	s31 =	simm.s32 $0x50;
	s4 =	simm.s32 $0x7D50;
	vm2 =	vlt.f32 v8, v2;
	v15 =	vadd.f32 v16, v4;
	v16 =	vadd.f32 v17, v4;
	[tilespmem:s30+$0x180] =	vst v18  }
.LBB2_31:
0x2d5: {  	v17 =	vld [tilespmem:s4+$0x180];
	s31 =	sadd.s32 $0x380, s31;
	v11 =	vsel vm0, v5, v11;
	v12 =	vsel vm1, v7, v12;
	v13 =	vsel vm3, v9, v13  }
0x2d6: {  	v6 =	vsel vm5, v6, v14;
	v8 =	vsel vm2, v8, v15;
	v5 =	vld [tilespmem:s4+$0xFFFFFF00];
	p1 =	slt.u32 s31, $0x5ED0;
	v9 =	vsel vm4, v10, v16  }
0x2d7: {  	v11 =	vmax.f32 v11, v1;
	v12 =	vmax.f32 v12, v1;
	v7 =	vld [tilespmem:s4+$0xFFFFFF80];
	v10 =	vmax.f32 v9, v1  }
0x2d8: {  	v13 =	vmax.f32 v13, v1;
	v14 =	vmax.f32 v6, v1;
	v15 =	vmax.f32 v8, v1;
	v9 =	vld [tilespmem:s4+$0x0]  }
0x2d9: {  	v11 =	vmin.f32 v11, v0;
	v12 =	vmin.f32 v12, v0;
	v10 =	vmin.f32 v10, v0;
	v6 =	vld [tilespmem:s4+$0x80]  }
0x2da: {  	v13 =	vmin.f32 v13, v0;
	v14 =	vmin.f32 v14, v0;
	v8 =	vld [tilespmem:s4+$0x100];
	v16 =	vmul.f32 v17, v3;
	[tilespmem:s30+$0xFFFFFE80] =	vst v10  }
0x2db: {  	v15 =	vmin.f32 v15, v0;
	v10 =	vld [tilespmem:s4+$0xFFFFFE80];
	vm0 =	vlt.f32 v5, v2;
	v18 =	vmul.f32 v5, v3;
	[tilespmem:s30+$0xFFFFFF00] =	vst v11  }
0x2dc: {  	vm1 =	vlt.f32 v7, v2;
	v19 =	vmul.f32 v7, v3;
	v16 =	vadd.f32 v16, v4;
	[tilespmem:s30+$0xFFFFFF80] =	vst v12  }
0x2dd: {  	vm2 =	vlt.f32 v17, v2;
	v11 =	vadd.f32 v18, v4;
	v18 =	vmul.f32 v9, v3;
	[tilespmem:s30+$0x0] =	vst v13  }
.Ltmp14:
0x2de: {  	v12 =	vadd.f32 v19, v4;
	v19 =	vmul.f32 v6, v3;
	v16 =	vsel vm2, v17, v16;
	[tilespmem:s30+$0x80] =	vst v14;
	(pc) =	sbr.rel @p1 .LBB2_31-.Ltmp14, $4  }
0x2df: {  	v13 =	vadd.f32 v18, v4;
	v17 =	vmul.f32 v8, v3;
	v16 =	vmax.f32 v16, v1;
	[tilespmem:s30+$0x100] =	vst v15  }
0x2e0: {  	s30 =	sadd.s32 $0x380, s30;
	v18 =	vmul.f32 v10, v3;
	v14 =	vadd.f32 v19, v4;
	v16 =	vmin.f32 v16, v0  }
0x2e1: {  	vm3 =	vlt.f32 v9, v2;
	vm4 =	vlt.f32 v10, v2;
	v15 =	vadd.f32 v17, v4;
	[tilespmem:s30+$0x180] =	vst v16  }
0x2e2: {  	s4 =	sadd.s32 $0x380, s4;
	vm5 =	vlt.f32 v6, v2;
	vm2 =	vlt.f32 v8, v2;
	v16 =	vadd.f32 v18, v4  }
0x2e3: {  	v3 =	vsel vm0, v5, v11  }
0x2e4: {  	v2 =	vsel vm4, v10, v16;
	v3 =	vmax.f32 v3, v1  }
0x2e5: {  	v4 =	vsel vm1, v7, v12;
	v2 =	vmax.f32 v2, v1;
	v3 =	vmin.f32 v3, v0  }
0x2e6: {  	v5 =	vsel vm3, v9, v13;
	v4 =	vmax.f32 v4, v1;
	v2 =	vmin.f32 v2, v0;
	[tilespmem:s30+$0xFFFFFF00] =	vst v3  }
0x2e7: {  	v5 =	vmax.f32 v5, v1;
	v4 =	vmin.f32 v4, v0;
	[tilespmem:s30+$0xFFFFFE80] =	vst v2;
	v2 =	vsel vm5, v6, v14  }
0x2e8: {  	v5 =	vmin.f32 v5, v0;
	v3 =	vsel vm2, v8, v15;
	[tilespmem:s30+$0xFFFFFF80] =	vst v4;
	v2 =	vmax.f32 v2, v1  }
0x2e9: {  	[tilespmem:s30+$0x0] =	vst v5;
	v1 =	vmax.f32 v3, v1;
	v2 =	vmin.f32 v2, v0  }
0x2ea: {  	v0 =	vmin.f32 v1, v0;
	[tilespmem:s30+$0x80] =	vst v2  }
0x2eb: {  	[tilespmem:s30+$0x100] =	vst v0  }
0x2ec: {  	v2 =	vld [tilespmem:$0x1560]  }
0x2ed: {  	v3 =	vld [tilespmem:$0x1570]  }
0x2ee: {  	s4 =	simm.s32 $0x79E0;
	v4 =	vld [tilespmem:$0x1580]  }
0x2ef: {  	v13 =	vld [tilespmem:s4+$0x180]  }
0x2f0: {  	v5 =	vld [tilespmem:s4+$0xFFFFFF00]  }
0x2f1: {  	v7 =	vld [tilespmem:s4+$0xFFFFFF80]  }
0x2f2: {  	v9 =	vld [tilespmem:s4+$0x0]  }
0x2f3: {  	v10 =	vld [tilespmem:s4+$0xFFFFFE80]  }
0x2f4: {  	v1 =	vld [tilespmem:$0x1590]  }
0x2f5: {  	v6 =	vld [tilespmem:s4+$0x80]  }
0x2f6: {  	v8 =	vld [tilespmem:s4+$0x100];
	v11 =	vmul.f32 v13, v3;
	vm0 =	vlt.f32 v5, v2;
	v12 =	vmul.f32 v5, v3  }
0x2f7: {  	v0 =	vld [tilespmem:$0x15A0];
	vm1 =	vlt.f32 v7, v2;
	v14 =	vmul.f32 v7, v3;
	v16 =	vmul.f32 v9, v3  }
0x2f8: {  	vm2 =	vlt.f32 v13, v2;
	v17 =	vmul.f32 v10, v3;
	v15 =	vadd.f32 v11, v4  }
0x2f9: {  	vm4 =	vlt.f32 v10, v2;
	vm3 =	vlt.f32 v9, v2;
	v11 =	vadd.f32 v12, v4  }
0x2fa: {  	v12 =	vadd.f32 v14, v4;
	v14 =	vmul.f32 v6, v3;
	v15 =	vsel vm2, v13, v15  }
0x2fb: {  	v13 =	vadd.f32 v16, v4;
	v16 =	vmul.f32 v8, v3;
	v15 =	vmax.f32 v15, v1  }
0x2fc: {  	s30 =	simm.s32 $0x13DE0;
	vm5 =	vlt.f32 v6, v2;
	v14 =	vadd.f32 v14, v4;
	v18 =	vmin.f32 v15, v0  }
0x2fd: {  	s31 =	simm.s32 $0x60;
	s4 =	simm.s32 $0x7D60;
	vm2 =	vlt.f32 v8, v2;
	v15 =	vadd.f32 v16, v4;
	v16 =	vadd.f32 v17, v4;
	[tilespmem:s30+$0x180] =	vst v18  }
.LBB2_33:
0x2fe: {  	v17 =	vld [tilespmem:s4+$0x180];
	s31 =	sadd.s32 $0x380, s31;
	v11 =	vsel vm0, v5, v11;
	v12 =	vsel vm1, v7, v12;
	v13 =	vsel vm3, v9, v13  }
0x2ff: {  	v6 =	vsel vm5, v6, v14;
	v8 =	vsel vm2, v8, v15;
	v5 =	vld [tilespmem:s4+$0xFFFFFF00];
	p1 =	slt.u32 s31, $0x5EE0;
	v9 =	vsel vm4, v10, v16  }
0x300: {  	v11 =	vmax.f32 v11, v1;
	v12 =	vmax.f32 v12, v1;
	v7 =	vld [tilespmem:s4+$0xFFFFFF80];
	v10 =	vmax.f32 v9, v1  }
0x301: {  	v13 =	vmax.f32 v13, v1;
	v14 =	vmax.f32 v6, v1;
	v15 =	vmax.f32 v8, v1;
	v9 =	vld [tilespmem:s4+$0x0]  }
0x302: {  	v11 =	vmin.f32 v11, v0;
	v12 =	vmin.f32 v12, v0;
	v10 =	vmin.f32 v10, v0;
	v6 =	vld [tilespmem:s4+$0x80]  }
0x303: {  	v13 =	vmin.f32 v13, v0;
	v14 =	vmin.f32 v14, v0;
	v8 =	vld [tilespmem:s4+$0x100];
	v16 =	vmul.f32 v17, v3;
	[tilespmem:s30+$0xFFFFFE80] =	vst v10  }
0x304: {  	v15 =	vmin.f32 v15, v0;
	v10 =	vld [tilespmem:s4+$0xFFFFFE80];
	vm0 =	vlt.f32 v5, v2;
	v18 =	vmul.f32 v5, v3;
	[tilespmem:s30+$0xFFFFFF00] =	vst v11  }
0x305: {  	vm1 =	vlt.f32 v7, v2;
	v19 =	vmul.f32 v7, v3;
	v16 =	vadd.f32 v16, v4;
	[tilespmem:s30+$0xFFFFFF80] =	vst v12  }
0x306: {  	vm2 =	vlt.f32 v17, v2;
	v11 =	vadd.f32 v18, v4;
	v18 =	vmul.f32 v9, v3;
	[tilespmem:s30+$0x0] =	vst v13  }
.Ltmp15:
0x307: {  	v12 =	vadd.f32 v19, v4;
	v19 =	vmul.f32 v6, v3;
	v16 =	vsel vm2, v17, v16;
	[tilespmem:s30+$0x80] =	vst v14;
	(pc) =	sbr.rel @p1 .LBB2_33-.Ltmp15, $4  }
0x308: {  	v13 =	vadd.f32 v18, v4;
	v17 =	vmul.f32 v8, v3;
	v16 =	vmax.f32 v16, v1;
	[tilespmem:s30+$0x100] =	vst v15  }
0x309: {  	s30 =	sadd.s32 $0x380, s30;
	v18 =	vmul.f32 v10, v3;
	v14 =	vadd.f32 v19, v4;
	v16 =	vmin.f32 v16, v0  }
0x30a: {  	vm3 =	vlt.f32 v9, v2;
	vm4 =	vlt.f32 v10, v2;
	v15 =	vadd.f32 v17, v4;
	[tilespmem:s30+$0x180] =	vst v16  }
0x30b: {  	s4 =	sadd.s32 $0x380, s4;
	vm5 =	vlt.f32 v6, v2;
	vm2 =	vlt.f32 v8, v2;
	v16 =	vadd.f32 v18, v4  }
0x30c: {  	v3 =	vsel vm0, v5, v11  }
0x30d: {  	v2 =	vsel vm4, v10, v16;
	v3 =	vmax.f32 v3, v1  }
0x30e: {  	v4 =	vsel vm1, v7, v12;
	v2 =	vmax.f32 v2, v1;
	v3 =	vmin.f32 v3, v0  }
0x30f: {  	v5 =	vsel vm3, v9, v13;
	v4 =	vmax.f32 v4, v1;
	v2 =	vmin.f32 v2, v0;
	[tilespmem:s30+$0xFFFFFF00] =	vst v3  }
0x310: {  	v5 =	vmax.f32 v5, v1;
	v4 =	vmin.f32 v4, v0;
	[tilespmem:s30+$0xFFFFFE80] =	vst v2;
	v2 =	vsel vm5, v6, v14  }
0x311: {  	v5 =	vmin.f32 v5, v0;
	v3 =	vsel vm2, v8, v15;
	[tilespmem:s30+$0xFFFFFF80] =	vst v4;
	v2 =	vmax.f32 v2, v1  }
0x312: {  	[tilespmem:s30+$0x0] =	vst v5;
	v1 =	vmax.f32 v3, v1;
	v2 =	vmin.f32 v2, v0  }
0x313: {  	v0 =	vmin.f32 v1, v0;
	[tilespmem:s30+$0x80] =	vst v2  }
0x314: {  	[tilespmem:s30+$0x100] =	vst v0  }
0x315: {  	v2 =	vld [tilespmem:$0x15B0]  }
0x316: {  	v3 =	vld [tilespmem:$0x15C0]  }
0x317: {  	s4 =	simm.s32 $0x79F0;
	v4 =	vld [tilespmem:$0x15D0]  }
0x318: {  	v13 =	vld [tilespmem:s4+$0x180]  }
0x319: {  	v5 =	vld [tilespmem:s4+$0xFFFFFF00]  }
0x31a: {  	v7 =	vld [tilespmem:s4+$0xFFFFFF80]  }
0x31b: {  	v9 =	vld [tilespmem:s4+$0x0]  }
0x31c: {  	v10 =	vld [tilespmem:s4+$0xFFFFFE80]  }
0x31d: {  	v1 =	vld [tilespmem:$0x15E0]  }
0x31e: {  	v6 =	vld [tilespmem:s4+$0x80]  }
0x31f: {  	v8 =	vld [tilespmem:s4+$0x100];
	v11 =	vmul.f32 v13, v3;
	vm0 =	vlt.f32 v5, v2;
	v12 =	vmul.f32 v5, v3  }
0x320: {  	v0 =	vld [tilespmem:$0x15F0];
	vm1 =	vlt.f32 v7, v2;
	v14 =	vmul.f32 v7, v3;
	v16 =	vmul.f32 v9, v3  }
0x321: {  	vm2 =	vlt.f32 v13, v2;
	v17 =	vmul.f32 v10, v3;
	v15 =	vadd.f32 v11, v4  }
0x322: {  	vm4 =	vlt.f32 v10, v2;
	vm3 =	vlt.f32 v9, v2;
	v11 =	vadd.f32 v12, v4  }
0x323: {  	v12 =	vadd.f32 v14, v4;
	v14 =	vmul.f32 v6, v3;
	v15 =	vsel vm2, v13, v15  }
0x324: {  	v13 =	vadd.f32 v16, v4;
	v16 =	vmul.f32 v8, v3;
	v15 =	vmax.f32 v15, v1  }
0x325: {  	s30 =	simm.s32 $0x13DF0;
	vm5 =	vlt.f32 v6, v2;
	v14 =	vadd.f32 v14, v4;
	v18 =	vmin.f32 v15, v0  }
0x326: {  	s31 =	simm.s32 $0x70;
	s4 =	simm.s32 $0x7D70;
	vm2 =	vlt.f32 v8, v2;
	v15 =	vadd.f32 v16, v4;
	v16 =	vadd.f32 v17, v4;
	[tilespmem:s30+$0x180] =	vst v18  }
.LBB2_35:
0x327: {  	v17 =	vld [tilespmem:s4+$0x180];
	s31 =	sadd.s32 $0x380, s31;
	v11 =	vsel vm0, v5, v11;
	v12 =	vsel vm1, v7, v12;
	v13 =	vsel vm3, v9, v13  }
0x328: {  	v6 =	vsel vm5, v6, v14;
	v8 =	vsel vm2, v8, v15;
	v5 =	vld [tilespmem:s4+$0xFFFFFF00];
	p1 =	slt.u32 s31, $0x5EF0;
	v9 =	vsel vm4, v10, v16  }
0x329: {  	v11 =	vmax.f32 v11, v1;
	v12 =	vmax.f32 v12, v1;
	v7 =	vld [tilespmem:s4+$0xFFFFFF80];
	v10 =	vmax.f32 v9, v1  }
0x32a: {  	v13 =	vmax.f32 v13, v1;
	v14 =	vmax.f32 v6, v1;
	v15 =	vmax.f32 v8, v1;
	v9 =	vld [tilespmem:s4+$0x0]  }
0x32b: {  	v11 =	vmin.f32 v11, v0;
	v12 =	vmin.f32 v12, v0;
	v10 =	vmin.f32 v10, v0;
	v6 =	vld [tilespmem:s4+$0x80]  }
0x32c: {  	v13 =	vmin.f32 v13, v0;
	v14 =	vmin.f32 v14, v0;
	v8 =	vld [tilespmem:s4+$0x100];
	v16 =	vmul.f32 v17, v3;
	[tilespmem:s30+$0xFFFFFE80] =	vst v10  }
0x32d: {  	v15 =	vmin.f32 v15, v0;
	v10 =	vld [tilespmem:s4+$0xFFFFFE80];
	vm0 =	vlt.f32 v5, v2;
	v18 =	vmul.f32 v5, v3;
	[tilespmem:s30+$0xFFFFFF00] =	vst v11  }
0x32e: {  	vm1 =	vlt.f32 v7, v2;
	v19 =	vmul.f32 v7, v3;
	v16 =	vadd.f32 v16, v4;
	[tilespmem:s30+$0xFFFFFF80] =	vst v12  }
0x32f: {  	vm2 =	vlt.f32 v17, v2;
	v11 =	vadd.f32 v18, v4;
	v18 =	vmul.f32 v9, v3;
	[tilespmem:s30+$0x0] =	vst v13  }
.Ltmp16:
0x330: {  	v12 =	vadd.f32 v19, v4;
	v19 =	vmul.f32 v6, v3;
	v16 =	vsel vm2, v17, v16;
	[tilespmem:s30+$0x80] =	vst v14;
	(pc) =	sbr.rel @p1 .LBB2_35-.Ltmp16, $4  }
0x331: {  	v13 =	vadd.f32 v18, v4;
	v17 =	vmul.f32 v8, v3;
	v16 =	vmax.f32 v16, v1;
	[tilespmem:s30+$0x100] =	vst v15  }
0x332: {  	s30 =	sadd.s32 $0x380, s30;
	v18 =	vmul.f32 v10, v3;
	v14 =	vadd.f32 v19, v4;
	v16 =	vmin.f32 v16, v0  }
0x333: {  	vm3 =	vlt.f32 v9, v2;
	vm4 =	vlt.f32 v10, v2;
	v15 =	vadd.f32 v17, v4;
	[tilespmem:s30+$0x180] =	vst v16  }
0x334: {  	s4 =	sadd.s32 $0x380, s4;
	vm5 =	vlt.f32 v6, v2;
	vm2 =	vlt.f32 v8, v2;
	v16 =	vadd.f32 v18, v4  }
0x335: {  	v3 =	vsel vm0, v5, v11  }
0x336: {  	v4 =	vsel vm1, v7, v12;
	v3 =	vmax.f32 v3, v1  }
0x337: {  	v59 =	vsel vm3, v9, v13;
	v4 =	vmax.f32 v4, v1;
	v3 =	vmin.f32 v3, v0  }
0x338: {  	v2 =	vsel vm4, v10, v16;
	v5 =	vmax.f32 v59, v1;
	v4 =	vmin.f32 v4, v0;
	[tilespmem:s30+$0xFFFFFF00] =	vst v3  }
0x339: {  	v61 =	vsel vm2, v8, v15;
	v2 =	vmax.f32 v2, v1;
	v5 =	vmin.f32 v5, v0;
	[tilespmem:s30+$0xFFFFFF80] =	vst v4  }
0x33a: {  	v60 =	vsel vm5, v6, v14;
	v62 =	vmax.f32 v61, v1;
	v2 =	vmin.f32 v2, v0;
	[tilespmem:s30+$0x0] =	vst v5  }
0x33b: {  	s4 =	sadd.s32 @!p0 s29, s13;
	v63 =	vmin.f32 v62, v0;
	[tilespmem:s30+$0xFFFFFE80] =	vst v2;
	v2 =	vmax.f32 v60, v1  }
0x33c: {  	s31 =	simm.s32 @!p0 $0x7800;
	s4 =	sshrl.u32 @!p0 s4, $0x3;
	[tilespmem:s30+$0x100] =	vst v63;
	v2 =	vmin.f32 v2, v0  }
0x33d: {  	s28 =	sadd.s32 $0x1, s28;
	s4 =	sadd.s32 @!p0 s5, s4;
	[tilespmem:s30+$0x80] =	vst v2;
	s30 =	simm.s32 @!p0 $0x0  }
0x33e: {  	[tilespmem:s31], [sflag:$0x2] =	stream.linear.gather @!p0 [hbm4b:s4+s30], $0x6200, $0x38;
	[tilespmem:$0x19E00] =	vst v63  }
0x33f: {  	p0 =	sne.s32 s28, $0xC  }
.Ltmp17:
0x340: {  	_ = 	snop;
	(pc) =	sbr.rel @p0 .LBB2_4-.Ltmp17, $4  }
0x341: {  	s31 =	sadd.s32 s29, s9  }
0x342: {  	s4 =	sshrl.u32 s31, $0x3  }
0x343: {  	s4 =	sadd.s32 s6, s4  }
0x344: {  	[hbm4b:s4+s7] =	stream.linear.scatter [tilespmem:s23], [sflag:$0x4], $0x6200, $0x38;
	[tilespmem:$0x19E00] =	vst v63  }
0x345: {  	s26 =	sadd.s32 $0x1, s26  }
0x346: {  	_ =	swait.ge [sflag:s24], $0x6200;
	p0 =	sne.s32 s26, s14  }
.Ltmp18:
0x347: {  	[sflag:s24] =	ssyncset.done $0x0;
	(pc) =	sbr.rel @p0 .LBB2_1-.Ltmp18, $4  }
0x348: {  	[sflag:s24] =	ssyncadd.s32 $0xFFFF9E00  }
0x349: {  	_ =	swait.ge [sflag:s25], $0x6200  }
0x34a: {  	[sflag:s25] =	ssyncset.done $0x0  }
0x34b: {  	[sflag:s25] =	ssyncadd.s32 $0xFFFF9E00  }
0x34c: {  	_ =	sfence.sel $0x180000  }
0x34d: {  	[bflag:$0x0] =	sbarrier.arrive $0xFFFF  }
0x34e: {  	_ =	strace $0x90000047  }
0x34f: {  	[bflag:$0x2] =	sbarrier.arrive $0xFFFF  }
0x350: {  	p0 =	sne.s32 s0, $0x0;
	s0 =	rddreg [dreg:$0x5]  }
0x351: {  	s0 =	sadd.s32 @!p0 $0x100000, s0  }
0x352: {  	[sflag:s0] =	ssyncadd.tile.s32 @!p0 $0x1;
	_ =	shalt  }
.Lfunc_end2:
_tile_overlayer_lowered:
.L_overlay_start_2:
0x353: {  	(tag) =	ssettag $0x2  }
0x354: {  	s0 =	rddreg [dreg:$0x0];
	s2 =	stileid.u32  }
0x355: {  	s1 =	rddreg [dreg:$0x1];
	p0 =	sne.s32 s2, $0x0  }
0x356: {  	s3 =	rddreg [dreg:$0x2];
	[bflag:$0x3] =	sbarrier.arrive $0xFFFF;
	s2 =	simm.s32 @!p0 $0x1C05  }
0x357: {  	[timem:s3], [sflag:s2] =	dma.local @!p0 [hbm:s0], s1  }
0x358: {  	s0 =	simm.s32 @!p0 $0x5  }
0x359: {  	_ =	swait.ge @!p0 [sflag:s0], s1  }
0x35a: {  	s1 =	ssub.s32 @!p0 $0x0, s1;
	[sflag:s0] =	ssyncset.done @!p0 $0x0  }
0x35b: {  	[sflag:s0] =	ssyncadd.s32 @!p0 s1  }
0x35c: {  	[bflag:$0x3] =	sbarrier.arrive $0xFFFF  }
0x35d: {  	_ =	shalt  }

</sc_bundles>
